<compile_context>
chip_gen: v7x
topology: tpu7x:2x2x1
jax: 0.10.2.dev20260603
libtpu: 0.0.44.dev20260713+nightly
codegen_flags: <defaults>
</compile_context>

<pallas_src>
import jax
import jax.numpy as jnp
from jax import lax
from jax.experimental import pallas as pl
from jax.experimental.pallas import tpu as pltpu
from jax.experimental.pallas import tpu_sc as plsc

N_ATOMS = 1048576
N_SEG = 8192
NC = 2
NS = 16
NW = NC * NS
APW = N_ATOMS // NW
CHUNK = 8192
N_CHUNKS = APW // CHUNK
BLOCKS = CHUNK // 128
SEG_PER_W = N_SEG // NW


def _vgather(x, i):
    return lax.gather(
        x, i[:, None],
        lax.GatherDimensionNumbers(
            offset_dims=(), collapsed_slice_dims=(0,), start_index_map=(0,)),
        slice_sizes=(1,),
        mode=lax.GatherScatterMode.PROMISE_IN_BOUNDS)


def _stage1_body(q_hbm, idx_hbm, wb_hbm, part_hbm,
                 q_v, idx_v, acc_v, acc2_v, wb_v, sem0, sem1):
    wid = lax.axis_index("s") * NC + lax.axis_index("c")
    base_atom = wid * APW
    sems = (sem0, sem1)

    def start(ci):
        a0 = base_atom + ci * CHUNK
        p = ci % 2
        sem = sems[p]
        return (
            pltpu.async_copy(q_hbm.at[pl.ds(a0 * 3, CHUNK * 3)],
                             q_v.at[pl.ds(p * CHUNK * 3, CHUNK * 3)], sem),
            pltpu.async_copy(idx_hbm.at[pl.ds(a0, CHUNK)],
                             idx_v.at[pl.ds(p * CHUNK, CHUNK)], sem),
        )

    pending = start(0)
    pltpu.sync_copy(wb_hbm, wb_v)
    wvec = wb_v[pl.ds(0, 16)]
    w0 = jnp.full((16,), wvec[0], jnp.float32)
    w1 = jnp.full((16,), wvec[1], jnp.float32)
    w2 = jnp.full((16,), wvec[2], jnp.float32)
    bb = jnp.full((16,), wvec[3], jnp.float32)
    zerosf = jnp.zeros((16,), jnp.float32)
    iota = lax.iota(jnp.int32, 16)
    nxt = jnp.minimum(iota + 1, 15)
    last_lane = iota == 15
    not_last = iota != 15

    def zbody(j, carry):
        base = j * 128
        for u in range(8):
            acc_v[pl.ds(base + u * 16, 16)] = zerosf
            acc2_v[pl.ds(base + u * 16, 16)] = zerosf
        return carry

    lax.fori_loop(0, N_SEG // 128, zbody, 0)

    for ci in range(N_CHUNKS):
        for c in pending:
            c.wait()
        if ci + 1 < N_CHUNKS:
            pending = start(ci + 1)
        p = ci % 2

        def blk_body(r, inner, p=p):
            qb = p * CHUNK * 3 + r * 384
            ib = p * CHUNK + r * 128
            offs = [u * 16 for u in range(8)]
            xs = [q_v[pl.ds(qb + o, 16)] for o in offs]
            ys = [q_v[pl.ds(qb + 128 + o, 16)] for o in offs]
            zs = [q_v[pl.ds(qb + 256 + o, 16)] for o in offs]
            ivs = [idx_v[pl.ds(ib + o, 16)] for o in offs]
            es = [(xs[u] * w0 + ys[u] * w1) + (zs[u] * w2 + bb)
                  for u in range(8)]
            ss = [plsc.cumsum(es[u]) for u in range(8)]
            nxs = [_vgather(ivs[u], nxt) for u in range(8)]
            for u in range(8):
                tgt = acc_v if u % 2 == 0 else acc2_v
                nb = (ivs[u] != nxs[u]) | last_lane
                plsc.addupdate_scatter(tgt, [ivs[u]], ss[u], mask=nb)
                plsc.addupdate_scatter(acc2_v if u % 2 == 0 else acc_v,
                                       [nxs[u]], -ss[u],
                                       mask=nb & not_last)
            return inner

        lax.fori_loop(0, BLOCKS, blk_body, 0)

    def mbody(j, carry):
        base = j * 128
        for u in range(8):
            o = base + u * 16
            acc_v[pl.ds(o, 16)] = acc_v[pl.ds(o, 16)] + acc2_v[pl.ds(o, 16)]
        return carry

    lax.fori_loop(0, N_SEG // 128, mbody, 0)
    pltpu.sync_copy(acc_v, part_hbm.at[wid])


def _stage2_body(part_hbm, out_hbm, buf_v, out_v):
    wid = lax.axis_index("s") * NC + lax.axis_index("c")
    s0 = wid * SEG_PER_W
    pltpu.sync_copy(part_hbm.at[:, pl.ds(s0, SEG_PER_W)], buf_v)
    n_j = SEG_PER_W // 16

    def wbody(w, accs):
        return tuple(accs[j] + buf_v[w, pl.ds(j * 16, 16)] for j in range(n_j))

    accs = lax.fori_loop(0, NW, wbody,
                         tuple(jnp.zeros((16,), jnp.float32) for _ in range(n_j)))
    for j in range(n_j):
        out_v[pl.ds(j * 16, 16)] = accs[j]
    pltpu.sync_copy(out_v, out_hbm.at[pl.ds(s0, SEG_PER_W)])


_MESH = plsc.VectorSubcoreMesh(core_axis_name="c", subcore_axis_name="s")
_PARAMS = pltpu.CompilerParams(needs_layout_passes=False)

_stage1 = pl.kernel(
    _stage1_body,
    out_type=jax.ShapeDtypeStruct((NW, N_SEG), jnp.float32),
    mesh=_MESH,
    compiler_params=_PARAMS,
    scratch_types=[
        pltpu.VMEM((2 * CHUNK * 3,), jnp.float32),
        pltpu.VMEM((2 * CHUNK,), jnp.int32),
        pltpu.VMEM((N_SEG,), jnp.float32),
        pltpu.VMEM((N_SEG,), jnp.float32),
        pltpu.VMEM((16,), jnp.float32),
        pltpu.SemaphoreType.DMA,
        pltpu.SemaphoreType.DMA,
    ],
)

_stage2 = pl.kernel(
    _stage2_body,
    out_type=jax.ShapeDtypeStruct((N_SEG,), jnp.float32),
    mesh=_MESH,
    compiler_params=_PARAMS,
    scratch_types=[
        pltpu.VMEM((NW, SEG_PER_W), jnp.float32),
        pltpu.VMEM((SEG_PER_W,), jnp.float32),
    ],
)


def kernel(positions, W, b, batch_idx):
    wb = jnp.concatenate([W.reshape(3), b.reshape(1),
                          jnp.zeros((12,), jnp.float32)])
    idx = batch_idx.astype(jnp.int32)
    q = (positions.T.reshape(3, N_ATOMS // 128, 128)
         .transpose(1, 0, 2).reshape(N_ATOMS * 3))
    part = _stage1(q, idx, wb)
    energies = _stage2(part)
    return energies.reshape(N_SEG, 1)

# --- scband reference (transcript-rebuilt; emitter-appended) ---
"""Pipeline reference for scband-simple-mlp-10325101380057 (READ-ONLY COPY).

The authoritative reference and input builder live on the scoring server;
editing this copy changes nothing except your own understanding.
"""

import jax, jax.numpy as jnp
import numpy as np

N_ATOMS = 1048576
N_GRAPHS = 8192


def setup_inputs(seed: int = 0) -> dict:
    key = jax.random.key(seed)
    k1, k2, k3, k4 = jax.random.split(key, 4)
    positions = jax.random.normal(k1, (N_ATOMS, 3), dtype=jnp.float32)
    batch_idx = jnp.sort(jax.random.randint(k2, (N_ATOMS,), 0, N_GRAPHS, dtype=jnp.int64))
    # nn.Linear(3, 1) parameters: weight [1, 3], bias [1]
    bound = 1.0 / np.sqrt(3.0)
    W = jax.random.uniform(k3, (1, 3), dtype=jnp.float32, minval=-bound, maxval=bound)
    b = jax.random.uniform(k4, (1,), dtype=jnp.float32, minval=-bound, maxval=bound)
    return {"positions": positions, "W": W, "b": b, "batch_idx": batch_idx}


def reference(positions, W, b, batch_idx):
    # node_energy = Linear(positions): [N, 1]
    node_energy = positions @ W.T + b
    # scatter_add_ over graph index == segment sum into [n_graphs, 1]
    energies = jax.ops.segment_sum(node_energy, batch_idx, num_segments=N_GRAPHS)
    return energies

if __name__ == "__main__":
    import jax
    _d = setup_inputs()
    print(jax.jit(kernel)(*tuple(_d.values())))

</pallas_src>

<mosaic_0001>
#map = affine_map<(d0, d1) -> (0)>
#map1 = affine_map<(d0, d1) -> (0, 0)>
module attributes {stable_mosaic.version = 14 : i64} {
  func.func @_stage1_body(%arg0: i32, %arg1: i32, %arg2: memref<3145728xf32, #tpu.memory_space<hbm>>, %arg3: memref<1048576xi32, #tpu.memory_space<hbm>>, %arg4: memref<16xf32, #tpu.memory_space<hbm>>, %arg5: memref<32x8192xf32, #tpu.memory_space<hbm>>, %arg6: memref<49152xf32, #tpu.memory_space<vmem>>, %arg7: memref<16384xi32, #tpu.memory_space<vmem>>, %arg8: memref<8192xf32, #tpu.memory_space<vmem>>, %arg9: memref<8192xf32, #tpu.memory_space<vmem>>, %arg10: memref<16xf32, #tpu.memory_space<vmem>>, %arg11: memref<!tpu.dma_semaphore, #tpu.memory_space<semaphore_mem>>, %arg12: memref<!tpu.dma_semaphore, #tpu.memory_space<semaphore_mem>>) attributes {dimension_semantics = [#tpu.dimension_semantics<core_parallel>, #tpu.dimension_semantics<subcore_parallel>], iteration_bounds = array<i64: 2, 16>, scalar_prefetch = 0 : i64, scratch_operands = 7 : i64, tpu.core_type = #tpu.core_type<sc_vector_subcore>, window_params = [{transform_indices = #map}, {transform_indices = #map}, {transform_indices = #map}, {transform_indices = #map1}]} {
    %mul3A = arith.constant 2 : i32
    %mul3A_0 = arith.muli %arg1, %mul3A : i32
    %add3A = arith.addi %mul3A_0, %arg0 : i32
    %mul3A_1 = arith.constant 32768 : i32
    %mul3A_2 = arith.muli %add3A, %mul3A_1 : i32
    %add3A_3 = arith.constant 0 : i32
    %add3A_4 = arith.addi %mul3A_2, %add3A_3 : i32
    %mul3A_5 = arith.constant 3 : i32
    %mul3A_6 = arith.muli %add3A_4, %mul3A_5 : i32
    %dma_start3A = arith.constant 0 : i32
    %dma_start3A_7 = tpu.memref_slice %arg6[%dma_start3A] : memref<49152xf32, #tpu.memory_space<vmem>> -> memref<24576xf32, #tpu.memory_space<vmem>>
    %dma_start3A_8 = tpu.memref_slice %arg2[%mul3A_6] : memref<3145728xf32, #tpu.memory_space<hbm>> -> memref<24576xf32, #tpu.memory_space<hbm>>
    %dma_start3A_9 = arith.constant 0 : i32
    %dma_start3A_10 = tpu.memref_slice %arg6[%dma_start3A_9] : memref<49152xf32, #tpu.memory_space<vmem>> -> memref<24576xf32, #tpu.memory_space<vmem>>
    %dma_start3A_11 = tpu.memref_slice %arg2[%mul3A_6] : memref<3145728xf32, #tpu.memory_space<hbm>> -> memref<24576xf32, #tpu.memory_space<hbm>>
    tpu.enqueue_dma source(%dma_start3A_11 : memref<24576xf32, #tpu.memory_space<hbm>>) target(%dma_start3A_10 : memref<24576xf32, #tpu.memory_space<vmem>>) target_semaphore(%arg11 : memref<!tpu.dma_semaphore, #tpu.memory_space<semaphore_mem>>)
    %dma_start3A_12 = arith.constant 0 : i32
    %dma_start3A_13 = tpu.memref_slice %arg7[%dma_start3A_12] : memref<16384xi32, #tpu.memory_space<vmem>> -> memref<8192xi32, #tpu.memory_space<vmem>>
    %dma_start3A_14 = tpu.memref_slice %arg3[%add3A_4] : memref<1048576xi32, #tpu.memory_space<hbm>> -> memref<8192xi32, #tpu.memory_space<hbm>>
    %dma_start3A_15 = arith.constant 0 : i32
    %dma_start3A_16 = tpu.memref_slice %arg7[%dma_start3A_15] : memref<16384xi32, #tpu.memory_space<vmem>> -> memref<8192xi32, #tpu.memory_space<vmem>>
    %dma_start3A_17 = tpu.memref_slice %arg3[%add3A_4] : memref<1048576xi32, #tpu.memory_space<hbm>> -> memref<8192xi32, #tpu.memory_space<hbm>>
    tpu.enqueue_dma source(%dma_start3A_17 : memref<8192xi32, #tpu.memory_space<hbm>>) target(%dma_start3A_16 : memref<8192xi32, #tpu.memory_space<vmem>>) target_semaphore(%arg11 : memref<!tpu.dma_semaphore, #tpu.memory_space<semaphore_mem>>)
    "tpu.region"() ({
      %run_scoped3A = tpu.sem_alloc : memref<!tpu.dma_semaphore, #tpu.memory_space<semaphore_mem>>
      tpu.enqueue_dma source(%arg4 : memref<16xf32, #tpu.memory_space<hbm>>) target(%arg10 : memref<16xf32, #tpu.memory_space<vmem>>) target_semaphore(%run_scoped3A : memref<!tpu.dma_semaphore, #tpu.memory_space<semaphore_mem>>)
      tpu.wait_dma2 semaphore(%run_scoped3A : memref<!tpu.dma_semaphore, #tpu.memory_space<semaphore_mem>>) src(%arg4 : memref<16xf32, #tpu.memory_space<hbm>>) dst(%arg10 : memref<16xf32, #tpu.memory_space<vmem>>)
      tpu.yield
    }) : () -> ()
    %get3A = arith.constant 0 : index
    %get3A_18 = tpu.vector_load %arg10[%get3A] {strides = array<i32>} : memref<16xf32, #tpu.memory_space<vmem>>, vector<16xf32>,
    %slice3A = vector.extract_strided_slice %get3A_18 {offsets = [0], sizes = [1], strides = [1]} : vector<16xf32> to vector<1xf32>
    %squeeze3A = vector.extract %slice3A[0] : f32 from vector<1xf32>
    %broadcast_in_dim3A = vector.broadcast %squeeze3A : f32 to vector<16xf32>
    %slice3A_19 = vector.extract_strided_slice %get3A_18 {offsets = [1], sizes = [1], strides = [1]} : vector<16xf32> to vector<1xf32>
    %squeeze3A_20 = vector.extract %slice3A_19[0] : f32 from vector<1xf32>
    %broadcast_in_dim3A_21 = vector.broadcast %squeeze3A_20 : f32 to vector<16xf32>
    %slice3A_22 = vector.extract_strided_slice %get3A_18 {offsets = [2], sizes = [1], strides = [1]} : vector<16xf32> to vector<1xf32>
    %squeeze3A_23 = vector.extract %slice3A_22[0] : f32 from vector<1xf32>
    %broadcast_in_dim3A_24 = vector.broadcast %squeeze3A_23 : f32 to vector<16xf32>
    %slice3A_25 = vector.extract_strided_slice %get3A_18 {offsets = [3], sizes = [1], strides = [1]} : vector<16xf32> to vector<1xf32>
    %squeeze3A_26 = vector.extract %slice3A_25[0] : f32 from vector<1xf32>
    %broadcast_in_dim3A_27 = vector.broadcast %squeeze3A_26 : f32 to vector<16xf32>
    %broadcast_in_dim3A_28 = arith.constant 0.000000e+00 : f32
    %broadcast_in_dim3A_29 = vector.broadcast %broadcast_in_dim3A_28 : f32 to vector<16xf32>
    %iota3A = tpu.iota {dimensions = array<i32: 0>} : vector<16xi32>
    %add3A_30 = arith.constant 1 : i32
    %add3A_31 = vector.broadcast %add3A_30 : i32 to vector<16xi32>
    %add3A_32 = arith.addi %iota3A, %add3A_31 : vector<16xi32>
    %min3A = arith.constant 15 : i32
    %min3A_33 = vector.broadcast %min3A : i32 to vector<16xi32>
    %min3A_34 = arith.minsi %add3A_32, %min3A_33 : vector<16xi32>
    %eq3A = arith.constant 15 : i32
    %eq3A_35 = vector.broadcast %eq3A : i32 to vector<16xi32>
    %eq3A_36 = arith.cmpi eq, %iota3A, %eq3A_35 : vector<16xi32>
    %ne3A = arith.constant 15 : i32
    %ne3A_37 = vector.broadcast %ne3A : i32 to vector<16xi32>
    %ne3A_38 = arith.cmpi ne, %iota3A, %ne3A_37 : vector<16xi32>
    %scan3A = arith.constant 0 : i32
    %scan3A_39 = arith.constant 0 : i32
    %scan3A_40 = arith.constant 64 : i32
    %scan3A_41 = arith.addi %scan3A_39, %scan3A_40 : i32
    %scan3A_42 = arith.constant 1 : i32
    scf.for %scan3A_169 = %scan3A_39 to %scan3A_41 step %scan3A_42  : i32 {
      %mul3A_170 = arith.constant 128 : i32
      %mul3A_171 = arith.muli %scan3A_169, %mul3A_170 : i32
      %add3A_172 = arith.constant 0 : i32
      %add3A_173 = arith.addi %mul3A_171, %add3A_172 : i32
      %swap3A = arith.index_cast %add3A_173 : i32 to index
      %swap3A_174 = tpu.vector_load %arg8[%swap3A] {strides = array<i32>} : memref<8192xf32, #tpu.memory_space<vmem>>, vector<16xf32>,
      tpu.vector_store %arg8[%swap3A], %broadcast_in_dim3A_29 {strides = array<i32>} : memref<8192xf32, #tpu.memory_space<vmem>>, vector<16xf32>,
      %add3A_175 = arith.constant 0 : i32
      %add3A_176 = arith.addi %mul3A_171, %add3A_175 : i32
      %swap3A_177 = arith.index_cast %add3A_176 : i32 to index
      %swap3A_178 = tpu.vector_load %arg9[%swap3A_177] {strides = array<i32>} : memref<8192xf32, #tpu.memory_space<vmem>>, vector<16xf32>,
      tpu.vector_store %arg9[%swap3A_177], %broadcast_in_dim3A_29 {strides = array<i32>} : memref<8192xf32, #tpu.memory_space<vmem>>, vector<16xf32>,
      %add3A_179 = arith.constant 16 : i32
      %add3A_180 = arith.addi %mul3A_171, %add3A_179 : i32
      %swap3A_181 = arith.index_cast %add3A_180 : i32 to index
      %swap3A_182 = tpu.vector_load %arg8[%swap3A_181] {strides = array<i32>} : memref<8192xf32, #tpu.memory_space<vmem>>, vector<16xf32>,
      tpu.vector_store %arg8[%swap3A_181], %broadcast_in_dim3A_29 {strides = array<i32>} : memref<8192xf32, #tpu.memory_space<vmem>>, vector<16xf32>,
      %add3A_183 = arith.constant 16 : i32
      %add3A_184 = arith.addi %mul3A_171, %add3A_183 : i32
      %swap3A_185 = arith.index_cast %add3A_184 : i32 to index
      %swap3A_186 = tpu.vector_load %arg9[%swap3A_185] {strides = array<i32>} : memref<8192xf32, #tpu.memory_space<vmem>>, vector<16xf32>,
      tpu.vector_store %arg9[%swap3A_185], %broadcast_in_dim3A_29 {strides = array<i32>} : memref<8192xf32, #tpu.memory_space<vmem>>, vector<16xf32>,
      %add3A_187 = arith.constant 32 : i32
      %add3A_188 = arith.addi %mul3A_171, %add3A_187 : i32
      %swap3A_189 = arith.index_cast %add3A_188 : i32 to index
      %swap3A_190 = tpu.vector_load %arg8[%swap3A_189] {strides = array<i32>} : memref<8192xf32, #tpu.memory_space<vmem>>, vector<16xf32>,
      tpu.vector_store %arg8[%swap3A_189], %broadcast_in_dim3A_29 {strides = array<i32>} : memref<8192xf32, #tpu.memory_space<vmem>>, vector<16xf32>,
      %add3A_191 = arith.constant 32 : i32
      %add3A_192 = arith.addi %mul3A_171, %add3A_191 : i32
      %swap3A_193 = arith.index_cast %add3A_192 : i32 to index
      %swap3A_194 = tpu.vector_load %arg9[%swap3A_193] {strides = array<i32>} : memref<8192xf32, #tpu.memory_space<vmem>>, vector<16xf32>,
      tpu.vector_store %arg9[%swap3A_193], %broadcast_in_dim3A_29 {strides = array<i32>} : memref<8192xf32, #tpu.memory_space<vmem>>, vector<16xf32>,
      %add3A_195 = arith.constant 48 : i32
      %add3A_196 = arith.addi %mul3A_171, %add3A_195 : i32
      %swap3A_197 = arith.index_cast %add3A_196 : i32 to index
      %swap3A_198 = tpu.vector_load %arg8[%swap3A_197] {strides = array<i32>} : memref<8192xf32, #tpu.memory_space<vmem>>, vector<16xf32>,
      tpu.vector_store %arg8[%swap3A_197], %broadcast_in_dim3A_29 {strides = array<i32>} : memref<8192xf32, #tpu.memory_space<vmem>>, vector<16xf32>,
      %add3A_199 = arith.constant 48 : i32
      %add3A_200 = arith.addi %mul3A_171, %add3A_199 : i32
      %swap3A_201 = arith.index_cast %add3A_200 : i32 to index
      %swap3A_202 = tpu.vector_load %arg9[%swap3A_201] {strides = array<i32>} : memref<8192xf32, #tpu.memory_space<vmem>>, vector<16xf32>,
      tpu.vector_store %arg9[%swap3A_201], %broadcast_in_dim3A_29 {strides = array<i32>} : memref<8192xf32, #tpu.memory_space<vmem>>, vector<16xf32>,
      %add3A_203 = arith.constant 64 : i32
      %add3A_204 = arith.addi %mul3A_171, %add3A_203 : i32
      %swap3A_205 = arith.index_cast %add3A_204 : i32 to index
      %swap3A_206 = tpu.vector_load %arg8[%swap3A_205] {strides = array<i32>} : memref<8192xf32, #tpu.memory_space<vmem>>, vector<16xf32>,
      tpu.vector_store %arg8[%swap3A_205], %broadcast_in_dim3A_29 {strides = array<i32>} : memref<8192xf32, #tpu.memory_space<vmem>>, vector<16xf32>,
      %add3A_207 = arith.constant 64 : i32
      %add3A_208 = arith.addi %mul3A_171, %add3A_207 : i32
      %swap3A_209 = arith.index_cast %add3A_208 : i32 to index
      %swap3A_210 = tpu.vector_load %arg9[%swap3A_209] {strides = array<i32>} : memref<8192xf32, #tpu.memory_space<vmem>>, vector<16xf32>,
      tpu.vector_store %arg9[%swap3A_209], %broadcast_in_dim3A_29 {strides = array<i32>} : memref<8192xf32, #tpu.memory_space<vmem>>, vector<16xf32>,
      %add3A_211 = arith.constant 80 : i32
      %add3A_212 = arith.addi %mul3A_171, %add3A_211 : i32
      %swap3A_213 = arith.index_cast %add3A_212 : i32 to index
      %swap3A_214 = tpu.vector_load %arg8[%swap3A_213] {strides = array<i32>} : memref<8192xf32, #tpu.memory_space<vmem>>, vector<16xf32>,
      tpu.vector_store %arg8[%swap3A_213], %broadcast_in_dim3A_29 {strides = array<i32>} : memref<8192xf32, #tpu.memory_space<vmem>>, vector<16xf32>,
      %add3A_215 = arith.constant 80 : i32
      %add3A_216 = arith.addi %mul3A_171, %add3A_215 : i32
      %swap3A_217 = arith.index_cast %add3A_216 : i32 to index
      %swap3A_218 = tpu.vector_load %arg9[%swap3A_217] {strides = array<i32>} : memref<8192xf32, #tpu.memory_space<vmem>>, vector<16xf32>,
      tpu.vector_store %arg9[%swap3A_217], %broadcast_in_dim3A_29 {strides = array<i32>} : memref<8192xf32, #tpu.memory_space<vmem>>, vector<16xf32>,
      %add3A_219 = arith.constant 96 : i32
      %add3A_220 = arith.addi %mul3A_171, %add3A_219 : i32
      %swap3A_221 = arith.index_cast %add3A_220 : i32 to index
      %swap3A_222 = tpu.vector_load %arg8[%swap3A_221] {strides = array<i32>} : memref<8192xf32, #tpu.memory_space<vmem>>, vector<16xf32>,
      tpu.vector_store %arg8[%swap3A_221], %broadcast_in_dim3A_29 {strides = array<i32>} : memref<8192xf32, #tpu.memory_space<vmem>>, vector<16xf32>,
      %add3A_223 = arith.constant 96 : i32
      %add3A_224 = arith.addi %mul3A_171, %add3A_223 : i32
      %swap3A_225 = arith.index_cast %add3A_224 : i32 to index
      %swap3A_226 = tpu.vector_load %arg9[%swap3A_225] {strides = array<i32>} : memref<8192xf32, #tpu.memory_space<vmem>>, vector<16xf32>,
      tpu.vector_store %arg9[%swap3A_225], %broadcast_in_dim3A_29 {strides = array<i32>} : memref<8192xf32, #tpu.memory_space<vmem>>, vector<16xf32>,
      %add3A_227 = arith.constant 112 : i32
      %add3A_228 = arith.addi %mul3A_171, %add3A_227 : i32
      %swap3A_229 = arith.index_cast %add3A_228 : i32 to index
      %swap3A_230 = tpu.vector_load %arg8[%swap3A_229] {strides = array<i32>} : memref<8192xf32, #tpu.memory_space<vmem>>, vector<16xf32>,
      tpu.vector_store %arg8[%swap3A_229], %broadcast_in_dim3A_29 {strides = array<i32>} : memref<8192xf32, #tpu.memory_space<vmem>>, vector<16xf32>,
      %add3A_231 = arith.constant 112 : i32
      %add3A_232 = arith.addi %mul3A_171, %add3A_231 : i32
      %swap3A_233 = arith.index_cast %add3A_232 : i32 to index
      %swap3A_234 = tpu.vector_load %arg9[%swap3A_233] {strides = array<i32>} : memref<8192xf32, #tpu.memory_space<vmem>>, vector<16xf32>,
      tpu.vector_store %arg9[%swap3A_233], %broadcast_in_dim3A_29 {strides = array<i32>} : memref<8192xf32, #tpu.memory_space<vmem>>, vector<16xf32>,
    }
    %scan3A_43 = arith.constant 64 : i32
    %dma_wait3A = arith.constant 0 : i32
    %dma_wait3A_44 = tpu.memref_slice %arg6[%dma_wait3A] : memref<49152xf32, #tpu.memory_space<vmem>> -> memref<24576xf32, #tpu.memory_space<vmem>>
    %dma_wait3A_45 = tpu.memref_slice %arg2[%mul3A_6] : memref<3145728xf32, #tpu.memory_space<hbm>> -> memref<24576xf32, #tpu.memory_space<hbm>>
    %dma_wait3A_46 = arith.constant 0 : i32
    %dma_wait3A_47 = tpu.memref_slice %arg6[%dma_wait3A_46] : memref<49152xf32, #tpu.memory_space<vmem>> -> memref<24576xf32, #tpu.memory_space<vmem>>
    %dma_wait3A_48 = tpu.memref_slice %arg2[%mul3A_6] : memref<3145728xf32, #tpu.memory_space<hbm>> -> memref<24576xf32, #tpu.memory_space<hbm>>
    tpu.wait_dma2 semaphore(%arg11 : memref<!tpu.dma_semaphore, #tpu.memory_space<semaphore_mem>>) src(%dma_wait3A_48 : memref<24576xf32, #tpu.memory_space<hbm>>) dst(%dma_wait3A_47 : memref<24576xf32, #tpu.memory_space<vmem>>)
    %dma_wait3A_49 = arith.constant 0 : i32
    %dma_wait3A_50 = tpu.memref_slice %arg7[%dma_wait3A_49] : memref<16384xi32, #tpu.memory_space<vmem>> -> memref<8192xi32, #tpu.memory_space<vmem>>
    %dma_wait3A_51 = tpu.memref_slice %arg3[%add3A_4] : memref<1048576xi32, #tpu.memory_space<hbm>> -> memref<8192xi32, #tpu.memory_space<hbm>>
    %dma_wait3A_52 = arith.constant 0 : i32
    %dma_wait3A_53 = tpu.memref_slice %arg7[%dma_wait3A_52] : memref<16384xi32, #tpu.memory_space<vmem>> -> memref<8192xi32, #tpu.memory_space<vmem>>
    %dma_wait3A_54 = tpu.memref_slice %arg3[%add3A_4] : memref<1048576xi32, #tpu.memory_space<hbm>> -> memref<8192xi32, #tpu.memory_space<hbm>>
    tpu.wait_dma2 semaphore(%arg11 : memref<!tpu.dma_semaphore, #tpu.memory_space<semaphore_mem>>) src(%dma_wait3A_54 : memref<8192xi32, #tpu.memory_space<hbm>>) dst(%dma_wait3A_53 : memref<8192xi32, #tpu.memory_space<vmem>>)
    %add3A_55 = arith.constant 8192 : i32
    %add3A_56 = arith.addi %mul3A_2, %add3A_55 : i32
    %mul3A_57 = arith.constant 3 : i32
    %mul3A_58 = arith.muli %add3A_56, %mul3A_57 : i32
    %dma_start3A_59 = arith.constant 24576 : i32
    %dma_start3A_60 = tpu.memref_slice %arg6[%dma_start3A_59] : memref<49152xf32, #tpu.memory_space<vmem>> -> memref<24576xf32, #tpu.memory_space<vmem>>
    %dma_start3A_61 = tpu.memref_slice %arg2[%mul3A_58] : memref<3145728xf32, #tpu.memory_space<hbm>> -> memref<24576xf32, #tpu.memory_space<hbm>>
    %dma_start3A_62 = arith.constant 24576 : i32
    %dma_start3A_63 = tpu.memref_slice %arg6[%dma_start3A_62] : memref<49152xf32, #tpu.memory_space<vmem>> -> memref<24576xf32, #tpu.memory_space<vmem>>
    %dma_start3A_64 = tpu.memref_slice %arg2[%mul3A_58] : memref<3145728xf32, #tpu.memory_space<hbm>> -> memref<24576xf32, #tpu.memory_space<hbm>>
    tpu.enqueue_dma source(%dma_start3A_64 : memref<24576xf32, #tpu.memory_space<hbm>>) target(%dma_start3A_63 : memref<24576xf32, #tpu.memory_space<vmem>>) target_semaphore(%arg12 : memref<!tpu.dma_semaphore, #tpu.memory_space<semaphore_mem>>)
    %dma_start3A_65 = arith.constant 8192 : i32
    %dma_start3A_66 = tpu.memref_slice %arg7[%dma_start3A_65] : memref<16384xi32, #tpu.memory_space<vmem>> -> memref<8192xi32, #tpu.memory_space<vmem>>
    %dma_start3A_67 = tpu.memref_slice %arg3[%add3A_56] : memref<1048576xi32, #tpu.memory_space<hbm>> -> memref<8192xi32, #tpu.memory_space<hbm>>
    %dma_start3A_68 = arith.constant 8192 : i32
    %dma_start3A_69 = tpu.memref_slice %arg7[%dma_start3A_68] : memref<16384xi32, #tpu.memory_space<vmem>> -> memref<8192xi32, #tpu.memory_space<vmem>>
    %dma_start3A_70 = tpu.memref_slice %arg3[%add3A_56] : memref<1048576xi32, #tpu.memory_space<hbm>> -> memref<8192xi32, #tpu.memory_space<hbm>>
    tpu.enqueue_dma source(%dma_start3A_70 : memref<8192xi32, #tpu.memory_space<hbm>>) target(%dma_start3A_69 : memref<8192xi32, #tpu.memory_space<vmem>>) target_semaphore(%arg12 : memref<!tpu.dma_semaphore, #tpu.memory_space<semaphore_mem>>)
    %scan3A_71 = arith.constant 0 : i32
    %scan3A_72 = arith.constant 0 : i32
    %scan3A_73 = arith.constant 64 : i32
    %scan3A_74 = arith.addi %scan3A_72, %scan3A_73 : i32
    %scan3A_75 = arith.constant 1 : i32
    scf.for %scan3A_169 = %scan3A_72 to %scan3A_74 step %scan3A_75  : i32 {
      %mul3A_170 = arith.constant 384 : i32
      %mul3A_171 = arith.muli %scan3A_169, %mul3A_170 : i32
      %add3A_172 = arith.constant 0 : i32
      %add3A_173 = arith.addi %add3A_172, %mul3A_171 : i32
      %mul3A_174 = arith.constant 128 : i32
      %mul3A_175 = arith.muli %scan3A_169, %mul3A_174 : i32
      %add3A_176 = arith.constant 0 : i32
      %add3A_177 = arith.addi %add3A_176, %mul3A_175 : i32
      %add3A_178 = arith.constant 0 : i32
      %add3A_179 = arith.addi %add3A_173, %add3A_178 : i32
      %get3A_180 = arith.index_cast %add3A_179 : i32 to index
      %get3A_181 = tpu.vector_load %arg6[%get3A_180] {strides = array<i32>} : memref<49152xf32, #tpu.memory_space<vmem>>, vector<16xf32>,
      %add3A_182 = arith.constant 16 : i32
      %add3A_183 = arith.addi %add3A_173, %add3A_182 : i32
      %get3A_184 = arith.index_cast %add3A_183 : i32 to index
      %get3A_185 = tpu.vector_load %arg6[%get3A_184] {strides = array<i32>} : memref<49152xf32, #tpu.memory_space<vmem>>, vector<16xf32>,
      %add3A_186 = arith.constant 32 : i32
      %add3A_187 = arith.addi %add3A_173, %add3A_186 : i32
      %get3A_188 = arith.index_cast %add3A_187 : i32 to index
      %get3A_189 = tpu.vector_load %arg6[%get3A_188] {strides = array<i32>} : memref<49152xf32, #tpu.memory_space<vmem>>, vector<16xf32>,
      %add3A_190 = arith.constant 48 : i32
      %add3A_191 = arith.addi %add3A_173, %add3A_190 : i32
      %get3A_192 = arith.index_cast %add3A_191 : i32 to index
      %get3A_193 = tpu.vector_load %arg6[%get3A_192] {strides = array<i32>} : memref<49152xf32, #tpu.memory_space<vmem>>, vector<16xf32>,
      %add3A_194 = arith.constant 64 : i32
      %add3A_195 = arith.addi %add3A_173, %add3A_194 : i32
      %get3A_196 = arith.index_cast %add3A_195 : i32 to index
      %get3A_197 = tpu.vector_load %arg6[%get3A_196] {strides = array<i32>} : memref<49152xf32, #tpu.memory_space<vmem>>, vector<16xf32>,
      %add3A_198 = arith.constant 80 : i32
      %add3A_199 = arith.addi %add3A_173, %add3A_198 : i32
      %get3A_200 = arith.index_cast %add3A_199 : i32 to index
      %get3A_201 = tpu.vector_load %arg6[%get3A_200] {strides = array<i32>} : memref<49152xf32, #tpu.memory_space<vmem>>, vector<16xf32>,
      %add3A_202 = arith.constant 96 : i32
      %add3A_203 = arith.addi %add3A_173, %add3A_202 : i32
      %get3A_204 = arith.index_cast %add3A_203 : i32 to index
      %get3A_205 = tpu.vector_load %arg6[%get3A_204] {strides = array<i32>} : memref<49152xf32, #tpu.memory_space<vmem>>, vector<16xf32>,
      %add3A_206 = arith.constant 112 : i32
      %add3A_207 = arith.addi %add3A_173, %add3A_206 : i32
      %get3A_208 = arith.index_cast %add3A_207 : i32 to index
      %get3A_209 = tpu.vector_load %arg6[%get3A_208] {strides = array<i32>} : memref<49152xf32, #tpu.memory_space<vmem>>, vector<16xf32>,
      %add3A_210 = arith.constant 128 : i32
      %add3A_211 = arith.addi %add3A_173, %add3A_210 : i32
      %add3A_212 = arith.constant 0 : i32
      %add3A_213 = arith.addi %add3A_211, %add3A_212 : i32
      %get3A_214 = arith.index_cast %add3A_213 : i32 to index
      %get3A_215 = tpu.vector_load %arg6[%get3A_214] {strides = array<i32>} : memref<49152xf32, #tpu.memory_space<vmem>>, vector<16xf32>,
      %add3A_216 = arith.constant 128 : i32
      %add3A_217 = arith.addi %add3A_173, %add3A_216 : i32
      %add3A_218 = arith.constant 16 : i32
      %add3A_219 = arith.addi %add3A_217, %add3A_218 : i32
      %get3A_220 = arith.index_cast %add3A_219 : i32 to index
      %get3A_221 = tpu.vector_load %arg6[%get3A_220] {strides = array<i32>} : memref<49152xf32, #tpu.memory_space<vmem>>, vector<16xf32>,
      %add3A_222 = arith.constant 128 : i32
      %add3A_223 = arith.addi %add3A_173, %add3A_222 : i32
      %add3A_224 = arith.constant 32 : i32
      %add3A_225 = arith.addi %add3A_223, %add3A_224 : i32
      %get3A_226 = arith.index_cast %add3A_225 : i32 to index
      %get3A_227 = tpu.vector_load %arg6[%get3A_226] {strides = array<i32>} : memref<49152xf32, #tpu.memory_space<vmem>>, vector<16xf32>,
      %add3A_228 = arith.constant 128 : i32
      %add3A_229 = arith.addi %add3A_173, %add3A_228 : i32
      %add3A_230 = arith.constant 48 : i32
      %add3A_231 = arith.addi %add3A_229, %add3A_230 : i32
      %get3A_232 = arith.index_cast %add3A_231 : i32 to index
      %get3A_233 = tpu.vector_load %arg6[%get3A_232] {strides = array<i32>} : memref<49152xf32, #tpu.memory_space<vmem>>, vector<16xf32>,
      %add3A_234 = arith.constant 128 : i32
      %add3A_235 = arith.addi %add3A_173, %add3A_234 : i32
      %add3A_236 = arith.constant 64 : i32
      %add3A_237 = arith.addi %add3A_235, %add3A_236 : i32
      %get3A_238 = arith.index_cast %add3A_237 : i32 to index
      %get3A_239 = tpu.vector_load %arg6[%get3A_238] {strides = array<i32>} : memref<49152xf32, #tpu.memory_space<vmem>>, vector<16xf32>,
      %add3A_240 = arith.constant 128 : i32
      %add3A_241 = arith.addi %add3A_173, %add3A_240 : i32
      %add3A_242 = arith.constant 80 : i32
      %add3A_243 = arith.addi %add3A_241, %add3A_242 : i32
      %get3A_244 = arith.index_cast %add3A_243 : i32 to index
      %get3A_245 = tpu.vector_load %arg6[%get3A_244] {strides = array<i32>} : memref<49152xf32, #tpu.memory_space<vmem>>, vector<16xf32>,
      %add3A_246 = arith.constant 128 : i32
      %add3A_247 = arith.addi %add3A_173, %add3A_246 : i32
      %add3A_248 = arith.constant 96 : i32
      %add3A_249 = arith.addi %add3A_247, %add3A_248 : i32
      %get3A_250 = arith.index_cast %add3A_249 : i32 to index
      %get3A_251 = tpu.vector_load %arg6[%get3A_250] {strides = array<i32>} : memref<49152xf32, #tpu.memory_space<vmem>>, vector<16xf32>,
      %add3A_252 = arith.constant 128 : i32
      %add3A_253 = arith.addi %add3A_173, %add3A_252 : i32
      %add3A_254 = arith.constant 112 : i32
      %add3A_255 = arith.addi %add3A_253, %add3A_254 : i32
      %get3A_256 = arith.index_cast %add3A_255 : i32 to index
      %get3A_257 = tpu.vector_load %arg6[%get3A_256] {strides = array<i32>} : memref<49152xf32, #tpu.memory_space<vmem>>, vector<16xf32>,
      %add3A_258 = arith.constant 256 : i32
      %add3A_259 = arith.addi %add3A_173, %add3A_258 : i32
      %add3A_260 = arith.constant 0 : i32
      %add3A_261 = arith.addi %add3A_259, %add3A_260 : i32
      %get3A_262 = arith.index_cast %add3A_261 : i32 to index
      %get3A_263 = tpu.vector_load %arg6[%get3A_262] {strides = array<i32>} : memref<49152xf32, #tpu.memory_space<vmem>>, vector<16xf32>,
      %add3A_264 = arith.constant 256 : i32
      %add3A_265 = arith.addi %add3A_173, %add3A_264 : i32
      %add3A_266 = arith.constant 16 : i32
      %add3A_267 = arith.addi %add3A_265, %add3A_266 : i32
      %get3A_268 = arith.index_cast %add3A_267 : i32 to index
      %get3A_269 = tpu.vector_load %arg6[%get3A_268] {strides = array<i32>} : memref<49152xf32, #tpu.memory_space<vmem>>, vector<16xf32>,
      %add3A_270 = arith.constant 256 : i32
      %add3A_271 = arith.addi %add3A_173, %add3A_270 : i32
      %add3A_272 = arith.constant 32 : i32
      %add3A_273 = arith.addi %add3A_271, %add3A_272 : i32
      %get3A_274 = arith.index_cast %add3A_273 : i32 to index
      %get3A_275 = tpu.vector_load %arg6[%get3A_274] {strides = array<i32>} : memref<49152xf32, #tpu.memory_space<vmem>>, vector<16xf32>,
      %add3A_276 = arith.constant 256 : i32
      %add3A_277 = arith.addi %add3A_173, %add3A_276 : i32
      %add3A_278 = arith.constant 48 : i32
      %add3A_279 = arith.addi %add3A_277, %add3A_278 : i32
      %get3A_280 = arith.index_cast %add3A_279 : i32 to index
      %get3A_281 = tpu.vector_load %arg6[%get3A_280] {strides = array<i32>} : memref<49152xf32, #tpu.memory_space<vmem>>, vector<16xf32>,
      %add3A_282 = arith.constant 256 : i32
      %add3A_283 = arith.addi %add3A_173, %add3A_282 : i32
      %add3A_284 = arith.constant 64 : i32
      %add3A_285 = arith.addi %add3A_283, %add3A_284 : i32
      %get3A_286 = arith.index_cast %add3A_285 : i32 to index
      %get3A_287 = tpu.vector_load %arg6[%get3A_286] {strides = array<i32>} : memref<49152xf32, #tpu.memory_space<vmem>>, vector<16xf32>,
      %add3A_288 = arith.constant 256 : i32
      %add3A_289 = arith.addi %add3A_173, %add3A_288 : i32
      %add3A_290 = arith.constant 80 : i32
      %add3A_291 = arith.addi %add3A_289, %add3A_290 : i32
      %get3A_292 = arith.index_cast %add3A_291 : i32 to index
      %get3A_293 = tpu.vector_load %arg6[%get3A_292] {strides = array<i32>} : memref<49152xf32, #tpu.memory_space<vmem>>, vector<16xf32>,
      %add3A_294 = arith.constant 256 : i32
      %add3A_295 = arith.addi %add3A_173, %add3A_294 : i32
      %add3A_296 = arith.constant 96 : i32
      %add3A_297 = arith.addi %add3A_295, %add3A_296 : i32
      %get3A_298 = arith.index_cast %add3A_297 : i32 to index
      %get3A_299 = tpu.vector_load %arg6[%get3A_298] {strides = array<i32>} : memref<49152xf32, #tpu.memory_space<vmem>>, vector<16xf32>,
      %add3A_300 = arith.constant 256 : i32
      %add3A_301 = arith.addi %add3A_173, %add3A_300 : i32
      %add3A_302 = arith.constant 112 : i32
      %add3A_303 = arith.addi %add3A_301, %add3A_302 : i32
      %get3A_304 = arith.index_cast %add3A_303 : i32 to index
      %get3A_305 = tpu.vector_load %arg6[%get3A_304] {strides = array<i32>} : memref<49152xf32, #tpu.memory_space<vmem>>, vector<16xf32>,
      %add3A_306 = arith.constant 0 : i32
      %add3A_307 = arith.addi %add3A_177, %add3A_306 : i32
      %get3A_308 = arith.index_cast %add3A_307 : i32 to index
      %get3A_309 = tpu.vector_load %arg7[%get3A_308] {strides = array<i32>} : memref<16384xi32, #tpu.memory_space<vmem>>, vector<16xi32>,
      %add3A_310 = arith.constant 16 : i32
      %add3A_311 = arith.addi %add3A_177, %add3A_310 : i32
      %get3A_312 = arith.index_cast %add3A_311 : i32 to index
      %get3A_313 = tpu.vector_load %arg7[%get3A_312] {strides = array<i32>} : memref<16384xi32, #tpu.memory_space<vmem>>, vector<16xi32>,
      %add3A_314 = arith.constant 32 : i32
      %add3A_315 = arith.addi %add3A_177, %add3A_314 : i32
      %get3A_316 = arith.index_cast %add3A_315 : i32 to index
      %get3A_317 = tpu.vector_load %arg7[%get3A_316] {strides = array<i32>} : memref<16384xi32, #tpu.memory_space<vmem>>, vector<16xi32>,
      %add3A_318 = arith.constant 48 : i32
      %add3A_319 = arith.addi %add3A_177, %add3A_318 : i32
      %get3A_320 = arith.index_cast %add3A_319 : i32 to index
      %get3A_321 = tpu.vector_load %arg7[%get3A_320] {strides = array<i32>} : memref<16384xi32, #tpu.memory_space<vmem>>, vector<16xi32>,
      %add3A_322 = arith.constant 64 : i32
      %add3A_323 = arith.addi %add3A_177, %add3A_322 : i32
      %get3A_324 = arith.index_cast %add3A_323 : i32 to index
      %get3A_325 = tpu.vector_load %arg7[%get3A_324] {strides = array<i32>} : memref<16384xi32, #tpu.memory_space<vmem>>, vector<16xi32>,
      %add3A_326 = arith.constant 80 : i32
      %add3A_327 = arith.addi %add3A_177, %add3A_326 : i32
      %get3A_328 = arith.index_cast %add3A_327 : i32 to index
      %get3A_329 = tpu.vector_load %arg7[%get3A_328] {strides = array<i32>} : memref<16384xi32, #tpu.memory_space<vmem>>, vector<16xi32>,
      %add3A_330 = arith.constant 96 : i32
      %add3A_331 = arith.addi %add3A_177, %add3A_330 : i32
      %get3A_332 = arith.index_cast %add3A_331 : i32 to index
      %get3A_333 = tpu.vector_load %arg7[%get3A_332] {strides = array<i32>} : memref<16384xi32, #tpu.memory_space<vmem>>, vector<16xi32>,
      %add3A_334 = arith.constant 112 : i32
      %add3A_335 = arith.addi %add3A_177, %add3A_334 : i32
      %get3A_336 = arith.index_cast %add3A_335 : i32 to index
      %get3A_337 = tpu.vector_load %arg7[%get3A_336] {strides = array<i32>} : memref<16384xi32, #tpu.memory_space<vmem>>, vector<16xi32>,
      %mul3A_338 = arith.mulf %get3A_181, %broadcast_in_dim3A : vector<16xf32>
      %mul3A_339 = arith.mulf %get3A_215, %broadcast_in_dim3A_21 : vector<16xf32>
      %add3A_340 = arith.addf %mul3A_338, %mul3A_339 : vector<16xf32>
      %mul3A_341 = arith.mulf %get3A_263, %broadcast_in_dim3A_24 : vector<16xf32>
      %add3A_342 = arith.addf %mul3A_341, %broadcast_in_dim3A_27 : vector<16xf32>
      %add3A_343 = arith.addf %add3A_340, %add3A_342 : vector<16xf32>
      %mul3A_344 = arith.mulf %get3A_185, %broadcast_in_dim3A : vector<16xf32>
      %mul3A_345 = arith.mulf %get3A_221, %broadcast_in_dim3A_21 : vector<16xf32>
      %add3A_346 = arith.addf %mul3A_344, %mul3A_345 : vector<16xf32>
      %mul3A_347 = arith.mulf %get3A_269, %broadcast_in_dim3A_24 : vector<16xf32>
      %add3A_348 = arith.addf %mul3A_347, %broadcast_in_dim3A_27 : vector<16xf32>
      %add3A_349 = arith.addf %add3A_346, %add3A_348 : vector<16xf32>
      %mul3A_350 = arith.mulf %get3A_189, %broadcast_in_dim3A : vector<16xf32>
      %mul3A_351 = arith.mulf %get3A_227, %broadcast_in_dim3A_21 : vector<16xf32>
      %add3A_352 = arith.addf %mul3A_350, %mul3A_351 : vector<16xf32>
      %mul3A_353 = arith.mulf %get3A_275, %broadcast_in_dim3A_24 : vector<16xf32>
      %add3A_354 = arith.addf %mul3A_353, %broadcast_in_dim3A_27 : vector<16xf32>
      %add3A_355 = arith.addf %add3A_352, %add3A_354 : vector<16xf32>
      %mul3A_356 = arith.mulf %get3A_193, %broadcast_in_dim3A : vector<16xf32>
      %mul3A_357 = arith.mulf %get3A_233, %broadcast_in_dim3A_21 : vector<16xf32>
      %add3A_358 = arith.addf %mul3A_356, %mul3A_357 : vector<16xf32>
      %mul3A_359 = arith.mulf %get3A_281, %broadcast_in_dim3A_24 : vector<16xf32>
      %add3A_360 = arith.addf %mul3A_359, %broadcast_in_dim3A_27 : vector<16xf32>
      %add3A_361 = arith.addf %add3A_358, %add3A_360 : vector<16xf32>
      %mul3A_362 = arith.mulf %get3A_197, %broadcast_in_dim3A : vector<16xf32>
      %mul3A_363 = arith.mulf %get3A_239, %broadcast_in_dim3A_21 : vector<16xf32>
      %add3A_364 = arith.addf %mul3A_362, %mul3A_363 : vector<16xf32>
      %mul3A_365 = arith.mulf %get3A_287, %broadcast_in_dim3A_24 : vector<16xf32>
      %add3A_366 = arith.addf %mul3A_365, %broadcast_in_dim3A_27 : vector<16xf32>
      %add3A_367 = arith.addf %add3A_364, %add3A_366 : vector<16xf32>
      %mul3A_368 = arith.mulf %get3A_201, %broadcast_in_dim3A : vector<16xf32>
      %mul3A_369 = arith.mulf %get3A_245, %broadcast_in_dim3A_21 : vector<16xf32>
      %add3A_370 = arith.addf %mul3A_368, %mul3A_369 : vector<16xf32>
      %mul3A_371 = arith.mulf %get3A_293, %broadcast_in_dim3A_24 : vector<16xf32>
      %add3A_372 = arith.addf %mul3A_371, %broadcast_in_dim3A_27 : vector<16xf32>
      %add3A_373 = arith.addf %add3A_370, %add3A_372 : vector<16xf32>
      %mul3A_374 = arith.mulf %get3A_205, %broadcast_in_dim3A : vector<16xf32>
      %mul3A_375 = arith.mulf %get3A_251, %broadcast_in_dim3A_21 : vector<16xf32>
      %add3A_376 = arith.addf %mul3A_374, %mul3A_375 : vector<16xf32>
      %mul3A_377 = arith.mulf %get3A_299, %broadcast_in_dim3A_24 : vector<16xf32>
      %add3A_378 = arith.addf %mul3A_377, %broadcast_in_dim3A_27 : vector<16xf32>
      %add3A_379 = arith.addf %add3A_376, %add3A_378 : vector<16xf32>
      %mul3A_380 = arith.mulf %get3A_209, %broadcast_in_dim3A : vector<16xf32>
      %mul3A_381 = arith.mulf %get3A_257, %broadcast_in_dim3A_21 : vector<16xf32>
      %add3A_382 = arith.addf %mul3A_380, %mul3A_381 : vector<16xf32>
      %mul3A_383 = arith.mulf %get3A_305, %broadcast_in_dim3A_24 : vector<16xf32>
      %add3A_384 = arith.addf %mul3A_383, %broadcast_in_dim3A_27 : vector<16xf32>
      %add3A_385 = arith.addf %add3A_382, %add3A_384 : vector<16xf32>
      %broadcast_in_dim3A_386 = arith.constant true
      %broadcast_in_dim3A_387 = vector.broadcast %broadcast_in_dim3A_386 : i1 to vector<16xi1>
      %masked_cumsum3A = tpu.scan <sum>, %add3A_343 masked %broadcast_in_dim3A_387 : vector<16xf32>, vector<16xi1> -> vector<16xf32>
      %broadcast_in_dim3A_388 = arith.constant true
      %broadcast_in_dim3A_389 = vector.broadcast %broadcast_in_dim3A_388 : i1 to vector<16xi1>
      %masked_cumsum3A_390 = tpu.scan <sum>, %add3A_349 masked %broadcast_in_dim3A_389 : vector<16xf32>, vector<16xi1> -> vector<16xf32>
      %broadcast_in_dim3A_391 = arith.constant true
      %broadcast_in_dim3A_392 = vector.broadcast %broadcast_in_dim3A_391 : i1 to vector<16xi1>
      %masked_cumsum3A_393 = tpu.scan <sum>, %add3A_355 masked %broadcast_in_dim3A_392 : vector<16xf32>, vector<16xi1> -> vector<16xf32>
      %broadcast_in_dim3A_394 = arith.constant true
      %broadcast_in_dim3A_395 = vector.broadcast %broadcast_in_dim3A_394 : i1 to vector<16xi1>
      %masked_cumsum3A_396 = tpu.scan <sum>, %add3A_361 masked %broadcast_in_dim3A_395 : vector<16xf32>, vector<16xi1> -> vector<16xf32>
      %broadcast_in_dim3A_397 = arith.constant true
      %broadcast_in_dim3A_398 = vector.broadcast %broadcast_in_dim3A_397 : i1 to vector<16xi1>
      %masked_cumsum3A_399 = tpu.scan <sum>, %add3A_367 masked %broadcast_in_dim3A_398 : vector<16xf32>, vector<16xi1> -> vector<16xf32>
      %broadcast_in_dim3A_400 = arith.constant true
      %broadcast_in_dim3A_401 = vector.broadcast %broadcast_in_dim3A_400 : i1 to vector<16xi1>
      %masked_cumsum3A_402 = tpu.scan <sum>, %add3A_373 masked %broadcast_in_dim3A_401 : vector<16xf32>, vector<16xi1> -> vector<16xf32>
      %broadcast_in_dim3A_403 = arith.constant true
      %broadcast_in_dim3A_404 = vector.broadcast %broadcast_in_dim3A_403 : i1 to vector<16xi1>
      %masked_cumsum3A_405 = tpu.scan <sum>, %add3A_379 masked %broadcast_in_dim3A_404 : vector<16xf32>, vector<16xi1> -> vector<16xf32>
      %broadcast_in_dim3A_406 = arith.constant true
      %broadcast_in_dim3A_407 = vector.broadcast %broadcast_in_dim3A_406 : i1 to vector<16xi1>
      %masked_cumsum3A_408 = tpu.scan <sum>, %add3A_385 masked %broadcast_in_dim3A_407 : vector<16xf32>, vector<16xi1> -> vector<16xf32>
      %broadcast_in_dim3A_409 = vector.shape_cast %min3A_34 : vector<16xi32> to vector<16x1xi32>
      %gather3A = vector.shape_cast %broadcast_in_dim3A_409 : vector<16x1xi32> to vector<16xi32>
      %gather3A_410 = tpu.dynamic_gather %get3A_309[%gather3A] in [0] : vector<16xi32>, vector<16xi32> -> vector<16xi32>
      %broadcast_in_dim3A_411 = vector.shape_cast %min3A_34 : vector<16xi32> to vector<16x1xi32>
      %gather3A_412 = vector.shape_cast %broadcast_in_dim3A_411 : vector<16x1xi32> to vector<16xi32>
      %gather3A_413 = tpu.dynamic_gather %get3A_313[%gather3A_412] in [0] : vector<16xi32>, vector<16xi32> -> vector<16xi32>
      %broadcast_in_dim3A_414 = vector.shape_cast %min3A_34 : vector<16xi32> to vector<16x1xi32>
      %gather3A_415 = vector.shape_cast %broadcast_in_dim3A_414 : vector<16x1xi32> to vector<16xi32>
      %gather3A_416 = tpu.dynamic_gather %get3A_317[%gather3A_415] in [0] : vector<16xi32>, vector<16xi32> -> vector<16xi32>
      %broadcast_in_dim3A_417 = vector.shape_cast %min3A_34 : vector<16xi32> to vector<16x1xi32>
      %gather3A_418 = vector.shape_cast %broadcast_in_dim3A_417 : vector<16x1xi32> to vector<16xi32>
      %gather3A_419 = tpu.dynamic_gather %get3A_321[%gather3A_418] in [0] : vector<16xi32>, vector<16xi32> -> vector<16xi32>
      %broadcast_in_dim3A_420 = vector.shape_cast %min3A_34 : vector<16xi32> to vector<16x1xi32>
      %gather3A_421 = vector.shape_cast %broadcast_in_dim3A_420 : vector<16x1xi32> to vector<16xi32>
      %gather3A_422 = tpu.dynamic_gather %get3A_325[%gather3A_421] in [0] : vector<16xi32>, vector<16xi32> -> vector<16xi32>
      %broadcast_in_dim3A_423 = vector.shape_cast %min3A_34 : vector<16xi32> to vector<16x1xi32>
      %gather3A_424 = vector.shape_cast %broadcast_in_dim3A_423 : vector<16x1xi32> to vector<16xi32>
      %gather3A_425 = tpu.dynamic_gather %get3A_329[%gather3A_424] in [0] : vector<16xi32>, vector<16xi32> -> vector<16xi32>
      %broadcast_in_dim3A_426 = vector.shape_cast %min3A_34 : vector<16xi32> to vector<16x1xi32>
      %gather3A_427 = vector.shape_cast %broadcast_in_dim3A_426 : vector<16x1xi32> to vector<16xi32>
      %gather3A_428 = tpu.dynamic_gather %get3A_333[%gather3A_427] in [0] : vector<16xi32>, vector<16xi32> -> vector<16xi32>
      %broadcast_in_dim3A_429 = vector.shape_cast %min3A_34 : vector<16xi32> to vector<16x1xi32>
      %gather3A_430 = vector.shape_cast %broadcast_in_dim3A_429 : vector<16x1xi32> to vector<16xi32>
      %gather3A_431 = tpu.dynamic_gather %get3A_337[%gather3A_430] in [0] : vector<16xi32>, vector<16xi32> -> vector<16xi32>
      %ne3A_432 = arith.cmpi ne, %get3A_309, %gather3A_410 : vector<16xi32>
      %or3A = arith.ori %ne3A_432, %eq3A_36 : vector<16xi1>
      tpu.vector_store_idx %arg8[%get3A_309], %masked_cumsum3A masked %or3A {add = true} : memref<8192xf32, #tpu.memory_space<vmem>>[vector<16xi32>], vector<16xf32>, vector<16xi1>
      %neg3A = arith.constant 0.000000e+00 : f32
      %neg3A_433 = vector.broadcast %neg3A : f32 to vector<16xf32>
      %neg3A_434 = arith.subf %neg3A_433, %masked_cumsum3A : vector<16xf32>
      %and3A = arith.andi %or3A, %ne3A_38 : vector<16xi1>
      tpu.vector_store_idx %arg9[%gather3A_410], %neg3A_434 masked %and3A {add = true} : memref<8192xf32, #tpu.memory_space<vmem>>[vector<16xi32>], vector<16xf32>, vector<16xi1>
      %ne3A_435 = arith.cmpi ne, %get3A_313, %gather3A_413 : vector<16xi32>
      %or3A_436 = arith.ori %ne3A_435, %eq3A_36 : vector<16xi1>
      tpu.vector_store_idx %arg9[%get3A_313], %masked_cumsum3A_390 masked %or3A_436 {add = true} : memref<8192xf32, #tpu.memory_space<vmem>>[vector<16xi32>], vector<16xf32>, vector<16xi1>
      %neg3A_437 = arith.constant 0.000000e+00 : f32
      %neg3A_438 = vector.broadcast %neg3A_437 : f32 to vector<16xf32>
      %neg3A_439 = arith.subf %neg3A_438, %masked_cumsum3A_390 : vector<16xf32>
      %and3A_440 = arith.andi %or3A_436, %ne3A_38 : vector<16xi1>
      tpu.vector_store_idx %arg8[%gather3A_413], %neg3A_439 masked %and3A_440 {add = true} : memref<8192xf32, #tpu.memory_space<vmem>>[vector<16xi32>], vector<16xf32>, vector<16xi1>
      %ne3A_441 = arith.cmpi ne, %get3A_317, %gather3A_416 : vector<16xi32>
      %or3A_442 = arith.ori %ne3A_441, %eq3A_36 : vector<16xi1>
      tpu.vector_store_idx %arg8[%get3A_317], %masked_cumsum3A_393 masked %or3A_442 {add = true} : memref<8192xf32, #tpu.memory_space<vmem>>[vector<16xi32>], vector<16xf32>, vector<16xi1>
      %neg3A_443 = arith.constant 0.000000e+00 : f32
      %neg3A_444 = vector.broadcast %neg3A_443 : f32 to vector<16xf32>
      %neg3A_445 = arith.subf %neg3A_444, %masked_cumsum3A_393 : vector<16xf32>
      %and3A_446 = arith.andi %or3A_442, %ne3A_38 : vector<16xi1>
      tpu.vector_store_idx %arg9[%gather3A_416], %neg3A_445 masked %and3A_446 {add = true} : memref<8192xf32, #tpu.memory_space<vmem>>[vector<16xi32>], vector<16xf32>, vector<16xi1>
      %ne3A_447 = arith.cmpi ne, %get3A_321, %gather3A_419 : vector<16xi32>
      %or3A_448 = arith.ori %ne3A_447, %eq3A_36 : vector<16xi1>
      tpu.vector_store_idx %arg9[%get3A_321], %masked_cumsum3A_396 masked %or3A_448 {add = true} : memref<8192xf32, #tpu.memory_space<vmem>>[vector<16xi32>], vector<16xf32>, vector<16xi1>
      %neg3A_449 = arith.constant 0.000000e+00 : f32
      %neg3A_450 = vector.broadcast %neg3A_449 : f32 to vector<16xf32>
      %neg3A_451 = arith.subf %neg3A_450, %masked_cumsum3A_396 : vector<16xf32>
      %and3A_452 = arith.andi %or3A_448, %ne3A_38 : vector<16xi1>
      tpu.vector_store_idx %arg8[%gather3A_419], %neg3A_451 masked %and3A_452 {add = true} : memref<8192xf32, #tpu.memory_space<vmem>>[vector<16xi32>], vector<16xf32>, vector<16xi1>
      %ne3A_453 = arith.cmpi ne, %get3A_325, %gather3A_422 : vector<16xi32>
      %or3A_454 = arith.ori %ne3A_453, %eq3A_36 : vector<16xi1>
      tpu.vector_store_idx %arg8[%get3A_325], %masked_cumsum3A_399 masked %or3A_454 {add = true} : memref<8192xf32, #tpu.memory_space<vmem>>[vector<16xi32>], vector<16xf32>, vector<16xi1>
      %neg3A_455 = arith.constant 0.000000e+00 : f32
      %neg3A_456 = vector.broadcast %neg3A_455 : f32 to vector<16xf32>
      %neg3A_457 = arith.subf %neg3A_456, %masked_cumsum3A_399 : vector<16xf32>
      %and3A_458 = arith.andi %or3A_454, %ne3A_38 : vector<16xi1>
      tpu.vector_store_idx %arg9[%gather3A_422], %neg3A_457 masked %and3A_458 {add = true} : memref<8192xf32, #tpu.memory_space<vmem>>[vector<16xi32>], vector<16xf32>, vector<16xi1>
      %ne3A_459 = arith.cmpi ne, %get3A_329, %gather3A_425 : vector<16xi32>
      %or3A_460 = arith.ori %ne3A_459, %eq3A_36 : vector<16xi1>
      tpu.vector_store_idx %arg9[%get3A_329], %masked_cumsum3A_402 masked %or3A_460 {add = true} : memref<8192xf32, #tpu.memory_space<vmem>>[vector<16xi32>], vector<16xf32>, vector<16xi1>
      %neg3A_461 = arith.constant 0.000000e+00 : f32
      %neg3A_462 = vector.broadcast %neg3A_461 : f32 to vector<16xf32>
      %neg3A_463 = arith.subf %neg3A_462, %masked_cumsum3A_402 : vector<16xf32>
      %and3A_464 = arith.andi %or3A_460, %ne3A_38 : vector<16xi1>
      tpu.vector_store_idx %arg8[%gather3A_425], %neg3A_463 masked %and3A_464 {add = true} : memref<8192xf32, #tpu.memory_space<vmem>>[vector<16xi32>], vector<16xf32>, vector<16xi1>
      %ne3A_465 = arith.cmpi ne, %get3A_333, %gather3A_428 : vector<16xi32>
      %or3A_466 = arith.ori %ne3A_465, %eq3A_36 : vector<16xi1>
      tpu.vector_store_idx %arg8[%get3A_333], %masked_cumsum3A_405 masked %or3A_466 {add = true} : memref<8192xf32, #tpu.memory_space<vmem>>[vector<16xi32>], vector<16xf32>, vector<16xi1>
      %neg3A_467 = arith.constant 0.000000e+00 : f32
      %neg3A_468 = vector.broadcast %neg3A_467 : f32 to vector<16xf32>
      %neg3A_469 = arith.subf %neg3A_468, %masked_cumsum3A_405 : vector<16xf32>
      %and3A_470 = arith.andi %or3A_466, %ne3A_38 : vector<16xi1>
      tpu.vector_store_idx %arg9[%gather3A_428], %neg3A_469 masked %and3A_470 {add = true} : memref<8192xf32, #tpu.memory_space<vmem>>[vector<16xi32>], vector<16xf32>, vector<16xi1>
      %ne3A_471 = arith.cmpi ne, %get3A_337, %gather3A_431 : vector<16xi32>
      %or3A_472 = arith.ori %ne3A_471, %eq3A_36 : vector<16xi1>
      tpu.vector_store_idx %arg9[%get3A_337], %masked_cumsum3A_408 masked %or3A_472 {add = true} : memref<8192xf32, #tpu.memory_space<vmem>>[vector<16xi32>], vector<16xf32>, vector<16xi1>
      %neg3A_473 = arith.constant 0.000000e+00 : f32
      %neg3A_474 = vector.broadcast %neg3A_473 : f32 to vector<16xf32>
      %neg3A_475 = arith.subf %neg3A_474, %masked_cumsum3A_408 : vector<16xf32>
      %and3A_476 = arith.andi %or3A_472, %ne3A_38 : vector<16xi1>
      tpu.vector_store_idx %arg8[%gather3A_431], %neg3A_475 masked %and3A_476 {add = true} : memref<8192xf32, #tpu.memory_space<vmem>>[vector<16xi32>], vector<16xf32>, vector<16xi1>
    }
    %scan3A_76 = arith.constant 64 : i32
    %dma_wait3A_77 = arith.constant 24576 : i32
    %dma_wait3A_78 = tpu.memref_slice %arg6[%dma_wait3A_77] : memref<49152xf32, #tpu.memory_space<vmem>> -> memref<24576xf32, #tpu.memory_space<vmem>>
    %dma_wait3A_79 = tpu.memref_slice %arg2[%mul3A_58] : memref<3145728xf32, #tpu.memory_space<hbm>> -> memref<24576xf32, #tpu.memory_space<hbm>>
    %dma_wait3A_80 = arith.constant 24576 : i32
    %dma_wait3A_81 = tpu.memref_slice %arg6[%dma_wait3A_80] : memref<49152xf32, #tpu.memory_space<vmem>> -> memref<24576xf32, #tpu.memory_space<vmem>>
    %dma_wait3A_82 = tpu.memref_slice %arg2[%mul3A_58] : memref<3145728xf32, #tpu.memory_space<hbm>> -> memref<24576xf32, #tpu.memory_space<hbm>>
    tpu.wait_dma2 semaphore(%arg12 : memref<!tpu.dma_semaphore, #tpu.memory_space<semaphore_mem>>) src(%dma_wait3A_82 : memref<24576xf32, #tpu.memory_space<hbm>>) dst(%dma_wait3A_81 : memref<24576xf32, #tpu.memory_space<vmem>>)
    %dma_wait3A_83 = arith.constant 8192 : i32
    %dma_wait3A_84 = tpu.memref_slice %arg7[%dma_wait3A_83] : memref<16384xi32, #tpu.memory_space<vmem>> -> memref<8192xi32, #tpu.memory_space<vmem>>
    %dma_wait3A_85 = tpu.memref_slice %arg3[%add3A_56] : memref<1048576xi32, #tpu.memory_space<hbm>> -> memref<8192xi32, #tpu.memory_space<hbm>>
    %dma_wait3A_86 = arith.constant 8192 : i32
    %dma_wait3A_87 = tpu.memref_slice %arg7[%dma_wait3A_86] : memref<16384xi32, #tpu.memory_space<vmem>> -> memref<8192xi32, #tpu.memory_space<vmem>>
    %dma_wait3A_88 = tpu.memref_slice %arg3[%add3A_56] : memref<1048576xi32, #tpu.memory_space<hbm>> -> memref<8192xi32, #tpu.memory_space<hbm>>
    tpu.wait_dma2 semaphore(%arg12 : memref<!tpu.dma_semaphore, #tpu.memory_space<semaphore_mem>>) src(%dma_wait3A_88 : memref<8192xi32, #tpu.memory_space<hbm>>) dst(%dma_wait3A_87 : memref<8192xi32, #tpu.memory_space<vmem>>)
    %add3A_89 = arith.constant 16384 : i32
    %add3A_90 = arith.addi %mul3A_2, %add3A_89 : i32
    %mul3A_91 = arith.constant 3 : i32
    %mul3A_92 = arith.muli %add3A_90, %mul3A_91 : i32
    %dma_start3A_93 = arith.constant 0 : i32
    %dma_start3A_94 = tpu.memref_slice %arg6[%dma_start3A_93] : memref<49152xf32, #tpu.memory_space<vmem>> -> memref<24576xf32, #tpu.memory_space<vmem>>
    %dma_start3A_95 = tpu.memref_slice %arg2[%mul3A_92] : memref<3145728xf32, #tpu.memory_space<hbm>> -> memref<24576xf32, #tpu.memory_space<hbm>>
    %dma_start3A_96 = arith.constant 0 : i32
    %dma_start3A_97 = tpu.memref_slice %arg6[%dma_start3A_96] : memref<49152xf32, #tpu.memory_space<vmem>> -> memref<24576xf32, #tpu.memory_space<vmem>>
    %dma_start3A_98 = tpu.memref_slice %arg2[%mul3A_92] : memref<3145728xf32, #tpu.memory_space<hbm>> -> memref<24576xf32, #tpu.memory_space<hbm>>
    tpu.enqueue_dma source(%dma_start3A_98 : memref<24576xf32, #tpu.memory_space<hbm>>) target(%dma_start3A_97 : memref<24576xf32, #tpu.memory_space<vmem>>) target_semaphore(%arg11 : memref<!tpu.dma_semaphore, #tpu.memory_space<semaphore_mem>>)
    %dma_start3A_99 = arith.constant 0 : i32
    %dma_start3A_100 = tpu.memref_slice %arg7[%dma_start3A_99] : memref<16384xi32, #tpu.memory_space<vmem>> -> memref<8192xi32, #tpu.memory_space<vmem>>
    %dma_start3A_101 = tpu.memref_slice %arg3[%add3A_90] : memref<1048576xi32, #tpu.memory_space<hbm>> -> memref<8192xi32, #tpu.memory_space<hbm>>
    %dma_start3A_102 = arith.constant 0 : i32
    %dma_start3A_103 = tpu.memref_slice %arg7[%dma_start3A_102] : memref<16384xi32, #tpu.memory_space<vmem>> -> memref<8192xi32, #tpu.memory_space<vmem>>
    %dma_start3A_104 = tpu.memref_slice %arg3[%add3A_90] : memref<1048576xi32, #tpu.memory_space<hbm>> -> memref<8192xi32, #tpu.memory_space<hbm>>
    tpu.enqueue_dma source(%dma_start3A_104 : memref<8192xi32, #tpu.memory_space<hbm>>) target(%dma_start3A_103 : memref<8192xi32, #tpu.memory_space<vmem>>) target_semaphore(%arg11 : memref<!tpu.dma_semaphore, #tpu.memory_space<semaphore_mem>>)
    %scan3A_105 = arith.constant 0 : i32
    %scan3A_106 = arith.constant 0 : i32
    %scan3A_107 = arith.constant 64 : i32
    %scan3A_108 = arith.addi %scan3A_106, %scan3A_107 : i32
    %scan3A_109 = arith.constant 1 : i32
    scf.for %scan3A_169 = %scan3A_106 to %scan3A_108 step %scan3A_109  : i32 {
      %mul3A_170 = arith.constant 384 : i32
      %mul3A_171 = arith.muli %scan3A_169, %mul3A_170 : i32
      %add3A_172 = arith.constant 24576 : i32
      %add3A_173 = arith.addi %add3A_172, %mul3A_171 : i32
      %mul3A_174 = arith.constant 128 : i32
      %mul3A_175 = arith.muli %scan3A_169, %mul3A_174 : i32
      %add3A_176 = arith.constant 8192 : i32
      %add3A_177 = arith.addi %add3A_176, %mul3A_175 : i32
      %add3A_178 = arith.constant 0 : i32
      %add3A_179 = arith.addi %add3A_173, %add3A_178 : i32
      %get3A_180 = arith.index_cast %add3A_179 : i32 to index
      %get3A_181 = tpu.vector_load %arg6[%get3A_180] {strides = array<i32>} : memref<49152xf32, #tpu.memory_space<vmem>>, vector<16xf32>,
      %add3A_182 = arith.constant 16 : i32
      %add3A_183 = arith.addi %add3A_173, %add3A_182 : i32
      %get3A_184 = arith.index_cast %add3A_183 : i32 to index
      %get3A_185 = tpu.vector_load %arg6[%get3A_184] {strides = array<i32>} : memref<49152xf32, #tpu.memory_space<vmem>>, vector<16xf32>,
      %add3A_186 = arith.constant 32 : i32
      %add3A_187 = arith.addi %add3A_173, %add3A_186 : i32
      %get3A_188 = arith.index_cast %add3A_187 : i32 to index
      %get3A_189 = tpu.vector_load %arg6[%get3A_188] {strides = array<i32>} : memref<49152xf32, #tpu.memory_space<vmem>>, vector<16xf32>,
      %add3A_190 = arith.constant 48 : i32
      %add3A_191 = arith.addi %add3A_173, %add3A_190 : i32
      %get3A_192 = arith.index_cast %add3A_191 : i32 to index
      %get3A_193 = tpu.vector_load %arg6[%get3A_192] {strides = array<i32>} : memref<49152xf32, #tpu.memory_space<vmem>>, vector<16xf32>,
      %add3A_194 = arith.constant 64 : i32
      %add3A_195 = arith.addi %add3A_173, %add3A_194 : i32
      %get3A_196 = arith.index_cast %add3A_195 : i32 to index
      %get3A_197 = tpu.vector_load %arg6[%get3A_196] {strides = array<i32>} : memref<49152xf32, #tpu.memory_space<vmem>>, vector<16xf32>,
      %add3A_198 = arith.constant 80 : i32
      %add3A_199 = arith.addi %add3A_173, %add3A_198 : i32
      %get3A_200 = arith.index_cast %add3A_199 : i32 to index
      %get3A_201 = tpu.vector_load %arg6[%get3A_200] {strides = array<i32>} : memref<49152xf32, #tpu.memory_space<vmem>>, vector<16xf32>,
      %add3A_202 = arith.constant 96 : i32
      %add3A_203 = arith.addi %add3A_173, %add3A_202 : i32
      %get3A_204 = arith.index_cast %add3A_203 : i32 to index
      %get3A_205 = tpu.vector_load %arg6[%get3A_204] {strides = array<i32>} : memref<49152xf32, #tpu.memory_space<vmem>>, vector<16xf32>,
      %add3A_206 = arith.constant 112 : i32
      %add3A_207 = arith.addi %add3A_173, %add3A_206 : i32
      %get3A_208 = arith.index_cast %add3A_207 : i32 to index
      %get3A_209 = tpu.vector_load %arg6[%get3A_208] {strides = array<i32>} : memref<49152xf32, #tpu.memory_space<vmem>>, vector<16xf32>,
      %add3A_210 = arith.constant 128 : i32
      %add3A_211 = arith.addi %add3A_173, %add3A_210 : i32
      %add3A_212 = arith.constant 0 : i32
      %add3A_213 = arith.addi %add3A_211, %add3A_212 : i32
      %get3A_214 = arith.index_cast %add3A_213 : i32 to index
      %get3A_215 = tpu.vector_load %arg6[%get3A_214] {strides = array<i32>} : memref<49152xf32, #tpu.memory_space<vmem>>, vector<16xf32>,
      %add3A_216 = arith.constant 128 : i32
      %add3A_217 = arith.addi %add3A_173, %add3A_216 : i32
      %add3A_218 = arith.constant 16 : i32
      %add3A_219 = arith.addi %add3A_217, %add3A_218 : i32
      %get3A_220 = arith.index_cast %add3A_219 : i32 to index
      %get3A_221 = tpu.vector_load %arg6[%get3A_220] {strides = array<i32>} : memref<49152xf32, #tpu.memory_space<vmem>>, vector<16xf32>,
      %add3A_222 = arith.constant 128 : i32
      %add3A_223 = arith.addi %add3A_173, %add3A_222 : i32
      %add3A_224 = arith.constant 32 : i32
      %add3A_225 = arith.addi %add3A_223, %add3A_224 : i32
      %get3A_226 = arith.index_cast %add3A_225 : i32 to index
      %get3A_227 = tpu.vector_load %arg6[%get3A_226] {strides = array<i32>} : memref<49152xf32, #tpu.memory_space<vmem>>, vector<16xf32>,
      %add3A_228 = arith.constant 128 : i32
      %add3A_229 = arith.addi %add3A_173, %add3A_228 : i32
      %add3A_230 = arith.constant 48 : i32
      %add3A_231 = arith.addi %add3A_229, %add3A_230 : i32
      %get3A_232 = arith.index_cast %add3A_231 : i32 to index
      %get3A_233 = tpu.vector_load %arg6[%get3A_232] {strides = array<i32>} : memref<49152xf32, #tpu.memory_space<vmem>>, vector<16xf32>,
      %add3A_234 = arith.constant 128 : i32
      %add3A_235 = arith.addi %add3A_173, %add3A_234 : i32
      %add3A_236 = arith.constant 64 : i32
      %add3A_237 = arith.addi %add3A_235, %add3A_236 : i32
      %get3A_238 = arith.index_cast %add3A_237 : i32 to index
      %get3A_239 = tpu.vector_load %arg6[%get3A_238] {strides = array<i32>} : memref<49152xf32, #tpu.memory_space<vmem>>, vector<16xf32>,
      %add3A_240 = arith.constant 128 : i32
      %add3A_241 = arith.addi %add3A_173, %add3A_240 : i32
      %add3A_242 = arith.constant 80 : i32
      %add3A_243 = arith.addi %add3A_241, %add3A_242 : i32
      %get3A_244 = arith.index_cast %add3A_243 : i32 to index
      %get3A_245 = tpu.vector_load %arg6[%get3A_244] {strides = array<i32>} : memref<49152xf32, #tpu.memory_space<vmem>>, vector<16xf32>,
      %add3A_246 = arith.constant 128 : i32
      %add3A_247 = arith.addi %add3A_173, %add3A_246 : i32
      %add3A_248 = arith.constant 96 : i32
      %add3A_249 = arith.addi %add3A_247, %add3A_248 : i32
      %get3A_250 = arith.index_cast %add3A_249 : i32 to index
      %get3A_251 = tpu.vector_load %arg6[%get3A_250] {strides = array<i32>} : memref<49152xf32, #tpu.memory_space<vmem>>, vector<16xf32>,
      %add3A_252 = arith.constant 128 : i32
      %add3A_253 = arith.addi %add3A_173, %add3A_252 : i32
      %add3A_254 = arith.constant 112 : i32
      %add3A_255 = arith.addi %add3A_253, %add3A_254 : i32
      %get3A_256 = arith.index_cast %add3A_255 : i32 to index
      %get3A_257 = tpu.vector_load %arg6[%get3A_256] {strides = array<i32>} : memref<49152xf32, #tpu.memory_space<vmem>>, vector<16xf32>,
      %add3A_258 = arith.constant 256 : i32
      %add3A_259 = arith.addi %add3A_173, %add3A_258 : i32
      %add3A_260 = arith.constant 0 : i32
      %add3A_261 = arith.addi %add3A_259, %add3A_260 : i32
      %get3A_262 = arith.index_cast %add3A_261 : i32 to index
      %get3A_263 = tpu.vector_load %arg6[%get3A_262] {strides = array<i32>} : memref<49152xf32, #tpu.memory_space<vmem>>, vector<16xf32>,
      %add3A_264 = arith.constant 256 : i32
      %add3A_265 = arith.addi %add3A_173, %add3A_264 : i32
      %add3A_266 = arith.constant 16 : i32
      %add3A_267 = arith.addi %add3A_265, %add3A_266 : i32
      %get3A_268 = arith.index_cast %add3A_267 : i32 to index
      %get3A_269 = tpu.vector_load %arg6[%get3A_268] {strides = array<i32>} : memref<49152xf32, #tpu.memory_space<vmem>>, vector<16xf32>,
      %add3A_270 = arith.constant 256 : i32
      %add3A_271 = arith.addi %add3A_173, %add3A_270 : i32
      %add3A_272 = arith.constant 32 : i32
      %add3A_273 = arith.addi %add3A_271, %add3A_272 : i32
      %get3A_274 = arith.index_cast %add3A_273 : i32 to index
      %get3A_275 = tpu.vector_load %arg6[%get3A_274] {strides = array<i32>} : memref<49152xf32, #tpu.memory_space<vmem>>, vector<16xf32>,
      %add3A_276 = arith.constant 256 : i32
      %add3A_277 = arith.addi %add3A_173, %add3A_276 : i32
      %add3A_278 = arith.constant 48 : i32
      %add3A_279 = arith.addi %add3A_277, %add3A_278 : i32
      %get3A_280 = arith.index_cast %add3A_279 : i32 to index
      %get3A_281 = tpu.vector_load %arg6[%get3A_280] {strides = array<i32>} : memref<49152xf32, #tpu.memory_space<vmem>>, vector<16xf32>,
      %add3A_282 = arith.constant 256 : i32
      %add3A_283 = arith.addi %add3A_173, %add3A_282 : i32
      %add3A_284 = arith.constant 64 : i32
      %add3A_285 = arith.addi %add3A_283, %add3A_284 : i32
      %get3A_286 = arith.index_cast %add3A_285 : i32 to index
      %get3A_287 = tpu.vector_load %arg6[%get3A_286] {strides = array<i32>} : memref<49152xf32, #tpu.memory_space<vmem>>, vector<16xf32>,
      %add3A_288 = arith.constant 256 : i32
      %add3A_289 = arith.addi %add3A_173, %add3A_288 : i32
      %add3A_290 = arith.constant 80 : i32
      %add3A_291 = arith.addi %add3A_289, %add3A_290 : i32
      %get3A_292 = arith.index_cast %add3A_291 : i32 to index
      %get3A_293 = tpu.vector_load %arg6[%get3A_292] {strides = array<i32>} : memref<49152xf32, #tpu.memory_space<vmem>>, vector<16xf32>,
      %add3A_294 = arith.constant 256 : i32
      %add3A_295 = arith.addi %add3A_173, %add3A_294 : i32
      %add3A_296 = arith.constant 96 : i32
      %add3A_297 = arith.addi %add3A_295, %add3A_296 : i32
      %get3A_298 = arith.index_cast %add3A_297 : i32 to index
      %get3A_299 = tpu.vector_load %arg6[%get3A_298] {strides = array<i32>} : memref<49152xf32, #tpu.memory_space<vmem>>, vector<16xf32>,
      %add3A_300 = arith.constant 256 : i32
      %add3A_301 = arith.addi %add3A_173, %add3A_300 : i32
      %add3A_302 = arith.constant 112 : i32
      %add3A_303 = arith.addi %add3A_301, %add3A_302 : i32
      %get3A_304 = arith.index_cast %add3A_303 : i32 to index
      %get3A_305 = tpu.vector_load %arg6[%get3A_304] {strides = array<i32>} : memref<49152xf32, #tpu.memory_space<vmem>>, vector<16xf32>,
      %add3A_306 = arith.constant 0 : i32
      %add3A_307 = arith.addi %add3A_177, %add3A_306 : i32
      %get3A_308 = arith.index_cast %add3A_307 : i32 to index
      %get3A_309 = tpu.vector_load %arg7[%get3A_308] {strides = array<i32>} : memref<16384xi32, #tpu.memory_space<vmem>>, vector<16xi32>,
      %add3A_310 = arith.constant 16 : i32
      %add3A_311 = arith.addi %add3A_177, %add3A_310 : i32
      %get3A_312 = arith.index_cast %add3A_311 : i32 to index
      %get3A_313 = tpu.vector_load %arg7[%get3A_312] {strides = array<i32>} : memref<16384xi32, #tpu.memory_space<vmem>>, vector<16xi32>,
      %add3A_314 = arith.constant 32 : i32
      %add3A_315 = arith.addi %add3A_177, %add3A_314 : i32
      %get3A_316 = arith.index_cast %add3A_315 : i32 to index
      %get3A_317 = tpu.vector_load %arg7[%get3A_316] {strides = array<i32>} : memref<16384xi32, #tpu.memory_space<vmem>>, vector<16xi32>,
      %add3A_318 = arith.constant 48 : i32
      %add3A_319 = arith.addi %add3A_177, %add3A_318 : i32
      %get3A_320 = arith.index_cast %add3A_319 : i32 to index
      %get3A_321 = tpu.vector_load %arg7[%get3A_320] {strides = array<i32>} : memref<16384xi32, #tpu.memory_space<vmem>>, vector<16xi32>,
      %add3A_322 = arith.constant 64 : i32
      %add3A_323 = arith.addi %add3A_177, %add3A_322 : i32
      %get3A_324 = arith.index_cast %add3A_323 : i32 to index
      %get3A_325 = tpu.vector_load %arg7[%get3A_324] {strides = array<i32>} : memref<16384xi32, #tpu.memory_space<vmem>>, vector<16xi32>,
      %add3A_326 = arith.constant 80 : i32
      %add3A_327 = arith.addi %add3A_177, %add3A_326 : i32
      %get3A_328 = arith.index_cast %add3A_327 : i32 to index
      %get3A_329 = tpu.vector_load %arg7[%get3A_328] {strides = array<i32>} : memref<16384xi32, #tpu.memory_space<vmem>>, vector<16xi32>,
      %add3A_330 = arith.constant 96 : i32
      %add3A_331 = arith.addi %add3A_177, %add3A_330 : i32
      %get3A_332 = arith.index_cast %add3A_331 : i32 to index
      %get3A_333 = tpu.vector_load %arg7[%get3A_332] {strides = array<i32>} : memref<16384xi32, #tpu.memory_space<vmem>>, vector<16xi32>,
      %add3A_334 = arith.constant 112 : i32
      %add3A_335 = arith.addi %add3A_177, %add3A_334 : i32
      %get3A_336 = arith.index_cast %add3A_335 : i32 to index
      %get3A_337 = tpu.vector_load %arg7[%get3A_336] {strides = array<i32>} : memref<16384xi32, #tpu.memory_space<vmem>>, vector<16xi32>,
      %mul3A_338 = arith.mulf %get3A_181, %broadcast_in_dim3A : vector<16xf32>
      %mul3A_339 = arith.mulf %get3A_215, %broadcast_in_dim3A_21 : vector<16xf32>
      %add3A_340 = arith.addf %mul3A_338, %mul3A_339 : vector<16xf32>
      %mul3A_341 = arith.mulf %get3A_263, %broadcast_in_dim3A_24 : vector<16xf32>
      %add3A_342 = arith.addf %mul3A_341, %broadcast_in_dim3A_27 : vector<16xf32>
      %add3A_343 = arith.addf %add3A_340, %add3A_342 : vector<16xf32>
      %mul3A_344 = arith.mulf %get3A_185, %broadcast_in_dim3A : vector<16xf32>
      %mul3A_345 = arith.mulf %get3A_221, %broadcast_in_dim3A_21 : vector<16xf32>
      %add3A_346 = arith.addf %mul3A_344, %mul3A_345 : vector<16xf32>
      %mul3A_347 = arith.mulf %get3A_269, %broadcast_in_dim3A_24 : vector<16xf32>
      %add3A_348 = arith.addf %mul3A_347, %broadcast_in_dim3A_27 : vector<16xf32>
      %add3A_349 = arith.addf %add3A_346, %add3A_348 : vector<16xf32>
      %mul3A_350 = arith.mulf %get3A_189, %broadcast_in_dim3A : vector<16xf32>
      %mul3A_351 = arith.mulf %get3A_227, %broadcast_in_dim3A_21 : vector<16xf32>
      %add3A_352 = arith.addf %mul3A_350, %mul3A_351 : vector<16xf32>
      %mul3A_353 = arith.mulf %get3A_275, %broadcast_in_dim3A_24 : vector<16xf32>
      %add3A_354 = arith.addf %mul3A_353, %broadcast_in_dim3A_27 : vector<16xf32>
      %add3A_355 = arith.addf %add3A_352, %add3A_354 : vector<16xf32>
      %mul3A_356 = arith.mulf %get3A_193, %broadcast_in_dim3A : vector<16xf32>
      %mul3A_357 = arith.mulf %get3A_233, %broadcast_in_dim3A_21 : vector<16xf32>
      %add3A_358 = arith.addf %mul3A_356, %mul3A_357 : vector<16xf32>
      %mul3A_359 = arith.mulf %get3A_281, %broadcast_in_dim3A_24 : vector<16xf32>
      %add3A_360 = arith.addf %mul3A_359, %broadcast_in_dim3A_27 : vector<16xf32>
      %add3A_361 = arith.addf %add3A_358, %add3A_360 : vector<16xf32>
      %mul3A_362 = arith.mulf %get3A_197, %broadcast_in_dim3A : vector<16xf32>
      %mul3A_363 = arith.mulf %get3A_239, %broadcast_in_dim3A_21 : vector<16xf32>
      %add3A_364 = arith.addf %mul3A_362, %mul3A_363 : vector<16xf32>
      %mul3A_365 = arith.mulf %get3A_287, %broadcast_in_dim3A_24 : vector<16xf32>
      %add3A_366 = arith.addf %mul3A_365, %broadcast_in_dim3A_27 : vector<16xf32>
      %add3A_367 = arith.addf %add3A_364, %add3A_366 : vector<16xf32>
      %mul3A_368 = arith.mulf %get3A_201, %broadcast_in_dim3A : vector<16xf32>
      %mul3A_369 = arith.mulf %get3A_245, %broadcast_in_dim3A_21 : vector<16xf32>
      %add3A_370 = arith.addf %mul3A_368, %mul3A_369 : vector<16xf32>
      %mul3A_371 = arith.mulf %get3A_293, %broadcast_in_dim3A_24 : vector<16xf32>
      %add3A_372 = arith.addf %mul3A_371, %broadcast_in_dim3A_27 : vector<16xf32>
      %add3A_373 = arith.addf %add3A_370, %add3A_372 : vector<16xf32>
      %mul3A_374 = arith.mulf %get3A_205, %broadcast_in_dim3A : vector<16xf32>
      %mul3A_375 = arith.mulf %get3A_251, %broadcast_in_dim3A_21 : vector<16xf32>
      %add3A_376 = arith.addf %mul3A_374, %mul3A_375 : vector<16xf32>
      %mul3A_377 = arith.mulf %get3A_299, %broadcast_in_dim3A_24 : vector<16xf32>
      %add3A_378 = arith.addf %mul3A_377, %broadcast_in_dim3A_27 : vector<16xf32>
      %add3A_379 = arith.addf %add3A_376, %add3A_378 : vector<16xf32>
      %mul3A_380 = arith.mulf %get3A_209, %broadcast_in_dim3A : vector<16xf32>
      %mul3A_381 = arith.mulf %get3A_257, %broadcast_in_dim3A_21 : vector<16xf32>
      %add3A_382 = arith.addf %mul3A_380, %mul3A_381 : vector<16xf32>
      %mul3A_383 = arith.mulf %get3A_305, %broadcast_in_dim3A_24 : vector<16xf32>
      %add3A_384 = arith.addf %mul3A_383, %broadcast_in_dim3A_27 : vector<16xf32>
      %add3A_385 = arith.addf %add3A_382, %add3A_384 : vector<16xf32>
      %broadcast_in_dim3A_386 = arith.constant true
      %broadcast_in_dim3A_387 = vector.broadcast %broadcast_in_dim3A_386 : i1 to vector<16xi1>
      %masked_cumsum3A = tpu.scan <sum>, %add3A_343 masked %broadcast_in_dim3A_387 : vector<16xf32>, vector<16xi1> -> vector<16xf32>
      %broadcast_in_dim3A_388 = arith.constant true
      %broadcast_in_dim3A_389 = vector.broadcast %broadcast_in_dim3A_388 : i1 to vector<16xi1>
      %masked_cumsum3A_390 = tpu.scan <sum>, %add3A_349 masked %broadcast_in_dim3A_389 : vector<16xf32>, vector<16xi1> -> vector<16xf32>
      %broadcast_in_dim3A_391 = arith.constant true
      %broadcast_in_dim3A_392 = vector.broadcast %broadcast_in_dim3A_391 : i1 to vector<16xi1>
      %masked_cumsum3A_393 = tpu.scan <sum>, %add3A_355 masked %broadcast_in_dim3A_392 : vector<16xf32>, vector<16xi1> -> vector<16xf32>
      %broadcast_in_dim3A_394 = arith.constant true
      %broadcast_in_dim3A_395 = vector.broadcast %broadcast_in_dim3A_394 : i1 to vector<16xi1>
      %masked_cumsum3A_396 = tpu.scan <sum>, %add3A_361 masked %broadcast_in_dim3A_395 : vector<16xf32>, vector<16xi1> -> vector<16xf32>
      %broadcast_in_dim3A_397 = arith.constant true
      %broadcast_in_dim3A_398 = vector.broadcast %broadcast_in_dim3A_397 : i1 to vector<16xi1>
      %masked_cumsum3A_399 = tpu.scan <sum>, %add3A_367 masked %broadcast_in_dim3A_398 : vector<16xf32>, vector<16xi1> -> vector<16xf32>
      %broadcast_in_dim3A_400 = arith.constant true
      %broadcast_in_dim3A_401 = vector.broadcast %broadcast_in_dim3A_400 : i1 to vector<16xi1>
      %masked_cumsum3A_402 = tpu.scan <sum>, %add3A_373 masked %broadcast_in_dim3A_401 : vector<16xf32>, vector<16xi1> -> vector<16xf32>
      %broadcast_in_dim3A_403 = arith.constant true
      %broadcast_in_dim3A_404 = vector.broadcast %broadcast_in_dim3A_403 : i1 to vector<16xi1>
      %masked_cumsum3A_405 = tpu.scan <sum>, %add3A_379 masked %broadcast_in_dim3A_404 : vector<16xf32>, vector<16xi1> -> vector<16xf32>
      %broadcast_in_dim3A_406 = arith.constant true
      %broadcast_in_dim3A_407 = vector.broadcast %broadcast_in_dim3A_406 : i1 to vector<16xi1>
      %masked_cumsum3A_408 = tpu.scan <sum>, %add3A_385 masked %broadcast_in_dim3A_407 : vector<16xf32>, vector<16xi1> -> vector<16xf32>
      %broadcast_in_dim3A_409 = vector.shape_cast %min3A_34 : vector<16xi32> to vector<16x1xi32>
      %gather3A = vector.shape_cast %broadcast_in_dim3A_409 : vector<16x1xi32> to vector<16xi32>
      %gather3A_410 = tpu.dynamic_gather %get3A_309[%gather3A] in [0] : vector<16xi32>, vector<16xi32> -> vector<16xi32>
      %broadcast_in_dim3A_411 = vector.shape_cast %min3A_34 : vector<16xi32> to vector<16x1xi32>
      %gather3A_412 = vector.shape_cast %broadcast_in_dim3A_411 : vector<16x1xi32> to vector<16xi32>
      %gather3A_413 = tpu.dynamic_gather %get3A_313[%gather3A_412] in [0] : vector<16xi32>, vector<16xi32> -> vector<16xi32>
      %broadcast_in_dim3A_414 = vector.shape_cast %min3A_34 : vector<16xi32> to vector<16x1xi32>
      %gather3A_415 = vector.shape_cast %broadcast_in_dim3A_414 : vector<16x1xi32> to vector<16xi32>
      %gather3A_416 = tpu.dynamic_gather %get3A_317[%gather3A_415] in [0] : vector<16xi32>, vector<16xi32> -> vector<16xi32>
      %broadcast_in_dim3A_417 = vector.shape_cast %min3A_34 : vector<16xi32> to vector<16x1xi32>
      %gather3A_418 = vector.shape_cast %broadcast_in_dim3A_417 : vector<16x1xi32> to vector<16xi32>
      %gather3A_419 = tpu.dynamic_gather %get3A_321[%gather3A_418] in [0] : vector<16xi32>, vector<16xi32> -> vector<16xi32>
      %broadcast_in_dim3A_420 = vector.shape_cast %min3A_34 : vector<16xi32> to vector<16x1xi32>
      %gather3A_421 = vector.shape_cast %broadcast_in_dim3A_420 : vector<16x1xi32> to vector<16xi32>
      %gather3A_422 = tpu.dynamic_gather %get3A_325[%gather3A_421] in [0] : vector<16xi32>, vector<16xi32> -> vector<16xi32>
      %broadcast_in_dim3A_423 = vector.shape_cast %min3A_34 : vector<16xi32> to vector<16x1xi32>
      %gather3A_424 = vector.shape_cast %broadcast_in_dim3A_423 : vector<16x1xi32> to vector<16xi32>
      %gather3A_425 = tpu.dynamic_gather %get3A_329[%gather3A_424] in [0] : vector<16xi32>, vector<16xi32> -> vector<16xi32>
      %broadcast_in_dim3A_426 = vector.shape_cast %min3A_34 : vector<16xi32> to vector<16x1xi32>
      %gather3A_427 = vector.shape_cast %broadcast_in_dim3A_426 : vector<16x1xi32> to vector<16xi32>
      %gather3A_428 = tpu.dynamic_gather %get3A_333[%gather3A_427] in [0] : vector<16xi32>, vector<16xi32> -> vector<16xi32>
      %broadcast_in_dim3A_429 = vector.shape_cast %min3A_34 : vector<16xi32> to vector<16x1xi32>
      %gather3A_430 = vector.shape_cast %broadcast_in_dim3A_429 : vector<16x1xi32> to vector<16xi32>
      %gather3A_431 = tpu.dynamic_gather %get3A_337[%gather3A_430] in [0] : vector<16xi32>, vector<16xi32> -> vector<16xi32>
      %ne3A_432 = arith.cmpi ne, %get3A_309, %gather3A_410 : vector<16xi32>
      %or3A = arith.ori %ne3A_432, %eq3A_36 : vector<16xi1>
      tpu.vector_store_idx %arg8[%get3A_309], %masked_cumsum3A masked %or3A {add = true} : memref<8192xf32, #tpu.memory_space<vmem>>[vector<16xi32>], vector<16xf32>, vector<16xi1>
      %neg3A = arith.constant 0.000000e+00 : f32
      %neg3A_433 = vector.broadcast %neg3A : f32 to vector<16xf32>
      %neg3A_434 = arith.subf %neg3A_433, %masked_cumsum3A : vector<16xf32>
      %and3A = arith.andi %or3A, %ne3A_38 : vector<16xi1>
      tpu.vector_store_idx %arg9[%gather3A_410], %neg3A_434 masked %and3A {add = true} : memref<8192xf32, #tpu.memory_space<vmem>>[vector<16xi32>], vector<16xf32>, vector<16xi1>
      %ne3A_435 = arith.cmpi ne, %get3A_313, %gather3A_413 : vector<16xi32>
      %or3A_436 = arith.ori %ne3A_435, %eq3A_36 : vector<16xi1>
      tpu.vector_store_idx %arg9[%get3A_313], %masked_cumsum3A_390 masked %or3A_436 {add = true} : memref<8192xf32, #tpu.memory_space<vmem>>[vector<16xi32>], vector<16xf32>, vector<16xi1>
      %neg3A_437 = arith.constant 0.000000e+00 : f32
      %neg3A_438 = vector.broadcast %neg3A_437 : f32 to vector<16xf32>
      %neg3A_439 = arith.subf %neg3A_438, %masked_cumsum3A_390 : vector<16xf32>
      %and3A_440 = arith.andi %or3A_436, %ne3A_38 : vector<16xi1>
      tpu.vector_store_idx %arg8[%gather3A_413], %neg3A_439 masked %and3A_440 {add = true} : memref<8192xf32, #tpu.memory_space<vmem>>[vector<16xi32>], vector<16xf32>, vector<16xi1>
      %ne3A_441 = arith.cmpi ne, %get3A_317, %gather3A_416 : vector<16xi32>
      %or3A_442 = arith.ori %ne3A_441, %eq3A_36 : vector<16xi1>
      tpu.vector_store_idx %arg8[%get3A_317], %masked_cumsum3A_393 masked %or3A_442 {add = true} : memref<8192xf32, #tpu.memory_space<vmem>>[vector<16xi32>], vector<16xf32>, vector<16xi1>
      %neg3A_443 = arith.constant 0.000000e+00 : f32
      %neg3A_444 = vector.broadcast %neg3A_443 : f32 to vector<16xf32>
      %neg3A_445 = arith.subf %neg3A_444, %masked_cumsum3A_393 : vector<16xf32>
      %and3A_446 = arith.andi %or3A_442, %ne3A_38 : vector<16xi1>
      tpu.vector_store_idx %arg9[%gather3A_416], %neg3A_445 masked %and3A_446 {add = true} : memref<8192xf32, #tpu.memory_space<vmem>>[vector<16xi32>], vector<16xf32>, vector<16xi1>
      %ne3A_447 = arith.cmpi ne, %get3A_321, %gather3A_419 : vector<16xi32>
      %or3A_448 = arith.ori %ne3A_447, %eq3A_36 : vector<16xi1>
      tpu.vector_store_idx %arg9[%get3A_321], %masked_cumsum3A_396 masked %or3A_448 {add = true} : memref<8192xf32, #tpu.memory_space<vmem>>[vector<16xi32>], vector<16xf32>, vector<16xi1>
      %neg3A_449 = arith.constant 0.000000e+00 : f32
      %neg3A_450 = vector.broadcast %neg3A_449 : f32 to vector<16xf32>
      %neg3A_451 = arith.subf %neg3A_450, %masked_cumsum3A_396 : vector<16xf32>
      %and3A_452 = arith.andi %or3A_448, %ne3A_38 : vector<16xi1>
      tpu.vector_store_idx %arg8[%gather3A_419], %neg3A_451 masked %and3A_452 {add = true} : memref<8192xf32, #tpu.memory_space<vmem>>[vector<16xi32>], vector<16xf32>, vector<16xi1>
      %ne3A_453 = arith.cmpi ne, %get3A_325, %gather3A_422 : vector<16xi32>
      %or3A_454 = arith.ori %ne3A_453, %eq3A_36 : vector<16xi1>
      tpu.vector_store_idx %arg8[%get3A_325], %masked_cumsum3A_399 masked %or3A_454 {add = true} : memref<8192xf32, #tpu.memory_space<vmem>>[vector<16xi32>], vector<16xf32>, vector<16xi1>
      %neg3A_455 = arith.constant 0.000000e+00 : f32
      %neg3A_456 = vector.broadcast %neg3A_455 : f32 to vector<16xf32>
      %neg3A_457 = arith.subf %neg3A_456, %masked_cumsum3A_399 : vector<16xf32>
      %and3A_458 = arith.andi %or3A_454, %ne3A_38 : vector<16xi1>
      tpu.vector_store_idx %arg9[%gather3A_422], %neg3A_457 masked %and3A_458 {add = true} : memref<8192xf32, #tpu.memory_space<vmem>>[vector<16xi32>], vector<16xf32>, vector<16xi1>
      %ne3A_459 = arith.cmpi ne, %get3A_329, %gather3A_425 : vector<16xi32>
      %or3A_460 = arith.ori %ne3A_459, %eq3A_36 : vector<16xi1>
      tpu.vector_store_idx %arg9[%get3A_329], %masked_cumsum3A_402 masked %or3A_460 {add = true} : memref<8192xf32, #tpu.memory_space<vmem>>[vector<16xi32>], vector<16xf32>, vector<16xi1>
      %neg3A_461 = arith.constant 0.000000e+00 : f32
      %neg3A_462 = vector.broadcast %neg3A_461 : f32 to vector<16xf32>
      %neg3A_463 = arith.subf %neg3A_462, %masked_cumsum3A_402 : vector<16xf32>
      %and3A_464 = arith.andi %or3A_460, %ne3A_38 : vector<16xi1>
      tpu.vector_store_idx %arg8[%gather3A_425], %neg3A_463 masked %and3A_464 {add = true} : memref<8192xf32, #tpu.memory_space<vmem>>[vector<16xi32>], vector<16xf32>, vector<16xi1>
      %ne3A_465 = arith.cmpi ne, %get3A_333, %gather3A_428 : vector<16xi32>
      %or3A_466 = arith.ori %ne3A_465, %eq3A_36 : vector<16xi1>
      tpu.vector_store_idx %arg8[%get3A_333], %masked_cumsum3A_405 masked %or3A_466 {add = true} : memref<8192xf32, #tpu.memory_space<vmem>>[vector<16xi32>], vector<16xf32>, vector<16xi1>
      %neg3A_467 = arith.constant 0.000000e+00 : f32
      %neg3A_468 = vector.broadcast %neg3A_467 : f32 to vector<16xf32>
      %neg3A_469 = arith.subf %neg3A_468, %masked_cumsum3A_405 : vector<16xf32>
      %and3A_470 = arith.andi %or3A_466, %ne3A_38 : vector<16xi1>
      tpu.vector_store_idx %arg9[%gather3A_428], %neg3A_469 masked %and3A_470 {add = true} : memref<8192xf32, #tpu.memory_space<vmem>>[vector<16xi32>], vector<16xf32>, vector<16xi1>
      %ne3A_471 = arith.cmpi ne, %get3A_337, %gather3A_431 : vector<16xi32>
      %or3A_472 = arith.ori %ne3A_471, %eq3A_36 : vector<16xi1>
      tpu.vector_store_idx %arg9[%get3A_337], %masked_cumsum3A_408 masked %or3A_472 {add = true} : memref<8192xf32, #tpu.memory_space<vmem>>[vector<16xi32>], vector<16xf32>, vector<16xi1>
      %neg3A_473 = arith.constant 0.000000e+00 : f32
      %neg3A_474 = vector.broadcast %neg3A_473 : f32 to vector<16xf32>
      %neg3A_475 = arith.subf %neg3A_474, %masked_cumsum3A_408 : vector<16xf32>
      %and3A_476 = arith.andi %or3A_472, %ne3A_38 : vector<16xi1>
      tpu.vector_store_idx %arg8[%gather3A_431], %neg3A_475 masked %and3A_476 {add = true} : memref<8192xf32, #tpu.memory_space<vmem>>[vector<16xi32>], vector<16xf32>, vector<16xi1>
    }
    %scan3A_110 = arith.constant 64 : i32
    %dma_wait3A_111 = arith.constant 0 : i32
    %dma_wait3A_112 = tpu.memref_slice %arg6[%dma_wait3A_111] : memref<49152xf32, #tpu.memory_space<vmem>> -> memref<24576xf32, #tpu.memory_space<vmem>>
    %dma_wait3A_113 = tpu.memref_slice %arg2[%mul3A_92] : memref<3145728xf32, #tpu.memory_space<hbm>> -> memref<24576xf32, #tpu.memory_space<hbm>>
    %dma_wait3A_114 = arith.constant 0 : i32
    %dma_wait3A_115 = tpu.memref_slice %arg6[%dma_wait3A_114] : memref<49152xf32, #tpu.memory_space<vmem>> -> memref<24576xf32, #tpu.memory_space<vmem>>
    %dma_wait3A_116 = tpu.memref_slice %arg2[%mul3A_92] : memref<3145728xf32, #tpu.memory_space<hbm>> -> memref<24576xf32, #tpu.memory_space<hbm>>
    tpu.wait_dma2 semaphore(%arg11 : memref<!tpu.dma_semaphore, #tpu.memory_space<semaphore_mem>>) src(%dma_wait3A_116 : memref<24576xf32, #tpu.memory_space<hbm>>) dst(%dma_wait3A_115 : memref<24576xf32, #tpu.memory_space<vmem>>)
    %dma_wait3A_117 = arith.constant 0 : i32
    %dma_wait3A_118 = tpu.memref_slice %arg7[%dma_wait3A_117] : memref<16384xi32, #tpu.memory_space<vmem>> -> memref<8192xi32, #tpu.memory_space<vmem>>
    %dma_wait3A_119 = tpu.memref_slice %arg3[%add3A_90] : memref<1048576xi32, #tpu.memory_space<hbm>> -> memref<8192xi32, #tpu.memory_space<hbm>>
    %dma_wait3A_120 = arith.constant 0 : i32
    %dma_wait3A_121 = tpu.memref_slice %arg7[%dma_wait3A_120] : memref<16384xi32, #tpu.memory_space<vmem>> -> memref<8192xi32, #tpu.memory_space<vmem>>
    %dma_wait3A_122 = tpu.memref_slice %arg3[%add3A_90] : memref<1048576xi32, #tpu.memory_space<hbm>> -> memref<8192xi32, #tpu.memory_space<hbm>>
    tpu.wait_dma2 semaphore(%arg11 : memref<!tpu.dma_semaphore, #tpu.memory_space<semaphore_mem>>) src(%dma_wait3A_122 : memref<8192xi32, #tpu.memory_space<hbm>>) dst(%dma_wait3A_121 : memref<8192xi32, #tpu.memory_space<vmem>>)
    %add3A_123 = arith.constant 24576 : i32
    %add3A_124 = arith.addi %mul3A_2, %add3A_123 : i32
    %mul3A_125 = arith.constant 3 : i32
    %mul3A_126 = arith.muli %add3A_124, %mul3A_125 : i32
    %dma_start3A_127 = arith.constant 24576 : i32
    %dma_start3A_128 = tpu.memref_slice %arg6[%dma_start3A_127] : memref<49152xf32, #tpu.memory_space<vmem>> -> memref<24576xf32, #tpu.memory_space<vmem>>
    %dma_start3A_129 = tpu.memref_slice %arg2[%mul3A_126] : memref<3145728xf32, #tpu.memory_space<hbm>> -> memref<24576xf32, #tpu.memory_space<hbm>>
    %dma_start3A_130 = arith.constant 24576 : i32
    %dma_start3A_131 = tpu.memref_slice %arg6[%dma_start3A_130] : memref<49152xf32, #tpu.memory_space<vmem>> -> memref<24576xf32, #tpu.memory_space<vmem>>
    %dma_start3A_132 = tpu.memref_slice %arg2[%mul3A_126] : memref<3145728xf32, #tpu.memory_space<hbm>> -> memref<24576xf32, #tpu.memory_space<hbm>>
    tpu.enqueue_dma source(%dma_start3A_132 : memref<24576xf32, #tpu.memory_space<hbm>>) target(%dma_start3A_131 : memref<24576xf32, #tpu.memory_space<vmem>>) target_semaphore(%arg12 : memref<!tpu.dma_semaphore, #tpu.memory_space<semaphore_mem>>)
    %dma_start3A_133 = arith.constant 8192 : i32
    %dma_start3A_134 = tpu.memref_slice %arg7[%dma_start3A_133] : memref<16384xi32, #tpu.memory_space<vmem>> -> memref<8192xi32, #tpu.memory_space<vmem>>
    %dma_start3A_135 = tpu.memref_slice %arg3[%add3A_124] : memref<1048576xi32, #tpu.memory_space<hbm>> -> memref<8192xi32, #tpu.memory_space<hbm>>
    %dma_start3A_136 = arith.constant 8192 : i32
    %dma_start3A_137 = tpu.memref_slice %arg7[%dma_start3A_136] : memref<16384xi32, #tpu.memory_space<vmem>> -> memref<8192xi32, #tpu.memory_space<vmem>>
    %dma_start3A_138 = tpu.memref_slice %arg3[%add3A_124] : memref<1048576xi32, #tpu.memory_space<hbm>> -> memref<8192xi32, #tpu.memory_space<hbm>>
    tpu.enqueue_dma source(%dma_start3A_138 : memref<8192xi32, #tpu.memory_space<hbm>>) target(%dma_start3A_137 : memref<8192xi32, #tpu.memory_space<vmem>>) target_semaphore(%arg12 : memref<!tpu.dma_semaphore, #tpu.memory_space<semaphore_mem>>)
    %scan3A_139 = arith.constant 0 : i32
    %scan3A_140 = arith.constant 0 : i32
    %scan3A_141 = arith.constant 64 : i32
    %scan3A_142 = arith.addi %scan3A_140, %scan3A_141 : i32
    %scan3A_143 = arith.constant 1 : i32
    scf.for %scan3A_169 = %scan3A_140 to %scan3A_142 step %scan3A_143  : i32 {
      %mul3A_170 = arith.constant 384 : i32
      %mul3A_171 = arith.muli %scan3A_169, %mul3A_170 : i32
      %add3A_172 = arith.constant 0 : i32
      %add3A_173 = arith.addi %add3A_172, %mul3A_171 : i32
      %mul3A_174 = arith.constant 128 : i32
      %mul3A_175 = arith.muli %scan3A_169, %mul3A_174 : i32
      %add3A_176 = arith.constant 0 : i32
      %add3A_177 = arith.addi %add3A_176, %mul3A_175 : i32
      %add3A_178 = arith.constant 0 : i32
      %add3A_179 = arith.addi %add3A_173, %add3A_178 : i32
      %get3A_180 = arith.index_cast %add3A_179 : i32 to index
      %get3A_181 = tpu.vector_load %arg6[%get3A_180] {strides = array<i32>} : memref<49152xf32, #tpu.memory_space<vmem>>, vector<16xf32>,
      %add3A_182 = arith.constant 16 : i32
      %add3A_183 = arith.addi %add3A_173, %add3A_182 : i32
      %get3A_184 = arith.index_cast %add3A_183 : i32 to index
      %get3A_185 = tpu.vector_load %arg6[%get3A_184] {strides = array<i32>} : memref<49152xf32, #tpu.memory_space<vmem>>, vector<16xf32>,
      %add3A_186 = arith.constant 32 : i32
      %add3A_187 = arith.addi %add3A_173, %add3A_186 : i32
      %get3A_188 = arith.index_cast %add3A_187 : i32 to index
      %get3A_189 = tpu.vector_load %arg6[%get3A_188] {strides = array<i32>} : memref<49152xf32, #tpu.memory_space<vmem>>, vector<16xf32>,
      %add3A_190 = arith.constant 48 : i32
      %add3A_191 = arith.addi %add3A_173, %add3A_190 : i32
      %get3A_192 = arith.index_cast %add3A_191 : i32 to index
      %get3A_193 = tpu.vector_load %arg6[%get3A_192] {strides = array<i32>} : memref<49152xf32, #tpu.memory_space<vmem>>, vector<16xf32>,
      %add3A_194 = arith.constant 64 : i32
      %add3A_195 = arith.addi %add3A_173, %add3A_194 : i32
      %get3A_196 = arith.index_cast %add3A_195 : i32 to index
      %get3A_197 = tpu.vector_load %arg6[%get3A_196] {strides = array<i32>} : memref<49152xf32, #tpu.memory_space<vmem>>, vector<16xf32>,
      %add3A_198 = arith.constant 80 : i32
      %add3A_199 = arith.addi %add3A_173, %add3A_198 : i32
      %get3A_200 = arith.index_cast %add3A_199 : i32 to index
      %get3A_201 = tpu.vector_load %arg6[%get3A_200] {strides = array<i32>} : memref<49152xf32, #tpu.memory_space<vmem>>, vector<16xf32>,
      %add3A_202 = arith.constant 96 : i32
      %add3A_203 = arith.addi %add3A_173, %add3A_202 : i32
      %get3A_204 = arith.index_cast %add3A_203 : i32 to index
      %get3A_205 = tpu.vector_load %arg6[%get3A_204] {strides = array<i32>} : memref<49152xf32, #tpu.memory_space<vmem>>, vector<16xf32>,
      %add3A_206 = arith.constant 112 : i32
      %add3A_207 = arith.addi %add3A_173, %add3A_206 : i32
      %get3A_208 = arith.index_cast %add3A_207 : i32 to index
      %get3A_209 = tpu.vector_load %arg6[%get3A_208] {strides = array<i32>} : memref<49152xf32, #tpu.memory_space<vmem>>, vector<16xf32>,
      %add3A_210 = arith.constant 128 : i32
      %add3A_211 = arith.addi %add3A_173, %add3A_210 : i32
      %add3A_212 = arith.constant 0 : i32
      %add3A_213 = arith.addi %add3A_211, %add3A_212 : i32
      %get3A_214 = arith.index_cast %add3A_213 : i32 to index
      %get3A_215 = tpu.vector_load %arg6[%get3A_214] {strides = array<i32>} : memref<49152xf32, #tpu.memory_space<vmem>>, vector<16xf32>,
      %add3A_216 = arith.constant 128 : i32
      %add3A_217 = arith.addi %add3A_173, %add3A_216 : i32
      %add3A_218 = arith.constant 16 : i32
      %add3A_219 = arith.addi %add3A_217, %add3A_218 : i32
      %get3A_220 = arith.index_cast %add3A_219 : i32 to index
      %get3A_221 = tpu.vector_load %arg6[%get3A_220] {strides = array<i32>} : memref<49152xf32, #tpu.memory_space<vmem>>, vector<16xf32>,
      %add3A_222 = arith.constant 128 : i32
      %add3A_223 = arith.addi %add3A_173, %add3A_222 : i32
      %add3A_224 = arith.constant 32 : i32
      %add3A_225 = arith.addi %add3A_223, %add3A_224 : i32
      %get3A_226 = arith.index_cast %add3A_225 : i32 to index
      %get3A_227 = tpu.vector_load %arg6[%get3A_226] {strides = array<i32>} : memref<49152xf32, #tpu.memory_space<vmem>>, vector<16xf32>,
      %add3A_228 = arith.constant 128 : i32
      %add3A_229 = arith.addi %add3A_173, %add3A_228 : i32
      %add3A_230 = arith.constant 48 : i32
      %add3A_231 = arith.addi %add3A_229, %add3A_230 : i32
      %get3A_232 = arith.index_cast %add3A_231 : i32 to index
      %get3A_233 = tpu.vector_load %arg6[%get3A_232] {strides = array<i32>} : memref<49152xf32, #tpu.memory_space<vmem>>, vector<16xf32>,
      %add3A_234 = arith.constant 128 : i32
      %add3A_235 = arith.addi %add3A_173, %add3A_234 : i32
      %add3A_236 = arith.constant 64 : i32
      %add3A_237 = arith.addi %add3A_235, %add3A_236 : i32
      %get3A_238 = arith.index_cast %add3A_237 : i32 to index
      %get3A_239 = tpu.vector_load %arg6[%get3A_238] {strides = array<i32>} : memref<49152xf32, #tpu.memory_space<vmem>>, vector<16xf32>,
      %add3A_240 = arith.constant 128 : i32
      %add3A_241 = arith.addi %add3A_173, %add3A_240 : i32
      %add3A_242 = arith.constant 80 : i32
      %add3A_243 = arith.addi %add3A_241, %add3A_242 : i32
      %get3A_244 = arith.index_cast %add3A_243 : i32 to index
      %get3A_245 = tpu.vector_load %arg6[%get3A_244] {strides = array<i32>} : memref<49152xf32, #tpu.memory_space<vmem>>, vector<16xf32>,
      %add3A_246 = arith.constant 128 : i32
      %add3A_247 = arith.addi %add3A_173, %add3A_246 : i32
      %add3A_248 = arith.constant 96 : i32
      %add3A_249 = arith.addi %add3A_247, %add3A_248 : i32
      %get3A_250 = arith.index_cast %add3A_249 : i32 to index
      %get3A_251 = tpu.vector_load %arg6[%get3A_250] {strides = array<i32>} : memref<49152xf32, #tpu.memory_space<vmem>>, vector<16xf32>,
      %add3A_252 = arith.constant 128 : i32
      %add3A_253 = arith.addi %add3A_173, %add3A_252 : i32
      %add3A_254 = arith.constant 112 : i32
      %add3A_255 = arith.addi %add3A_253, %add3A_254 : i32
      %get3A_256 = arith.index_cast %add3A_255 : i32 to index
      %get3A_257 = tpu.vector_load %arg6[%get3A_256] {strides = array<i32>} : memref<49152xf32, #tpu.memory_space<vmem>>, vector<16xf32>,
      %add3A_258 = arith.constant 256 : i32
      %add3A_259 = arith.addi %add3A_173, %add3A_258 : i32
      %add3A_260 = arith.constant 0 : i32
      %add3A_261 = arith.addi %add3A_259, %add3A_260 : i32
      %get3A_262 = arith.index_cast %add3A_261 : i32 to index
      %get3A_263 = tpu.vector_load %arg6[%get3A_262] {strides = array<i32>} : memref<49152xf32, #tpu.memory_space<vmem>>, vector<16xf32>,
      %add3A_264 = arith.constant 256 : i32
      %add3A_265 = arith.addi %add3A_173, %add3A_264 : i32
      %add3A_266 = arith.constant 16 : i32
      %add3A_267 = arith.addi %add3A_265, %add3A_266 : i32
      %get3A_268 = arith.index_cast %add3A_267 : i32 to index
      %get3A_269 = tpu.vector_load %arg6[%get3A_268] {strides = array<i32>} : memref<49152xf32, #tpu.memory_space<vmem>>, vector<16xf32>,
      %add3A_270 = arith.constant 256 : i32
      %add3A_271 = arith.addi %add3A_173, %add3A_270 : i32
      %add3A_272 = arith.constant 32 : i32
      %add3A_273 = arith.addi %add3A_271, %add3A_272 : i32
      %get3A_274 = arith.index_cast %add3A_273 : i32 to index
      %get3A_275 = tpu.vector_load %arg6[%get3A_274] {strides = array<i32>} : memref<49152xf32, #tpu.memory_space<vmem>>, vector<16xf32>,
      %add3A_276 = arith.constant 256 : i32
      %add3A_277 = arith.addi %add3A_173, %add3A_276 : i32
      %add3A_278 = arith.constant 48 : i32
      %add3A_279 = arith.addi %add3A_277, %add3A_278 : i32
      %get3A_280 = arith.index_cast %add3A_279 : i32 to index
      %get3A_281 = tpu.vector_load %arg6[%get3A_280] {strides = array<i32>} : memref<49152xf32, #tpu.memory_space<vmem>>, vector<16xf32>,
      %add3A_282 = arith.constant 256 : i32
      %add3A_283 = arith.addi %add3A_173, %add3A_282 : i32
      %add3A_284 = arith.constant 64 : i32
      %add3A_285 = arith.addi %add3A_283, %add3A_284 : i32
      %get3A_286 = arith.index_cast %add3A_285 : i32 to index
      %get3A_287 = tpu.vector_load %arg6[%get3A_286] {strides = array<i32>} : memref<49152xf32, #tpu.memory_space<vmem>>, vector<16xf32>,
      %add3A_288 = arith.constant 256 : i32
      %add3A_289 = arith.addi %add3A_173, %add3A_288 : i32
      %add3A_290 = arith.constant 80 : i32
      %add3A_291 = arith.addi %add3A_289, %add3A_290 : i32
      %get3A_292 = arith.index_cast %add3A_291 : i32 to index
      %get3A_293 = tpu.vector_load %arg6[%get3A_292] {strides = array<i32>} : memref<49152xf32, #tpu.memory_space<vmem>>, vector<16xf32>,
      %add3A_294 = arith.constant 256 : i32
      %add3A_295 = arith.addi %add3A_173, %add3A_294 : i32
      %add3A_296 = arith.constant 96 : i32
      %add3A_297 = arith.addi %add3A_295, %add3A_296 : i32
      %get3A_298 = arith.index_cast %add3A_297 : i32 to index
      %get3A_299 = tpu.vector_load %arg6[%get3A_298] {strides = array<i32>} : memref<49152xf32, #tpu.memory_space<vmem>>, vector<16xf32>,
      %add3A_300 = arith.constant 256 : i32
      %add3A_301 = arith.addi %add3A_173, %add3A_300 : i32
      %add3A_302 = arith.constant 112 : i32
      %add3A_303 = arith.addi %add3A_301, %add3A_302 : i32
      %get3A_304 = arith.index_cast %add3A_303 : i32 to index
      %get3A_305 = tpu.vector_load %arg6[%get3A_304] {strides = array<i32>} : memref<49152xf32, #tpu.memory_space<vmem>>, vector<16xf32>,
      %add3A_306 = arith.constant 0 : i32
      %add3A_307 = arith.addi %add3A_177, %add3A_306 : i32
      %get3A_308 = arith.index_cast %add3A_307 : i32 to index
      %get3A_309 = tpu.vector_load %arg7[%get3A_308] {strides = array<i32>} : memref<16384xi32, #tpu.memory_space<vmem>>, vector<16xi32>,
      %add3A_310 = arith.constant 16 : i32
      %add3A_311 = arith.addi %add3A_177, %add3A_310 : i32
      %get3A_312 = arith.index_cast %add3A_311 : i32 to index
      %get3A_313 = tpu.vector_load %arg7[%get3A_312] {strides = array<i32>} : memref<16384xi32, #tpu.memory_space<vmem>>, vector<16xi32>,
      %add3A_314 = arith.constant 32 : i32
      %add3A_315 = arith.addi %add3A_177, %add3A_314 : i32
      %get3A_316 = arith.index_cast %add3A_315 : i32 to index
      %get3A_317 = tpu.vector_load %arg7[%get3A_316] {strides = array<i32>} : memref<16384xi32, #tpu.memory_space<vmem>>, vector<16xi32>,
      %add3A_318 = arith.constant 48 : i32
      %add3A_319 = arith.addi %add3A_177, %add3A_318 : i32
      %get3A_320 = arith.index_cast %add3A_319 : i32 to index
      %get3A_321 = tpu.vector_load %arg7[%get3A_320] {strides = array<i32>} : memref<16384xi32, #tpu.memory_space<vmem>>, vector<16xi32>,
      %add3A_322 = arith.constant 64 : i32
      %add3A_323 = arith.addi %add3A_177, %add3A_322 : i32
      %get3A_324 = arith.index_cast %add3A_323 : i32 to index
      %get3A_325 = tpu.vector_load %arg7[%get3A_324] {strides = array<i32>} : memref<16384xi32, #tpu.memory_space<vmem>>, vector<16xi32>,
      %add3A_326 = arith.constant 80 : i32
      %add3A_327 = arith.addi %add3A_177, %add3A_326 : i32
      %get3A_328 = arith.index_cast %add3A_327 : i32 to index
      %get3A_329 = tpu.vector_load %arg7[%get3A_328] {strides = array<i32>} : memref<16384xi32, #tpu.memory_space<vmem>>, vector<16xi32>,
      %add3A_330 = arith.constant 96 : i32
      %add3A_331 = arith.addi %add3A_177, %add3A_330 : i32
      %get3A_332 = arith.index_cast %add3A_331 : i32 to index
      %get3A_333 = tpu.vector_load %arg7[%get3A_332] {strides = array<i32>} : memref<16384xi32, #tpu.memory_space<vmem>>, vector<16xi32>,
      %add3A_334 = arith.constant 112 : i32
      %add3A_335 = arith.addi %add3A_177, %add3A_334 : i32
      %get3A_336 = arith.index_cast %add3A_335 : i32 to index
      %get3A_337 = tpu.vector_load %arg7[%get3A_336] {strides = array<i32>} : memref<16384xi32, #tpu.memory_space<vmem>>, vector<16xi32>,
      %mul3A_338 = arith.mulf %get3A_181, %broadcast_in_dim3A : vector<16xf32>
      %mul3A_339 = arith.mulf %get3A_215, %broadcast_in_dim3A_21 : vector<16xf32>
      %add3A_340 = arith.addf %mul3A_338, %mul3A_339 : vector<16xf32>
      %mul3A_341 = arith.mulf %get3A_263, %broadcast_in_dim3A_24 : vector<16xf32>
      %add3A_342 = arith.addf %mul3A_341, %broadcast_in_dim3A_27 : vector<16xf32>
      %add3A_343 = arith.addf %add3A_340, %add3A_342 : vector<16xf32>
      %mul3A_344 = arith.mulf %get3A_185, %broadcast_in_dim3A : vector<16xf32>
      %mul3A_345 = arith.mulf %get3A_221, %broadcast_in_dim3A_21 : vector<16xf32>
      %add3A_346 = arith.addf %mul3A_344, %mul3A_345 : vector<16xf32>
      %mul3A_347 = arith.mulf %get3A_269, %broadcast_in_dim3A_24 : vector<16xf32>
      %add3A_348 = arith.addf %mul3A_347, %broadcast_in_dim3A_27 : vector<16xf32>
      %add3A_349 = arith.addf %add3A_346, %add3A_348 : vector<16xf32>
      %mul3A_350 = arith.mulf %get3A_189, %broadcast_in_dim3A : vector<16xf32>
      %mul3A_351 = arith.mulf %get3A_227, %broadcast_in_dim3A_21 : vector<16xf32>
      %add3A_352 = arith.addf %mul3A_350, %mul3A_351 : vector<16xf32>
      %mul3A_353 = arith.mulf %get3A_275, %broadcast_in_dim3A_24 : vector<16xf32>
      %add3A_354 = arith.addf %mul3A_353, %broadcast_in_dim3A_27 : vector<16xf32>
      %add3A_355 = arith.addf %add3A_352, %add3A_354 : vector<16xf32>
      %mul3A_356 = arith.mulf %get3A_193, %broadcast_in_dim3A : vector<16xf32>
      %mul3A_357 = arith.mulf %get3A_233, %broadcast_in_dim3A_21 : vector<16xf32>
      %add3A_358 = arith.addf %mul3A_356, %mul3A_357 : vector<16xf32>
      %mul3A_359 = arith.mulf %get3A_281, %broadcast_in_dim3A_24 : vector<16xf32>
      %add3A_360 = arith.addf %mul3A_359, %broadcast_in_dim3A_27 : vector<16xf32>
      %add3A_361 = arith.addf %add3A_358, %add3A_360 : vector<16xf32>
      %mul3A_362 = arith.mulf %get3A_197, %broadcast_in_dim3A : vector<16xf32>
      %mul3A_363 = arith.mulf %get3A_239, %broadcast_in_dim3A_21 : vector<16xf32>
      %add3A_364 = arith.addf %mul3A_362, %mul3A_363 : vector<16xf32>
      %mul3A_365 = arith.mulf %get3A_287, %broadcast_in_dim3A_24 : vector<16xf32>
      %add3A_366 = arith.addf %mul3A_365, %broadcast_in_dim3A_27 : vector<16xf32>
      %add3A_367 = arith.addf %add3A_364, %add3A_366 : vector<16xf32>
      %mul3A_368 = arith.mulf %get3A_201, %broadcast_in_dim3A : vector<16xf32>
      %mul3A_369 = arith.mulf %get3A_245, %broadcast_in_dim3A_21 : vector<16xf32>
      %add3A_370 = arith.addf %mul3A_368, %mul3A_369 : vector<16xf32>
      %mul3A_371 = arith.mulf %get3A_293, %broadcast_in_dim3A_24 : vector<16xf32>
      %add3A_372 = arith.addf %mul3A_371, %broadcast_in_dim3A_27 : vector<16xf32>
      %add3A_373 = arith.addf %add3A_370, %add3A_372 : vector<16xf32>
      %mul3A_374 = arith.mulf %get3A_205, %broadcast_in_dim3A : vector<16xf32>
      %mul3A_375 = arith.mulf %get3A_251, %broadcast_in_dim3A_21 : vector<16xf32>
      %add3A_376 = arith.addf %mul3A_374, %mul3A_375 : vector<16xf32>
      %mul3A_377 = arith.mulf %get3A_299, %broadcast_in_dim3A_24 : vector<16xf32>
      %add3A_378 = arith.addf %mul3A_377, %broadcast_in_dim3A_27 : vector<16xf32>
      %add3A_379 = arith.addf %add3A_376, %add3A_378 : vector<16xf32>
      %mul3A_380 = arith.mulf %get3A_209, %broadcast_in_dim3A : vector<16xf32>
      %mul3A_381 = arith.mulf %get3A_257, %broadcast_in_dim3A_21 : vector<16xf32>
      %add3A_382 = arith.addf %mul3A_380, %mul3A_381 : vector<16xf32>
      %mul3A_383 = arith.mulf %get3A_305, %broadcast_in_dim3A_24 : vector<16xf32>
      %add3A_384 = arith.addf %mul3A_383, %broadcast_in_dim3A_27 : vector<16xf32>
      %add3A_385 = arith.addf %add3A_382, %add3A_384 : vector<16xf32>
      %broadcast_in_dim3A_386 = arith.constant true
      %broadcast_in_dim3A_387 = vector.broadcast %broadcast_in_dim3A_386 : i1 to vector<16xi1>
      %masked_cumsum3A = tpu.scan <sum>, %add3A_343 masked %broadcast_in_dim3A_387 : vector<16xf32>, vector<16xi1> -> vector<16xf32>
      %broadcast_in_dim3A_388 = arith.constant true
      %broadcast_in_dim3A_389 = vector.broadcast %broadcast_in_dim3A_388 : i1 to vector<16xi1>
      %masked_cumsum3A_390 = tpu.scan <sum>, %add3A_349 masked %broadcast_in_dim3A_389 : vector<16xf32>, vector<16xi1> -> vector<16xf32>
      %broadcast_in_dim3A_391 = arith.constant true
      %broadcast_in_dim3A_392 = vector.broadcast %broadcast_in_dim3A_391 : i1 to vector<16xi1>
      %masked_cumsum3A_393 = tpu.scan <sum>, %add3A_355 masked %broadcast_in_dim3A_392 : vector<16xf32>, vector<16xi1> -> vector<16xf32>
      %broadcast_in_dim3A_394 = arith.constant true
      %broadcast_in_dim3A_395 = vector.broadcast %broadcast_in_dim3A_394 : i1 to vector<16xi1>
      %masked_cumsum3A_396 = tpu.scan <sum>, %add3A_361 masked %broadcast_in_dim3A_395 : vector<16xf32>, vector<16xi1> -> vector<16xf32>
      %broadcast_in_dim3A_397 = arith.constant true
      %broadcast_in_dim3A_398 = vector.broadcast %broadcast_in_dim3A_397 : i1 to vector<16xi1>
      %masked_cumsum3A_399 = tpu.scan <sum>, %add3A_367 masked %broadcast_in_dim3A_398 : vector<16xf32>, vector<16xi1> -> vector<16xf32>
      %broadcast_in_dim3A_400 = arith.constant true
      %broadcast_in_dim3A_401 = vector.broadcast %broadcast_in_dim3A_400 : i1 to vector<16xi1>
      %masked_cumsum3A_402 = tpu.scan <sum>, %add3A_373 masked %broadcast_in_dim3A_401 : vector<16xf32>, vector<16xi1> -> vector<16xf32>
      %broadcast_in_dim3A_403 = arith.constant true
      %broadcast_in_dim3A_404 = vector.broadcast %broadcast_in_dim3A_403 : i1 to vector<16xi1>
      %masked_cumsum3A_405 = tpu.scan <sum>, %add3A_379 masked %broadcast_in_dim3A_404 : vector<16xf32>, vector<16xi1> -> vector<16xf32>
      %broadcast_in_dim3A_406 = arith.constant true
      %broadcast_in_dim3A_407 = vector.broadcast %broadcast_in_dim3A_406 : i1 to vector<16xi1>
      %masked_cumsum3A_408 = tpu.scan <sum>, %add3A_385 masked %broadcast_in_dim3A_407 : vector<16xf32>, vector<16xi1> -> vector<16xf32>
      %broadcast_in_dim3A_409 = vector.shape_cast %min3A_34 : vector<16xi32> to vector<16x1xi32>
      %gather3A = vector.shape_cast %broadcast_in_dim3A_409 : vector<16x1xi32> to vector<16xi32>
      %gather3A_410 = tpu.dynamic_gather %get3A_309[%gather3A] in [0] : vector<16xi32>, vector<16xi32> -> vector<16xi32>
      %broadcast_in_dim3A_411 = vector.shape_cast %min3A_34 : vector<16xi32> to vector<16x1xi32>
      %gather3A_412 = vector.shape_cast %broadcast_in_dim3A_411 : vector<16x1xi32> to vector<16xi32>
      %gather3A_413 = tpu.dynamic_gather %get3A_313[%gather3A_412] in [0] : vector<16xi32>, vector<16xi32> -> vector<16xi32>
      %broadcast_in_dim3A_414 = vector.shape_cast %min3A_34 : vector<16xi32> to vector<16x1xi32>
      %gather3A_415 = vector.shape_cast %broadcast_in_dim3A_414 : vector<16x1xi32> to vector<16xi32>
      %gather3A_416 = tpu.dynamic_gather %get3A_317[%gather3A_415] in [0] : vector<16xi32>, vector<16xi32> -> vector<16xi32>
      %broadcast_in_dim3A_417 = vector.shape_cast %min3A_34 : vector<16xi32> to vector<16x1xi32>
      %gather3A_418 = vector.shape_cast %broadcast_in_dim3A_417 : vector<16x1xi32> to vector<16xi32>
      %gather3A_419 = tpu.dynamic_gather %get3A_321[%gather3A_418] in [0] : vector<16xi32>, vector<16xi32> -> vector<16xi32>
      %broadcast_in_dim3A_420 = vector.shape_cast %min3A_34 : vector<16xi32> to vector<16x1xi32>
      %gather3A_421 = vector.shape_cast %broadcast_in_dim3A_420 : vector<16x1xi32> to vector<16xi32>
      %gather3A_422 = tpu.dynamic_gather %get3A_325[%gather3A_421] in [0] : vector<16xi32>, vector<16xi32> -> vector<16xi32>
      %broadcast_in_dim3A_423 = vector.shape_cast %min3A_34 : vector<16xi32> to vector<16x1xi32>
      %gather3A_424 = vector.shape_cast %broadcast_in_dim3A_423 : vector<16x1xi32> to vector<16xi32>
      %gather3A_425 = tpu.dynamic_gather %get3A_329[%gather3A_424] in [0] : vector<16xi32>, vector<16xi32> -> vector<16xi32>
      %broadcast_in_dim3A_426 = vector.shape_cast %min3A_34 : vector<16xi32> to vector<16x1xi32>
      %gather3A_427 = vector.shape_cast %broadcast_in_dim3A_426 : vector<16x1xi32> to vector<16xi32>
      %gather3A_428 = tpu.dynamic_gather %get3A_333[%gather3A_427] in [0] : vector<16xi32>, vector<16xi32> -> vector<16xi32>
      %broadcast_in_dim3A_429 = vector.shape_cast %min3A_34 : vector<16xi32> to vector<16x1xi32>
      %gather3A_430 = vector.shape_cast %broadcast_in_dim3A_429 : vector<16x1xi32> to vector<16xi32>
      %gather3A_431 = tpu.dynamic_gather %get3A_337[%gather3A_430] in [0] : vector<16xi32>, vector<16xi32> -> vector<16xi32>
      %ne3A_432 = arith.cmpi ne, %get3A_309, %gather3A_410 : vector<16xi32>
      %or3A = arith.ori %ne3A_432, %eq3A_36 : vector<16xi1>
      tpu.vector_store_idx %arg8[%get3A_309], %masked_cumsum3A masked %or3A {add = true} : memref<8192xf32, #tpu.memory_space<vmem>>[vector<16xi32>], vector<16xf32>, vector<16xi1>
      %neg3A = arith.constant 0.000000e+00 : f32
      %neg3A_433 = vector.broadcast %neg3A : f32 to vector<16xf32>
      %neg3A_434 = arith.subf %neg3A_433, %masked_cumsum3A : vector<16xf32>
      %and3A = arith.andi %or3A, %ne3A_38 : vector<16xi1>
      tpu.vector_store_idx %arg9[%gather3A_410], %neg3A_434 masked %and3A {add = true} : memref<8192xf32, #tpu.memory_space<vmem>>[vector<16xi32>], vector<16xf32>, vector<16xi1>
      %ne3A_435 = arith.cmpi ne, %get3A_313, %gather3A_413 : vector<16xi32>
      %or3A_436 = arith.ori %ne3A_435, %eq3A_36 : vector<16xi1>
      tpu.vector_store_idx %arg9[%get3A_313], %masked_cumsum3A_390 masked %or3A_436 {add = true} : memref<8192xf32, #tpu.memory_space<vmem>>[vector<16xi32>], vector<16xf32>, vector<16xi1>
      %neg3A_437 = arith.constant 0.000000e+00 : f32
      %neg3A_438 = vector.broadcast %neg3A_437 : f32 to vector<16xf32>
      %neg3A_439 = arith.subf %neg3A_438, %masked_cumsum3A_390 : vector<16xf32>
      %and3A_440 = arith.andi %or3A_436, %ne3A_38 : vector<16xi1>
      tpu.vector_store_idx %arg8[%gather3A_413], %neg3A_439 masked %and3A_440 {add = true} : memref<8192xf32, #tpu.memory_space<vmem>>[vector<16xi32>], vector<16xf32>, vector<16xi1>
      %ne3A_441 = arith.cmpi ne, %get3A_317, %gather3A_416 : vector<16xi32>
      %or3A_442 = arith.ori %ne3A_441, %eq3A_36 : vector<16xi1>
      tpu.vector_store_idx %arg8[%get3A_317], %masked_cumsum3A_393 masked %or3A_442 {add = true} : memref<8192xf32, #tpu.memory_space<vmem>>[vector<16xi32>], vector<16xf32>, vector<16xi1>
      %neg3A_443 = arith.constant 0.000000e+00 : f32
      %neg3A_444 = vector.broadcast %neg3A_443 : f32 to vector<16xf32>
      %neg3A_445 = arith.subf %neg3A_444, %masked_cumsum3A_393 : vector<16xf32>
      %and3A_446 = arith.andi %or3A_442, %ne3A_38 : vector<16xi1>
      tpu.vector_store_idx %arg9[%gather3A_416], %neg3A_445 masked %and3A_446 {add = true} : memref<8192xf32, #tpu.memory_space<vmem>>[vector<16xi32>], vector<16xf32>, vector<16xi1>
      %ne3A_447 = arith.cmpi ne, %get3A_321, %gather3A_419 : vector<16xi32>
      %or3A_448 = arith.ori %ne3A_447, %eq3A_36 : vector<16xi1>
      tpu.vector_store_idx %arg9[%get3A_321], %masked_cumsum3A_396 masked %or3A_448 {add = true} : memref<8192xf32, #tpu.memory_space<vmem>>[vector<16xi32>], vector<16xf32>, vector<16xi1>
      %neg3A_449 = arith.constant 0.000000e+00 : f32
      %neg3A_450 = vector.broadcast %neg3A_449 : f32 to vector<16xf32>
      %neg3A_451 = arith.subf %neg3A_450, %masked_cumsum3A_396 : vector<16xf32>
      %and3A_452 = arith.andi %or3A_448, %ne3A_38 : vector<16xi1>
      tpu.vector_store_idx %arg8[%gather3A_419], %neg3A_451 masked %and3A_452 {add = true} : memref<8192xf32, #tpu.memory_space<vmem>>[vector<16xi32>], vector<16xf32>, vector<16xi1>
      %ne3A_453 = arith.cmpi ne, %get3A_325, %gather3A_422 : vector<16xi32>
      %or3A_454 = arith.ori %ne3A_453, %eq3A_36 : vector<16xi1>
      tpu.vector_store_idx %arg8[%get3A_325], %masked_cumsum3A_399 masked %or3A_454 {add = true} : memref<8192xf32, #tpu.memory_space<vmem>>[vector<16xi32>], vector<16xf32>, vector<16xi1>
      %neg3A_455 = arith.constant 0.000000e+00 : f32
      %neg3A_456 = vector.broadcast %neg3A_455 : f32 to vector<16xf32>
      %neg3A_457 = arith.subf %neg3A_456, %masked_cumsum3A_399 : vector<16xf32>
      %and3A_458 = arith.andi %or3A_454, %ne3A_38 : vector<16xi1>
      tpu.vector_store_idx %arg9[%gather3A_422], %neg3A_457 masked %and3A_458 {add = true} : memref<8192xf32, #tpu.memory_space<vmem>>[vector<16xi32>], vector<16xf32>, vector<16xi1>
      %ne3A_459 = arith.cmpi ne, %get3A_329, %gather3A_425 : vector<16xi32>
      %or3A_460 = arith.ori %ne3A_459, %eq3A_36 : vector<16xi1>
      tpu.vector_store_idx %arg9[%get3A_329], %masked_cumsum3A_402 masked %or3A_460 {add = true} : memref<8192xf32, #tpu.memory_space<vmem>>[vector<16xi32>], vector<16xf32>, vector<16xi1>
      %neg3A_461 = arith.constant 0.000000e+00 : f32
      %neg3A_462 = vector.broadcast %neg3A_461 : f32 to vector<16xf32>
      %neg3A_463 = arith.subf %neg3A_462, %masked_cumsum3A_402 : vector<16xf32>
      %and3A_464 = arith.andi %or3A_460, %ne3A_38 : vector<16xi1>
      tpu.vector_store_idx %arg8[%gather3A_425], %neg3A_463 masked %and3A_464 {add = true} : memref<8192xf32, #tpu.memory_space<vmem>>[vector<16xi32>], vector<16xf32>, vector<16xi1>
      %ne3A_465 = arith.cmpi ne, %get3A_333, %gather3A_428 : vector<16xi32>
      %or3A_466 = arith.ori %ne3A_465, %eq3A_36 : vector<16xi1>
      tpu.vector_store_idx %arg8[%get3A_333], %masked_cumsum3A_405 masked %or3A_466 {add = true} : memref<8192xf32, #tpu.memory_space<vmem>>[vector<16xi32>], vector<16xf32>, vector<16xi1>
      %neg3A_467 = arith.constant 0.000000e+00 : f32
      %neg3A_468 = vector.broadcast %neg3A_467 : f32 to vector<16xf32>
      %neg3A_469 = arith.subf %neg3A_468, %masked_cumsum3A_405 : vector<16xf32>
      %and3A_470 = arith.andi %or3A_466, %ne3A_38 : vector<16xi1>
      tpu.vector_store_idx %arg9[%gather3A_428], %neg3A_469 masked %and3A_470 {add = true} : memref<8192xf32, #tpu.memory_space<vmem>>[vector<16xi32>], vector<16xf32>, vector<16xi1>
      %ne3A_471 = arith.cmpi ne, %get3A_337, %gather3A_431 : vector<16xi32>
      %or3A_472 = arith.ori %ne3A_471, %eq3A_36 : vector<16xi1>
      tpu.vector_store_idx %arg9[%get3A_337], %masked_cumsum3A_408 masked %or3A_472 {add = true} : memref<8192xf32, #tpu.memory_space<vmem>>[vector<16xi32>], vector<16xf32>, vector<16xi1>
      %neg3A_473 = arith.constant 0.000000e+00 : f32
      %neg3A_474 = vector.broadcast %neg3A_473 : f32 to vector<16xf32>
      %neg3A_475 = arith.subf %neg3A_474, %masked_cumsum3A_408 : vector<16xf32>
      %and3A_476 = arith.andi %or3A_472, %ne3A_38 : vector<16xi1>
      tpu.vector_store_idx %arg8[%gather3A_431], %neg3A_475 masked %and3A_476 {add = true} : memref<8192xf32, #tpu.memory_space<vmem>>[vector<16xi32>], vector<16xf32>, vector<16xi1>
    }
    %scan3A_144 = arith.constant 64 : i32
    %dma_wait3A_145 = arith.constant 24576 : i32
    %dma_wait3A_146 = tpu.memref_slice %arg6[%dma_wait3A_145] : memref<49152xf32, #tpu.memory_space<vmem>> -> memref<24576xf32, #tpu.memory_space<vmem>>
    %dma_wait3A_147 = tpu.memref_slice %arg2[%mul3A_126] : memref<3145728xf32, #tpu.memory_space<hbm>> -> memref<24576xf32, #tpu.memory_space<hbm>>
    %dma_wait3A_148 = arith.constant 24576 : i32
    %dma_wait3A_149 = tpu.memref_slice %arg6[%dma_wait3A_148] : memref<49152xf32, #tpu.memory_space<vmem>> -> memref<24576xf32, #tpu.memory_space<vmem>>
    %dma_wait3A_150 = tpu.memref_slice %arg2[%mul3A_126] : memref<3145728xf32, #tpu.memory_space<hbm>> -> memref<24576xf32, #tpu.memory_space<hbm>>
    tpu.wait_dma2 semaphore(%arg12 : memref<!tpu.dma_semaphore, #tpu.memory_space<semaphore_mem>>) src(%dma_wait3A_150 : memref<24576xf32, #tpu.memory_space<hbm>>) dst(%dma_wait3A_149 : memref<24576xf32, #tpu.memory_space<vmem>>)
    %dma_wait3A_151 = arith.constant 8192 : i32
    %dma_wait3A_152 = tpu.memref_slice %arg7[%dma_wait3A_151] : memref<16384xi32, #tpu.memory_space<vmem>> -> memref<8192xi32, #tpu.memory_space<vmem>>
    %dma_wait3A_153 = tpu.memref_slice %arg3[%add3A_124] : memref<1048576xi32, #tpu.memory_space<hbm>> -> memref<8192xi32, #tpu.memory_space<hbm>>
    %dma_wait3A_154 = arith.constant 8192 : i32
    %dma_wait3A_155 = tpu.memref_slice %arg7[%dma_wait3A_154] : memref<16384xi32, #tpu.memory_space<vmem>> -> memref<8192xi32, #tpu.memory_space<vmem>>
    %dma_wait3A_156 = tpu.memref_slice %arg3[%add3A_124] : memref<1048576xi32, #tpu.memory_space<hbm>> -> memref<8192xi32, #tpu.memory_space<hbm>>
    tpu.wait_dma2 semaphore(%arg12 : memref<!tpu.dma_semaphore, #tpu.memory_space<semaphore_mem>>) src(%dma_wait3A_156 : memref<8192xi32, #tpu.memory_space<hbm>>) dst(%dma_wait3A_155 : memref<8192xi32, #tpu.memory_space<vmem>>)
    %scan3A_157 = arith.constant 0 : i32
    %scan3A_158 = arith.constant 0 : i32
    %scan3A_159 = arith.constant 64 : i32
    %scan3A_160 = arith.addi %scan3A_158, %scan3A_159 : i32
    %scan3A_161 = arith.constant 1 : i32
    scf.for %scan3A_169 = %scan3A_158 to %scan3A_160 step %scan3A_161  : i32 {
      %mul3A_170 = arith.constant 384 : i32
      %mul3A_171 = arith.muli %scan3A_169, %mul3A_170 : i32
      %add3A_172 = arith.constant 24576 : i32
      %add3A_173 = arith.addi %add3A_172, %mul3A_171 : i32
      %mul3A_174 = arith.constant 128 : i32
      %mul3A_175 = arith.muli %scan3A_169, %mul3A_174 : i32
      %add3A_176 = arith.constant 8192 : i32
      %add3A_177 = arith.addi %add3A_176, %mul3A_175 : i32
      %add3A_178 = arith.constant 0 : i32
      %add3A_179 = arith.addi %add3A_173, %add3A_178 : i32
      %get3A_180 = arith.index_cast %add3A_179 : i32 to index
      %get3A_181 = tpu.vector_load %arg6[%get3A_180] {strides = array<i32>} : memref<49152xf32, #tpu.memory_space<vmem>>, vector<16xf32>,
      %add3A_182 = arith.constant 16 : i32
      %add3A_183 = arith.addi %add3A_173, %add3A_182 : i32
      %get3A_184 = arith.index_cast %add3A_183 : i32 to index
      %get3A_185 = tpu.vector_load %arg6[%get3A_184] {strides = array<i32>} : memref<49152xf32, #tpu.memory_space<vmem>>, vector<16xf32>,
      %add3A_186 = arith.constant 32 : i32
      %add3A_187 = arith.addi %add3A_173, %add3A_186 : i32
      %get3A_188 = arith.index_cast %add3A_187 : i32 to index
      %get3A_189 = tpu.vector_load %arg6[%get3A_188] {strides = array<i32>} : memref<49152xf32, #tpu.memory_space<vmem>>, vector<16xf32>,
      %add3A_190 = arith.constant 48 : i32
      %add3A_191 = arith.addi %add3A_173, %add3A_190 : i32
      %get3A_192 = arith.index_cast %add3A_191 : i32 to index
      %get3A_193 = tpu.vector_load %arg6[%get3A_192] {strides = array<i32>} : memref<49152xf32, #tpu.memory_space<vmem>>, vector<16xf32>,
      %add3A_194 = arith.constant 64 : i32
      %add3A_195 = arith.addi %add3A_173, %add3A_194 : i32
      %get3A_196 = arith.index_cast %add3A_195 : i32 to index
      %get3A_197 = tpu.vector_load %arg6[%get3A_196] {strides = array<i32>} : memref<49152xf32, #tpu.memory_space<vmem>>, vector<16xf32>,
      %add3A_198 = arith.constant 80 : i32
      %add3A_199 = arith.addi %add3A_173, %add3A_198 : i32
      %get3A_200 = arith.index_cast %add3A_199 : i32 to index
      %get3A_201 = tpu.vector_load %arg6[%get3A_200] {strides = array<i32>} : memref<49152xf32, #tpu.memory_space<vmem>>, vector<16xf32>,
      %add3A_202 = arith.constant 96 : i32
      %add3A_203 = arith.addi %add3A_173, %add3A_202 : i32
      %get3A_204 = arith.index_cast %add3A_203 : i32 to index
      %get3A_205 = tpu.vector_load %arg6[%get3A_204] {strides = array<i32>} : memref<49152xf32, #tpu.memory_space<vmem>>, vector<16xf32>,
      %add3A_206 = arith.constant 112 : i32
      %add3A_207 = arith.addi %add3A_173, %add3A_206 : i32
      %get3A_208 = arith.index_cast %add3A_207 : i32 to index
      %get3A_209 = tpu.vector_load %arg6[%get3A_208] {strides = array<i32>} : memref<49152xf32, #tpu.memory_space<vmem>>, vector<16xf32>,
      %add3A_210 = arith.constant 128 : i32
      %add3A_211 = arith.addi %add3A_173, %add3A_210 : i32
      %add3A_212 = arith.constant 0 : i32
      %add3A_213 = arith.addi %add3A_211, %add3A_212 : i32
      %get3A_214 = arith.index_cast %add3A_213 : i32 to index
      %get3A_215 = tpu.vector_load %arg6[%get3A_214] {strides = array<i32>} : memref<49152xf32, #tpu.memory_space<vmem>>, vector<16xf32>,
      %add3A_216 = arith.constant 128 : i32
      %add3A_217 = arith.addi %add3A_173, %add3A_216 : i32
      %add3A_218 = arith.constant 16 : i32
      %add3A_219 = arith.addi %add3A_217, %add3A_218 : i32
      %get3A_220 = arith.index_cast %add3A_219 : i32 to index
      %get3A_221 = tpu.vector_load %arg6[%get3A_220] {strides = array<i32>} : memref<49152xf32, #tpu.memory_space<vmem>>, vector<16xf32>,
      %add3A_222 = arith.constant 128 : i32
      %add3A_223 = arith.addi %add3A_173, %add3A_222 : i32
      %add3A_224 = arith.constant 32 : i32
      %add3A_225 = arith.addi %add3A_223, %add3A_224 : i32
      %get3A_226 = arith.index_cast %add3A_225 : i32 to index
      %get3A_227 = tpu.vector_load %arg6[%get3A_226] {strides = array<i32>} : memref<49152xf32, #tpu.memory_space<vmem>>, vector<16xf32>,
      %add3A_228 = arith.constant 128 : i32
      %add3A_229 = arith.addi %add3A_173, %add3A_228 : i32
      %add3A_230 = arith.constant 48 : i32
      %add3A_231 = arith.addi %add3A_229, %add3A_230 : i32
      %get3A_232 = arith.index_cast %add3A_231 : i32 to index
      %get3A_233 = tpu.vector_load %arg6[%get3A_232] {strides = array<i32>} : memref<49152xf32, #tpu.memory_space<vmem>>, vector<16xf32>,
      %add3A_234 = arith.constant 128 : i32
      %add3A_235 = arith.addi %add3A_173, %add3A_234 : i32
      %add3A_236 = arith.constant 64 : i32
      %add3A_237 = arith.addi %add3A_235, %add3A_236 : i32
      %get3A_238 = arith.index_cast %add3A_237 : i32 to index
      %get3A_239 = tpu.vector_load %arg6[%get3A_238] {strides = array<i32>} : memref<49152xf32, #tpu.memory_space<vmem>>, vector<16xf32>,
      %add3A_240 = arith.constant 128 : i32
      %add3A_241 = arith.addi %add3A_173, %add3A_240 : i32
      %add3A_242 = arith.constant 80 : i32
      %add3A_243 = arith.addi %add3A_241, %add3A_242 : i32
      %get3A_244 = arith.index_cast %add3A_243 : i32 to index
      %get3A_245 = tpu.vector_load %arg6[%get3A_244] {strides = array<i32>} : memref<49152xf32, #tpu.memory_space<vmem>>, vector<16xf32>,
      %add3A_246 = arith.constant 128 : i32
      %add3A_247 = arith.addi %add3A_173, %add3A_246 : i32
      %add3A_248 = arith.constant 96 : i32
      %add3A_249 = arith.addi %add3A_247, %add3A_248 : i32
      %get3A_250 = arith.index_cast %add3A_249 : i32 to index
      %get3A_251 = tpu.vector_load %arg6[%get3A_250] {strides = array<i32>} : memref<49152xf32, #tpu.memory_space<vmem>>, vector<16xf32>,
      %add3A_252 = arith.constant 128 : i32
      %add3A_253 = arith.addi %add3A_173, %add3A_252 : i32
      %add3A_254 = arith.constant 112 : i32
      %add3A_255 = arith.addi %add3A_253, %add3A_254 : i32
      %get3A_256 = arith.index_cast %add3A_255 : i32 to index
      %get3A_257 = tpu.vector_load %arg6[%get3A_256] {strides = array<i32>} : memref<49152xf32, #tpu.memory_space<vmem>>, vector<16xf32>,
      %add3A_258 = arith.constant 256 : i32
      %add3A_259 = arith.addi %add3A_173, %add3A_258 : i32
      %add3A_260 = arith.constant 0 : i32
      %add3A_261 = arith.addi %add3A_259, %add3A_260 : i32
      %get3A_262 = arith.index_cast %add3A_261 : i32 to index
      %get3A_263 = tpu.vector_load %arg6[%get3A_262] {strides = array<i32>} : memref<49152xf32, #tpu.memory_space<vmem>>, vector<16xf32>,
      %add3A_264 = arith.constant 256 : i32
      %add3A_265 = arith.addi %add3A_173, %add3A_264 : i32
      %add3A_266 = arith.constant 16 : i32
      %add3A_267 = arith.addi %add3A_265, %add3A_266 : i32
      %get3A_268 = arith.index_cast %add3A_267 : i32 to index
      %get3A_269 = tpu.vector_load %arg6[%get3A_268] {strides = array<i32>} : memref<49152xf32, #tpu.memory_space<vmem>>, vector<16xf32>,
      %add3A_270 = arith.constant 256 : i32
      %add3A_271 = arith.addi %add3A_173, %add3A_270 : i32
      %add3A_272 = arith.constant 32 : i32
      %add3A_273 = arith.addi %add3A_271, %add3A_272 : i32
      %get3A_274 = arith.index_cast %add3A_273 : i32 to index
      %get3A_275 = tpu.vector_load %arg6[%get3A_274] {strides = array<i32>} : memref<49152xf32, #tpu.memory_space<vmem>>, vector<16xf32>,
      %add3A_276 = arith.constant 256 : i32
      %add3A_277 = arith.addi %add3A_173, %add3A_276 : i32
      %add3A_278 = arith.constant 48 : i32
      %add3A_279 = arith.addi %add3A_277, %add3A_278 : i32
      %get3A_280 = arith.index_cast %add3A_279 : i32 to index
      %get3A_281 = tpu.vector_load %arg6[%get3A_280] {strides = array<i32>} : memref<49152xf32, #tpu.memory_space<vmem>>, vector<16xf32>,
      %add3A_282 = arith.constant 256 : i32
      %add3A_283 = arith.addi %add3A_173, %add3A_282 : i32
      %add3A_284 = arith.constant 64 : i32
      %add3A_285 = arith.addi %add3A_283, %add3A_284 : i32
      %get3A_286 = arith.index_cast %add3A_285 : i32 to index
      %get3A_287 = tpu.vector_load %arg6[%get3A_286] {strides = array<i32>} : memref<49152xf32, #tpu.memory_space<vmem>>, vector<16xf32>,
      %add3A_288 = arith.constant 256 : i32
      %add3A_289 = arith.addi %add3A_173, %add3A_288 : i32
      %add3A_290 = arith.constant 80 : i32
      %add3A_291 = arith.addi %add3A_289, %add3A_290 : i32
      %get3A_292 = arith.index_cast %add3A_291 : i32 to index
      %get3A_293 = tpu.vector_load %arg6[%get3A_292] {strides = array<i32>} : memref<49152xf32, #tpu.memory_space<vmem>>, vector<16xf32>,
      %add3A_294 = arith.constant 256 : i32
      %add3A_295 = arith.addi %add3A_173, %add3A_294 : i32
      %add3A_296 = arith.constant 96 : i32
      %add3A_297 = arith.addi %add3A_295, %add3A_296 : i32
      %get3A_298 = arith.index_cast %add3A_297 : i32 to index
      %get3A_299 = tpu.vector_load %arg6[%get3A_298] {strides = array<i32>} : memref<49152xf32, #tpu.memory_space<vmem>>, vector<16xf32>,
      %add3A_300 = arith.constant 256 : i32
      %add3A_301 = arith.addi %add3A_173, %add3A_300 : i32
      %add3A_302 = arith.constant 112 : i32
      %add3A_303 = arith.addi %add3A_301, %add3A_302 : i32
      %get3A_304 = arith.index_cast %add3A_303 : i32 to index
      %get3A_305 = tpu.vector_load %arg6[%get3A_304] {strides = array<i32>} : memref<49152xf32, #tpu.memory_space<vmem>>, vector<16xf32>,
      %add3A_306 = arith.constant 0 : i32
      %add3A_307 = arith.addi %add3A_177, %add3A_306 : i32
      %get3A_308 = arith.index_cast %add3A_307 : i32 to index
      %get3A_309 = tpu.vector_load %arg7[%get3A_308] {strides = array<i32>} : memref<16384xi32, #tpu.memory_space<vmem>>, vector<16xi32>,
      %add3A_310 = arith.constant 16 : i32
      %add3A_311 = arith.addi %add3A_177, %add3A_310 : i32
      %get3A_312 = arith.index_cast %add3A_311 : i32 to index
      %get3A_313 = tpu.vector_load %arg7[%get3A_312] {strides = array<i32>} : memref<16384xi32, #tpu.memory_space<vmem>>, vector<16xi32>,
      %add3A_314 = arith.constant 32 : i32
      %add3A_315 = arith.addi %add3A_177, %add3A_314 : i32
      %get3A_316 = arith.index_cast %add3A_315 : i32 to index
      %get3A_317 = tpu.vector_load %arg7[%get3A_316] {strides = array<i32>} : memref<16384xi32, #tpu.memory_space<vmem>>, vector<16xi32>,
      %add3A_318 = arith.constant 48 : i32
      %add3A_319 = arith.addi %add3A_177, %add3A_318 : i32
      %get3A_320 = arith.index_cast %add3A_319 : i32 to index
      %get3A_321 = tpu.vector_load %arg7[%get3A_320] {strides = array<i32>} : memref<16384xi32, #tpu.memory_space<vmem>>, vector<16xi32>,
      %add3A_322 = arith.constant 64 : i32
      %add3A_323 = arith.addi %add3A_177, %add3A_322 : i32
      %get3A_324 = arith.index_cast %add3A_323 : i32 to index
      %get3A_325 = tpu.vector_load %arg7[%get3A_324] {strides = array<i32>} : memref<16384xi32, #tpu.memory_space<vmem>>, vector<16xi32>,
      %add3A_326 = arith.constant 80 : i32
      %add3A_327 = arith.addi %add3A_177, %add3A_326 : i32
      %get3A_328 = arith.index_cast %add3A_327 : i32 to index
      %get3A_329 = tpu.vector_load %arg7[%get3A_328] {strides = array<i32>} : memref<16384xi32, #tpu.memory_space<vmem>>, vector<16xi32>,
      %add3A_330 = arith.constant 96 : i32
      %add3A_331 = arith.addi %add3A_177, %add3A_330 : i32
      %get3A_332 = arith.index_cast %add3A_331 : i32 to index
      %get3A_333 = tpu.vector_load %arg7[%get3A_332] {strides = array<i32>} : memref<16384xi32, #tpu.memory_space<vmem>>, vector<16xi32>,
      %add3A_334 = arith.constant 112 : i32
      %add3A_335 = arith.addi %add3A_177, %add3A_334 : i32
      %get3A_336 = arith.index_cast %add3A_335 : i32 to index
      %get3A_337 = tpu.vector_load %arg7[%get3A_336] {strides = array<i32>} : memref<16384xi32, #tpu.memory_space<vmem>>, vector<16xi32>,
      %mul3A_338 = arith.mulf %get3A_181, %broadcast_in_dim3A : vector<16xf32>
      %mul3A_339 = arith.mulf %get3A_215, %broadcast_in_dim3A_21 : vector<16xf32>
      %add3A_340 = arith.addf %mul3A_338, %mul3A_339 : vector<16xf32>
      %mul3A_341 = arith.mulf %get3A_263, %broadcast_in_dim3A_24 : vector<16xf32>
      %add3A_342 = arith.addf %mul3A_341, %broadcast_in_dim3A_27 : vector<16xf32>
      %add3A_343 = arith.addf %add3A_340, %add3A_342 : vector<16xf32>
      %mul3A_344 = arith.mulf %get3A_185, %broadcast_in_dim3A : vector<16xf32>
      %mul3A_345 = arith.mulf %get3A_221, %broadcast_in_dim3A_21 : vector<16xf32>
      %add3A_346 = arith.addf %mul3A_344, %mul3A_345 : vector<16xf32>
      %mul3A_347 = arith.mulf %get3A_269, %broadcast_in_dim3A_24 : vector<16xf32>
      %add3A_348 = arith.addf %mul3A_347, %broadcast_in_dim3A_27 : vector<16xf32>
      %add3A_349 = arith.addf %add3A_346, %add3A_348 : vector<16xf32>
      %mul3A_350 = arith.mulf %get3A_189, %broadcast_in_dim3A : vector<16xf32>
      %mul3A_351 = arith.mulf %get3A_227, %broadcast_in_dim3A_21 : vector<16xf32>
      %add3A_352 = arith.addf %mul3A_350, %mul3A_351 : vector<16xf32>
      %mul3A_353 = arith.mulf %get3A_275, %broadcast_in_dim3A_24 : vector<16xf32>
      %add3A_354 = arith.addf %mul3A_353, %broadcast_in_dim3A_27 : vector<16xf32>
      %add3A_355 = arith.addf %add3A_352, %add3A_354 : vector<16xf32>
      %mul3A_356 = arith.mulf %get3A_193, %broadcast_in_dim3A : vector<16xf32>
      %mul3A_357 = arith.mulf %get3A_233, %broadcast_in_dim3A_21 : vector<16xf32>
      %add3A_358 = arith.addf %mul3A_356, %mul3A_357 : vector<16xf32>
      %mul3A_359 = arith.mulf %get3A_281, %broadcast_in_dim3A_24 : vector<16xf32>
      %add3A_360 = arith.addf %mul3A_359, %broadcast_in_dim3A_27 : vector<16xf32>
      %add3A_361 = arith.addf %add3A_358, %add3A_360 : vector<16xf32>
      %mul3A_362 = arith.mulf %get3A_197, %broadcast_in_dim3A : vector<16xf32>
      %mul3A_363 = arith.mulf %get3A_239, %broadcast_in_dim3A_21 : vector<16xf32>
      %add3A_364 = arith.addf %mul3A_362, %mul3A_363 : vector<16xf32>
      %mul3A_365 = arith.mulf %get3A_287, %broadcast_in_dim3A_24 : vector<16xf32>
      %add3A_366 = arith.addf %mul3A_365, %broadcast_in_dim3A_27 : vector<16xf32>
      %add3A_367 = arith.addf %add3A_364, %add3A_366 : vector<16xf32>
      %mul3A_368 = arith.mulf %get3A_201, %broadcast_in_dim3A : vector<16xf32>
      %mul3A_369 = arith.mulf %get3A_245, %broadcast_in_dim3A_21 : vector<16xf32>
      %add3A_370 = arith.addf %mul3A_368, %mul3A_369 : vector<16xf32>
      %mul3A_371 = arith.mulf %get3A_293, %broadcast_in_dim3A_24 : vector<16xf32>
      %add3A_372 = arith.addf %mul3A_371, %broadcast_in_dim3A_27 : vector<16xf32>
      %add3A_373 = arith.addf %add3A_370, %add3A_372 : vector<16xf32>
      %mul3A_374 = arith.mulf %get3A_205, %broadcast_in_dim3A : vector<16xf32>
      %mul3A_375 = arith.mulf %get3A_251, %broadcast_in_dim3A_21 : vector<16xf32>
      %add3A_376 = arith.addf %mul3A_374, %mul3A_375 : vector<16xf32>
      %mul3A_377 = arith.mulf %get3A_299, %broadcast_in_dim3A_24 : vector<16xf32>
      %add3A_378 = arith.addf %mul3A_377, %broadcast_in_dim3A_27 : vector<16xf32>
      %add3A_379 = arith.addf %add3A_376, %add3A_378 : vector<16xf32>
      %mul3A_380 = arith.mulf %get3A_209, %broadcast_in_dim3A : vector<16xf32>
      %mul3A_381 = arith.mulf %get3A_257, %broadcast_in_dim3A_21 : vector<16xf32>
      %add3A_382 = arith.addf %mul3A_380, %mul3A_381 : vector<16xf32>
      %mul3A_383 = arith.mulf %get3A_305, %broadcast_in_dim3A_24 : vector<16xf32>
      %add3A_384 = arith.addf %mul3A_383, %broadcast_in_dim3A_27 : vector<16xf32>
      %add3A_385 = arith.addf %add3A_382, %add3A_384 : vector<16xf32>
      %broadcast_in_dim3A_386 = arith.constant true
      %broadcast_in_dim3A_387 = vector.broadcast %broadcast_in_dim3A_386 : i1 to vector<16xi1>
      %masked_cumsum3A = tpu.scan <sum>, %add3A_343 masked %broadcast_in_dim3A_387 : vector<16xf32>, vector<16xi1> -> vector<16xf32>
      %broadcast_in_dim3A_388 = arith.constant true
      %broadcast_in_dim3A_389 = vector.broadcast %broadcast_in_dim3A_388 : i1 to vector<16xi1>
      %masked_cumsum3A_390 = tpu.scan <sum>, %add3A_349 masked %broadcast_in_dim3A_389 : vector<16xf32>, vector<16xi1> -> vector<16xf32>
      %broadcast_in_dim3A_391 = arith.constant true
      %broadcast_in_dim3A_392 = vector.broadcast %broadcast_in_dim3A_391 : i1 to vector<16xi1>
      %masked_cumsum3A_393 = tpu.scan <sum>, %add3A_355 masked %broadcast_in_dim3A_392 : vector<16xf32>, vector<16xi1> -> vector<16xf32>
      %broadcast_in_dim3A_394 = arith.constant true
      %broadcast_in_dim3A_395 = vector.broadcast %broadcast_in_dim3A_394 : i1 to vector<16xi1>
      %masked_cumsum3A_396 = tpu.scan <sum>, %add3A_361 masked %broadcast_in_dim3A_395 : vector<16xf32>, vector<16xi1> -> vector<16xf32>
      %broadcast_in_dim3A_397 = arith.constant true
      %broadcast_in_dim3A_398 = vector.broadcast %broadcast_in_dim3A_397 : i1 to vector<16xi1>
      %masked_cumsum3A_399 = tpu.scan <sum>, %add3A_367 masked %broadcast_in_dim3A_398 : vector<16xf32>, vector<16xi1> -> vector<16xf32>
      %broadcast_in_dim3A_400 = arith.constant true
      %broadcast_in_dim3A_401 = vector.broadcast %broadcast_in_dim3A_400 : i1 to vector<16xi1>
      %masked_cumsum3A_402 = tpu.scan <sum>, %add3A_373 masked %broadcast_in_dim3A_401 : vector<16xf32>, vector<16xi1> -> vector<16xf32>
      %broadcast_in_dim3A_403 = arith.constant true
      %broadcast_in_dim3A_404 = vector.broadcast %broadcast_in_dim3A_403 : i1 to vector<16xi1>
      %masked_cumsum3A_405 = tpu.scan <sum>, %add3A_379 masked %broadcast_in_dim3A_404 : vector<16xf32>, vector<16xi1> -> vector<16xf32>
      %broadcast_in_dim3A_406 = arith.constant true
      %broadcast_in_dim3A_407 = vector.broadcast %broadcast_in_dim3A_406 : i1 to vector<16xi1>
      %masked_cumsum3A_408 = tpu.scan <sum>, %add3A_385 masked %broadcast_in_dim3A_407 : vector<16xf32>, vector<16xi1> -> vector<16xf32>
      %broadcast_in_dim3A_409 = vector.shape_cast %min3A_34 : vector<16xi32> to vector<16x1xi32>
      %gather3A = vector.shape_cast %broadcast_in_dim3A_409 : vector<16x1xi32> to vector<16xi32>
      %gather3A_410 = tpu.dynamic_gather %get3A_309[%gather3A] in [0] : vector<16xi32>, vector<16xi32> -> vector<16xi32>
      %broadcast_in_dim3A_411 = vector.shape_cast %min3A_34 : vector<16xi32> to vector<16x1xi32>
      %gather3A_412 = vector.shape_cast %broadcast_in_dim3A_411 : vector<16x1xi32> to vector<16xi32>
      %gather3A_413 = tpu.dynamic_gather %get3A_313[%gather3A_412] in [0] : vector<16xi32>, vector<16xi32> -> vector<16xi32>
      %broadcast_in_dim3A_414 = vector.shape_cast %min3A_34 : vector<16xi32> to vector<16x1xi32>
      %gather3A_415 = vector.shape_cast %broadcast_in_dim3A_414 : vector<16x1xi32> to vector<16xi32>
      %gather3A_416 = tpu.dynamic_gather %get3A_317[%gather3A_415] in [0] : vector<16xi32>, vector<16xi32> -> vector<16xi32>
      %broadcast_in_dim3A_417 = vector.shape_cast %min3A_34 : vector<16xi32> to vector<16x1xi32>
      %gather3A_418 = vector.shape_cast %broadcast_in_dim3A_417 : vector<16x1xi32> to vector<16xi32>
      %gather3A_419 = tpu.dynamic_gather %get3A_321[%gather3A_418] in [0] : vector<16xi32>, vector<16xi32> -> vector<16xi32>
      %broadcast_in_dim3A_420 = vector.shape_cast %min3A_34 : vector<16xi32> to vector<16x1xi32>
      %gather3A_421 = vector.shape_cast %broadcast_in_dim3A_420 : vector<16x1xi32> to vector<16xi32>
      %gather3A_422 = tpu.dynamic_gather %get3A_325[%gather3A_421] in [0] : vector<16xi32>, vector<16xi32> -> vector<16xi32>
      %broadcast_in_dim3A_423 = vector.shape_cast %min3A_34 : vector<16xi32> to vector<16x1xi32>
      %gather3A_424 = vector.shape_cast %broadcast_in_dim3A_423 : vector<16x1xi32> to vector<16xi32>
      %gather3A_425 = tpu.dynamic_gather %get3A_329[%gather3A_424] in [0] : vector<16xi32>, vector<16xi32> -> vector<16xi32>
      %broadcast_in_dim3A_426 = vector.shape_cast %min3A_34 : vector<16xi32> to vector<16x1xi32>
      %gather3A_427 = vector.shape_cast %broadcast_in_dim3A_426 : vector<16x1xi32> to vector<16xi32>
      %gather3A_428 = tpu.dynamic_gather %get3A_333[%gather3A_427] in [0] : vector<16xi32>, vector<16xi32> -> vector<16xi32>
      %broadcast_in_dim3A_429 = vector.shape_cast %min3A_34 : vector<16xi32> to vector<16x1xi32>
      %gather3A_430 = vector.shape_cast %broadcast_in_dim3A_429 : vector<16x1xi32> to vector<16xi32>
      %gather3A_431 = tpu.dynamic_gather %get3A_337[%gather3A_430] in [0] : vector<16xi32>, vector<16xi32> -> vector<16xi32>
      %ne3A_432 = arith.cmpi ne, %get3A_309, %gather3A_410 : vector<16xi32>
      %or3A = arith.ori %ne3A_432, %eq3A_36 : vector<16xi1>
      tpu.vector_store_idx %arg8[%get3A_309], %masked_cumsum3A masked %or3A {add = true} : memref<8192xf32, #tpu.memory_space<vmem>>[vector<16xi32>], vector<16xf32>, vector<16xi1>
      %neg3A = arith.constant 0.000000e+00 : f32
      %neg3A_433 = vector.broadcast %neg3A : f32 to vector<16xf32>
      %neg3A_434 = arith.subf %neg3A_433, %masked_cumsum3A : vector<16xf32>
      %and3A = arith.andi %or3A, %ne3A_38 : vector<16xi1>
      tpu.vector_store_idx %arg9[%gather3A_410], %neg3A_434 masked %and3A {add = true} : memref<8192xf32, #tpu.memory_space<vmem>>[vector<16xi32>], vector<16xf32>, vector<16xi1>
      %ne3A_435 = arith.cmpi ne, %get3A_313, %gather3A_413 : vector<16xi32>
      %or3A_436 = arith.ori %ne3A_435, %eq3A_36 : vector<16xi1>
      tpu.vector_store_idx %arg9[%get3A_313], %masked_cumsum3A_390 masked %or3A_436 {add = true} : memref<8192xf32, #tpu.memory_space<vmem>>[vector<16xi32>], vector<16xf32>, vector<16xi1>
      %neg3A_437 = arith.constant 0.000000e+00 : f32
      %neg3A_438 = vector.broadcast %neg3A_437 : f32 to vector<16xf32>
      %neg3A_439 = arith.subf %neg3A_438, %masked_cumsum3A_390 : vector<16xf32>
      %and3A_440 = arith.andi %or3A_436, %ne3A_38 : vector<16xi1>
      tpu.vector_store_idx %arg8[%gather3A_413], %neg3A_439 masked %and3A_440 {add = true} : memref<8192xf32, #tpu.memory_space<vmem>>[vector<16xi32>], vector<16xf32>, vector<16xi1>
      %ne3A_441 = arith.cmpi ne, %get3A_317, %gather3A_416 : vector<16xi32>
      %or3A_442 = arith.ori %ne3A_441, %eq3A_36 : vector<16xi1>
      tpu.vector_store_idx %arg8[%get3A_317], %masked_cumsum3A_393 masked %or3A_442 {add = true} : memref<8192xf32, #tpu.memory_space<vmem>>[vector<16xi32>], vector<16xf32>, vector<16xi1>
      %neg3A_443 = arith.constant 0.000000e+00 : f32
      %neg3A_444 = vector.broadcast %neg3A_443 : f32 to vector<16xf32>
      %neg3A_445 = arith.subf %neg3A_444, %masked_cumsum3A_393 : vector<16xf32>
      %and3A_446 = arith.andi %or3A_442, %ne3A_38 : vector<16xi1>
      tpu.vector_store_idx %arg9[%gather3A_416], %neg3A_445 masked %and3A_446 {add = true} : memref<8192xf32, #tpu.memory_space<vmem>>[vector<16xi32>], vector<16xf32>, vector<16xi1>
      %ne3A_447 = arith.cmpi ne, %get3A_321, %gather3A_419 : vector<16xi32>
      %or3A_448 = arith.ori %ne3A_447, %eq3A_36 : vector<16xi1>
      tpu.vector_store_idx %arg9[%get3A_321], %masked_cumsum3A_396 masked %or3A_448 {add = true} : memref<8192xf32, #tpu.memory_space<vmem>>[vector<16xi32>], vector<16xf32>, vector<16xi1>
      %neg3A_449 = arith.constant 0.000000e+00 : f32
      %neg3A_450 = vector.broadcast %neg3A_449 : f32 to vector<16xf32>
      %neg3A_451 = arith.subf %neg3A_450, %masked_cumsum3A_396 : vector<16xf32>
      %and3A_452 = arith.andi %or3A_448, %ne3A_38 : vector<16xi1>
      tpu.vector_store_idx %arg8[%gather3A_419], %neg3A_451 masked %and3A_452 {add = true} : memref<8192xf32, #tpu.memory_space<vmem>>[vector<16xi32>], vector<16xf32>, vector<16xi1>
      %ne3A_453 = arith.cmpi ne, %get3A_325, %gather3A_422 : vector<16xi32>
      %or3A_454 = arith.ori %ne3A_453, %eq3A_36 : vector<16xi1>
      tpu.vector_store_idx %arg8[%get3A_325], %masked_cumsum3A_399 masked %or3A_454 {add = true} : memref<8192xf32, #tpu.memory_space<vmem>>[vector<16xi32>], vector<16xf32>, vector<16xi1>
      %neg3A_455 = arith.constant 0.000000e+00 : f32
      %neg3A_456 = vector.broadcast %neg3A_455 : f32 to vector<16xf32>
      %neg3A_457 = arith.subf %neg3A_456, %masked_cumsum3A_399 : vector<16xf32>
      %and3A_458 = arith.andi %or3A_454, %ne3A_38 : vector<16xi1>
      tpu.vector_store_idx %arg9[%gather3A_422], %neg3A_457 masked %and3A_458 {add = true} : memref<8192xf32, #tpu.memory_space<vmem>>[vector<16xi32>], vector<16xf32>, vector<16xi1>
      %ne3A_459 = arith.cmpi ne, %get3A_329, %gather3A_425 : vector<16xi32>
      %or3A_460 = arith.ori %ne3A_459, %eq3A_36 : vector<16xi1>
      tpu.vector_store_idx %arg9[%get3A_329], %masked_cumsum3A_402 masked %or3A_460 {add = true} : memref<8192xf32, #tpu.memory_space<vmem>>[vector<16xi32>], vector<16xf32>, vector<16xi1>
      %neg3A_461 = arith.constant 0.000000e+00 : f32
      %neg3A_462 = vector.broadcast %neg3A_461 : f32 to vector<16xf32>
      %neg3A_463 = arith.subf %neg3A_462, %masked_cumsum3A_402 : vector<16xf32>
      %and3A_464 = arith.andi %or3A_460, %ne3A_38 : vector<16xi1>
      tpu.vector_store_idx %arg8[%gather3A_425], %neg3A_463 masked %and3A_464 {add = true} : memref<8192xf32, #tpu.memory_space<vmem>>[vector<16xi32>], vector<16xf32>, vector<16xi1>
      %ne3A_465 = arith.cmpi ne, %get3A_333, %gather3A_428 : vector<16xi32>
      %or3A_466 = arith.ori %ne3A_465, %eq3A_36 : vector<16xi1>
      tpu.vector_store_idx %arg8[%get3A_333], %masked_cumsum3A_405 masked %or3A_466 {add = true} : memref<8192xf32, #tpu.memory_space<vmem>>[vector<16xi32>], vector<16xf32>, vector<16xi1>
      %neg3A_467 = arith.constant 0.000000e+00 : f32
      %neg3A_468 = vector.broadcast %neg3A_467 : f32 to vector<16xf32>
      %neg3A_469 = arith.subf %neg3A_468, %masked_cumsum3A_405 : vector<16xf32>
      %and3A_470 = arith.andi %or3A_466, %ne3A_38 : vector<16xi1>
      tpu.vector_store_idx %arg9[%gather3A_428], %neg3A_469 masked %and3A_470 {add = true} : memref<8192xf32, #tpu.memory_space<vmem>>[vector<16xi32>], vector<16xf32>, vector<16xi1>
      %ne3A_471 = arith.cmpi ne, %get3A_337, %gather3A_431 : vector<16xi32>
      %or3A_472 = arith.ori %ne3A_471, %eq3A_36 : vector<16xi1>
      tpu.vector_store_idx %arg9[%get3A_337], %masked_cumsum3A_408 masked %or3A_472 {add = true} : memref<8192xf32, #tpu.memory_space<vmem>>[vector<16xi32>], vector<16xf32>, vector<16xi1>
      %neg3A_473 = arith.constant 0.000000e+00 : f32
      %neg3A_474 = vector.broadcast %neg3A_473 : f32 to vector<16xf32>
      %neg3A_475 = arith.subf %neg3A_474, %masked_cumsum3A_408 : vector<16xf32>
      %and3A_476 = arith.andi %or3A_472, %ne3A_38 : vector<16xi1>
      tpu.vector_store_idx %arg8[%gather3A_431], %neg3A_475 masked %and3A_476 {add = true} : memref<8192xf32, #tpu.memory_space<vmem>>[vector<16xi32>], vector<16xf32>, vector<16xi1>
    }
    %scan3A_162 = arith.constant 64 : i32
    %scan3A_163 = arith.constant 0 : i32
    %scan3A_164 = arith.constant 0 : i32
    %scan3A_165 = arith.constant 64 : i32
    %scan3A_166 = arith.addi %scan3A_164, %scan3A_165 : i32
    %scan3A_167 = arith.constant 1 : i32
    scf.for %scan3A_169 = %scan3A_164 to %scan3A_166 step %scan3A_167  : i32 {
      %mul3A_170 = arith.constant 128 : i32
      %mul3A_171 = arith.muli %scan3A_169, %mul3A_170 : i32
      %add3A_172 = arith.constant 0 : i32
      %add3A_173 = arith.addi %mul3A_171, %add3A_172 : i32
      %get3A_174 = arith.index_cast %add3A_173 : i32 to index
      %get3A_175 = tpu.vector_load %arg8[%get3A_174] {strides = array<i32>} : memref<8192xf32, #tpu.memory_space<vmem>>, vector<16xf32>,
      %get3A_176 = arith.index_cast %add3A_173 : i32 to index
      %get3A_177 = tpu.vector_load %arg9[%get3A_176] {strides = array<i32>} : memref<8192xf32, #tpu.memory_space<vmem>>, vector<16xf32>,
      %add3A_178 = arith.addf %get3A_175, %get3A_177 : vector<16xf32>
      %swap3A = arith.index_cast %add3A_173 : i32 to index
      %swap3A_179 = tpu.vector_load %arg8[%swap3A] {strides = array<i32>} : memref<8192xf32, #tpu.memory_space<vmem>>, vector<16xf32>,
      tpu.vector_store %arg8[%swap3A], %add3A_178 {strides = array<i32>} : memref<8192xf32, #tpu.memory_space<vmem>>, vector<16xf32>,
      %add3A_180 = arith.constant 16 : i32
      %add3A_181 = arith.addi %mul3A_171, %add3A_180 : i32
      %get3A_182 = arith.index_cast %add3A_181 : i32 to index
      %get3A_183 = tpu.vector_load %arg8[%get3A_182] {strides = array<i32>} : memref<8192xf32, #tpu.memory_space<vmem>>, vector<16xf32>,
      %get3A_184 = arith.index_cast %add3A_181 : i32 to index
      %get3A_185 = tpu.vector_load %arg9[%get3A_184] {strides = array<i32>} : memref<8192xf32, #tpu.memory_space<vmem>>, vector<16xf32>,
      %add3A_186 = arith.addf %get3A_183, %get3A_185 : vector<16xf32>
      %swap3A_187 = arith.index_cast %add3A_181 : i32 to index
      %swap3A_188 = tpu.vector_load %arg8[%swap3A_187] {strides = array<i32>} : memref<8192xf32, #tpu.memory_space<vmem>>, vector<16xf32>,
      tpu.vector_store %arg8[%swap3A_187], %add3A_186 {strides = array<i32>} : memref<8192xf32, #tpu.memory_space<vmem>>, vector<16xf32>,
      %add3A_189 = arith.constant 32 : i32
      %add3A_190 = arith.addi %mul3A_171, %add3A_189 : i32
      %get3A_191 = arith.index_cast %add3A_190 : i32 to index
      %get3A_192 = tpu.vector_load %arg8[%get3A_191] {strides = array<i32>} : memref<8192xf32, #tpu.memory_space<vmem>>, vector<16xf32>,
      %get3A_193 = arith.index_cast %add3A_190 : i32 to index
      %get3A_194 = tpu.vector_load %arg9[%get3A_193] {strides = array<i32>} : memref<8192xf32, #tpu.memory_space<vmem>>, vector<16xf32>,
      %add3A_195 = arith.addf %get3A_192, %get3A_194 : vector<16xf32>
      %swap3A_196 = arith.index_cast %add3A_190 : i32 to index
      %swap3A_197 = tpu.vector_load %arg8[%swap3A_196] {strides = array<i32>} : memref<8192xf32, #tpu.memory_space<vmem>>, vector<16xf32>,
      tpu.vector_store %arg8[%swap3A_196], %add3A_195 {strides = array<i32>} : memref<8192xf32, #tpu.memory_space<vmem>>, vector<16xf32>,
      %add3A_198 = arith.constant 48 : i32
      %add3A_199 = arith.addi %mul3A_171, %add3A_198 : i32
      %get3A_200 = arith.index_cast %add3A_199 : i32 to index
      %get3A_201 = tpu.vector_load %arg8[%get3A_200] {strides = array<i32>} : memref<8192xf32, #tpu.memory_space<vmem>>, vector<16xf32>,
      %get3A_202 = arith.index_cast %add3A_199 : i32 to index
      %get3A_203 = tpu.vector_load %arg9[%get3A_202] {strides = array<i32>} : memref<8192xf32, #tpu.memory_space<vmem>>, vector<16xf32>,
      %add3A_204 = arith.addf %get3A_201, %get3A_203 : vector<16xf32>
      %swap3A_205 = arith.index_cast %add3A_199 : i32 to index
      %swap3A_206 = tpu.vector_load %arg8[%swap3A_205] {strides = array<i32>} : memref<8192xf32, #tpu.memory_space<vmem>>, vector<16xf32>,
      tpu.vector_store %arg8[%swap3A_205], %add3A_204 {strides = array<i32>} : memref<8192xf32, #tpu.memory_space<vmem>>, vector<16xf32>,
      %add3A_207 = arith.constant 64 : i32
      %add3A_208 = arith.addi %mul3A_171, %add3A_207 : i32
      %get3A_209 = arith.index_cast %add3A_208 : i32 to index
      %get3A_210 = tpu.vector_load %arg8[%get3A_209] {strides = array<i32>} : memref<8192xf32, #tpu.memory_space<vmem>>, vector<16xf32>,
      %get3A_211 = arith.index_cast %add3A_208 : i32 to index
      %get3A_212 = tpu.vector_load %arg9[%get3A_211] {strides = array<i32>} : memref<8192xf32, #tpu.memory_space<vmem>>, vector<16xf32>,
      %add3A_213 = arith.addf %get3A_210, %get3A_212 : vector<16xf32>
      %swap3A_214 = arith.index_cast %add3A_208 : i32 to index
      %swap3A_215 = tpu.vector_load %arg8[%swap3A_214] {strides = array<i32>} : memref<8192xf32, #tpu.memory_space<vmem>>, vector<16xf32>,
      tpu.vector_store %arg8[%swap3A_214], %add3A_213 {strides = array<i32>} : memref<8192xf32, #tpu.memory_space<vmem>>, vector<16xf32>,
      %add3A_216 = arith.constant 80 : i32
      %add3A_217 = arith.addi %mul3A_171, %add3A_216 : i32
      %get3A_218 = arith.index_cast %add3A_217 : i32 to index
      %get3A_219 = tpu.vector_load %arg8[%get3A_218] {strides = array<i32>} : memref<8192xf32, #tpu.memory_space<vmem>>, vector<16xf32>,
      %get3A_220 = arith.index_cast %add3A_217 : i32 to index
      %get3A_221 = tpu.vector_load %arg9[%get3A_220] {strides = array<i32>} : memref<8192xf32, #tpu.memory_space<vmem>>, vector<16xf32>,
      %add3A_222 = arith.addf %get3A_219, %get3A_221 : vector<16xf32>
      %swap3A_223 = arith.index_cast %add3A_217 : i32 to index
      %swap3A_224 = tpu.vector_load %arg8[%swap3A_223] {strides = array<i32>} : memref<8192xf32, #tpu.memory_space<vmem>>, vector<16xf32>,
      tpu.vector_store %arg8[%swap3A_223], %add3A_222 {strides = array<i32>} : memref<8192xf32, #tpu.memory_space<vmem>>, vector<16xf32>,
      %add3A_225 = arith.constant 96 : i32
      %add3A_226 = arith.addi %mul3A_171, %add3A_225 : i32
      %get3A_227 = arith.index_cast %add3A_226 : i32 to index
      %get3A_228 = tpu.vector_load %arg8[%get3A_227] {strides = array<i32>} : memref<8192xf32, #tpu.memory_space<vmem>>, vector<16xf32>,
      %get3A_229 = arith.index_cast %add3A_226 : i32 to index
      %get3A_230 = tpu.vector_load %arg9[%get3A_229] {strides = array<i32>} : memref<8192xf32, #tpu.memory_space<vmem>>, vector<16xf32>,
      %add3A_231 = arith.addf %get3A_228, %get3A_230 : vector<16xf32>
      %swap3A_232 = arith.index_cast %add3A_226 : i32 to index
      %swap3A_233 = tpu.vector_load %arg8[%swap3A_232] {strides = array<i32>} : memref<8192xf32, #tpu.memory_space<vmem>>, vector<16xf32>,
      tpu.vector_store %arg8[%swap3A_232], %add3A_231 {strides = array<i32>} : memref<8192xf32, #tpu.memory_space<vmem>>, vector<16xf32>,
      %add3A_234 = arith.constant 112 : i32
      %add3A_235 = arith.addi %mul3A_171, %add3A_234 : i32
      %get3A_236 = arith.index_cast %add3A_235 : i32 to index
      %get3A_237 = tpu.vector_load %arg8[%get3A_236] {strides = array<i32>} : memref<8192xf32, #tpu.memory_space<vmem>>, vector<16xf32>,
      %get3A_238 = arith.index_cast %add3A_235 : i32 to index
      %get3A_239 = tpu.vector_load %arg9[%get3A_238] {strides = array<i32>} : memref<8192xf32, #tpu.memory_space<vmem>>, vector<16xf32>,
      %add3A_240 = arith.addf %get3A_237, %get3A_239 : vector<16xf32>
      %swap3A_241 = arith.index_cast %add3A_235 : i32 to index
      %swap3A_242 = tpu.vector_load %arg8[%swap3A_241] {strides = array<i32>} : memref<8192xf32, #tpu.memory_space<vmem>>, vector<16xf32>,
      tpu.vector_store %arg8[%swap3A_241], %add3A_240 {strides = array<i32>} : memref<8192xf32, #tpu.memory_space<vmem>>, vector<16xf32>,
    }
    %scan3A_168 = arith.constant 64 : i32
    "tpu.region"() ({
      %run_scoped3A = tpu.sem_alloc : memref<!tpu.dma_semaphore, #tpu.memory_space<semaphore_mem>>
      %dma_start3A_169 = arith.constant 0 : i32
      %dma_start3A_170 = tpu.memref_slice %arg5[%add3A, %dma_start3A_169] : memref<32x8192xf32, #tpu.memory_space<hbm>> -> memref<1x8192xf32, #tpu.memory_space<hbm>>
      %dma_start3A_171 = tpu.memref_squeeze %dma_start3A_170 : memref<1x8192xf32, #tpu.memory_space<hbm>> -> memref<8192xf32, #tpu.memory_space<hbm>>
      %dma_start3A_172 = arith.constant 0 : i32
      %dma_start3A_173 = tpu.memref_slice %arg5[%add3A, %dma_start3A_172] : memref<32x8192xf32, #tpu.memory_space<hbm>> -> memref<1x8192xf32, #tpu.memory_space<hbm>>
      %dma_start3A_174 = tpu.memref_squeeze %dma_start3A_173 : memref<1x8192xf32, #tpu.memory_space<hbm>> -> memref<8192xf32, #tpu.memory_space<hbm>>
      tpu.enqueue_dma source(%arg8 : memref<8192xf32, #tpu.memory_space<vmem>>) target(%dma_start3A_174 : memref<8192xf32, #tpu.memory_space<hbm>>) target_semaphore(%run_scoped3A : memref<!tpu.dma_semaphore, #tpu.memory_space<semaphore_mem>>)
      %dma_wait3A_175 = arith.constant 0 : i32
      %dma_wait3A_176 = tpu.memref_slice %arg5[%add3A, %dma_wait3A_175] : memref<32x8192xf32, #tpu.memory_space<hbm>> -> memref<1x8192xf32, #tpu.memory_space<hbm>>
      %dma_wait3A_177 = tpu.memref_squeeze %dma_wait3A_176 : memref<1x8192xf32, #tpu.memory_space<hbm>> -> memref<8192xf32, #tpu.memory_space<hbm>>
      %dma_wait3A_178 = arith.constant 0 : i32
      %dma_wait3A_179 = tpu.memref_slice %arg5[%add3A, %dma_wait3A_178] : memref<32x8192xf32, #tpu.memory_space<hbm>> -> memref<1x8192xf32, #tpu.memory_space<hbm>>
      %dma_wait3A_180 = tpu.memref_squeeze %dma_wait3A_179 : memref<1x8192xf32, #tpu.memory_space<hbm>> -> memref<8192xf32, #tpu.memory_space<hbm>>
      tpu.wait_dma2 semaphore(%run_scoped3A : memref<!tpu.dma_semaphore, #tpu.memory_space<semaphore_mem>>) src(%arg8 : memref<8192xf32, #tpu.memory_space<vmem>>) dst(%dma_wait3A_180 : memref<8192xf32, #tpu.memory_space<hbm>>)
      tpu.yield
    }) : () -> ()
    return
  }
}

#map = affine_map<(d0, d1) -> (0, 0)>
#map1 = affine_map<(d0, d1) -> (0)>
module attributes {stable_mosaic.version = 14 : i64} {
  func.func @_stage2_body(%arg0: i32, %arg1: i32, %arg2: memref<32x8192xf32, #tpu.memory_space<hbm>>, %arg3: memref<8192xf32, #tpu.memory_space<hbm>>, %arg4: memref<32x256xf32, #tpu.memory_space<vmem>>, %arg5: memref<256xf32, #tpu.memory_space<vmem>>) attributes {dimension_semantics = [#tpu.dimension_semantics<core_parallel>, #tpu.dimension_semantics<subcore_parallel>], iteration_bounds = array<i64: 2, 16>, scalar_prefetch = 0 : i64, scratch_operands = 2 : i64, tpu.core_type = #tpu.core_type<sc_vector_subcore>, window_params = [{transform_indices = #map}, {transform_indices = #map1}]} {
    %mul3A = arith.constant 2 : i32
    %mul3A_0 = arith.muli %arg1, %mul3A : i32
    %add3A = arith.addi %mul3A_0, %arg0 : i32
    %mul3A_1 = arith.constant 256 : i32
    %mul3A_2 = arith.muli %add3A, %mul3A_1 : i32
    "tpu.region"() ({
      %run_scoped3A = tpu.sem_alloc : memref<!tpu.dma_semaphore, #tpu.memory_space<semaphore_mem>>
      %dma_start3A = arith.constant 0 : i32
      %dma_start3A_70 = tpu.memref_slice %arg2[%dma_start3A, %mul3A_2] : memref<32x8192xf32, #tpu.memory_space<hbm>> -> memref<32x256xf32, #tpu.memory_space<hbm>>
      %dma_start3A_71 = arith.constant 0 : i32
      %dma_start3A_72 = tpu.memref_slice %arg2[%dma_start3A_71, %mul3A_2] : memref<32x8192xf32, #tpu.memory_space<hbm>> -> memref<32x256xf32, #tpu.memory_space<hbm>>
      tpu.enqueue_dma source(%dma_start3A_72 : memref<32x256xf32, #tpu.memory_space<hbm>>) target(%arg4 : memref<32x256xf32, #tpu.memory_space<vmem>>) target_semaphore(%run_scoped3A : memref<!tpu.dma_semaphore, #tpu.memory_space<semaphore_mem>>)
      %dma_wait3A = arith.constant 0 : i32
      %dma_wait3A_73 = tpu.memref_slice %arg2[%dma_wait3A, %mul3A_2] : memref<32x8192xf32, #tpu.memory_space<hbm>> -> memref<32x256xf32, #tpu.memory_space<hbm>>
      %dma_wait3A_74 = arith.constant 0 : i32
      %dma_wait3A_75 = tpu.memref_slice %arg2[%dma_wait3A_74, %mul3A_2] : memref<32x8192xf32, #tpu.memory_space<hbm>> -> memref<32x256xf32, #tpu.memory_space<hbm>>
      tpu.wait_dma2 semaphore(%run_scoped3A : memref<!tpu.dma_semaphore, #tpu.memory_space<semaphore_mem>>) src(%dma_wait3A_75 : memref<32x256xf32, #tpu.memory_space<hbm>>) dst(%arg4 : memref<32x256xf32, #tpu.memory_space<vmem>>)
      tpu.yield
    }) : () -> ()
    %broadcast_in_dim3A = arith.constant 0.000000e+00 : f32
    %broadcast_in_dim3A_3 = vector.broadcast %broadcast_in_dim3A : f32 to vector<16xf32>
    %broadcast_in_dim3A_4 = arith.constant 0.000000e+00 : f32
    %broadcast_in_dim3A_5 = vector.broadcast %broadcast_in_dim3A_4 : f32 to vector<16xf32>
    %broadcast_in_dim3A_6 = arith.constant 0.000000e+00 : f32
    %broadcast_in_dim3A_7 = vector.broadcast %broadcast_in_dim3A_6 : f32 to vector<16xf32>
    %broadcast_in_dim3A_8 = arith.constant 0.000000e+00 : f32
    %broadcast_in_dim3A_9 = vector.broadcast %broadcast_in_dim3A_8 : f32 to vector<16xf32>
    %broadcast_in_dim3A_10 = arith.constant 0.000000e+00 : f32
    %broadcast_in_dim3A_11 = vector.broadcast %broadcast_in_dim3A_10 : f32 to vector<16xf32>
    %broadcast_in_dim3A_12 = arith.constant 0.000000e+00 : f32
    %broadcast_in_dim3A_13 = vector.broadcast %broadcast_in_dim3A_12 : f32 to vector<16xf32>
    %broadcast_in_dim3A_14 = arith.constant 0.000000e+00 : f32
    %broadcast_in_dim3A_15 = vector.broadcast %broadcast_in_dim3A_14 : f32 to vector<16xf32>
    %broadcast_in_dim3A_16 = arith.constant 0.000000e+00 : f32
    %broadcast_in_dim3A_17 = vector.broadcast %broadcast_in_dim3A_16 : f32 to vector<16xf32>
    %broadcast_in_dim3A_18 = arith.constant 0.000000e+00 : f32
    %broadcast_in_dim3A_19 = vector.broadcast %broadcast_in_dim3A_18 : f32 to vector<16xf32>
    %broadcast_in_dim3A_20 = arith.constant 0.000000e+00 : f32
    %broadcast_in_dim3A_21 = vector.broadcast %broadcast_in_dim3A_20 : f32 to vector<16xf32>
    %broadcast_in_dim3A_22 = arith.constant 0.000000e+00 : f32
    %broadcast_in_dim3A_23 = vector.broadcast %broadcast_in_dim3A_22 : f32 to vector<16xf32>
    %broadcast_in_dim3A_24 = arith.constant 0.000000e+00 : f32
    %broadcast_in_dim3A_25 = vector.broadcast %broadcast_in_dim3A_24 : f32 to vector<16xf32>
    %broadcast_in_dim3A_26 = arith.constant 0.000000e+00 : f32
    %broadcast_in_dim3A_27 = vector.broadcast %broadcast_in_dim3A_26 : f32 to vector<16xf32>
    %broadcast_in_dim3A_28 = arith.constant 0.000000e+00 : f32
    %broadcast_in_dim3A_29 = vector.broadcast %broadcast_in_dim3A_28 : f32 to vector<16xf32>
    %broadcast_in_dim3A_30 = arith.constant 0.000000e+00 : f32
    %broadcast_in_dim3A_31 = vector.broadcast %broadcast_in_dim3A_30 : f32 to vector<16xf32>
    %broadcast_in_dim3A_32 = arith.constant 0.000000e+00 : f32
    %broadcast_in_dim3A_33 = vector.broadcast %broadcast_in_dim3A_32 : f32 to vector<16xf32>
    %scan3A = arith.constant 0 : i32
    %scan3A_34 = arith.constant 32 : i32
    %scan3A_35 = arith.addi %scan3A, %scan3A_34 : i32
    %scan3A_36 = arith.constant 1 : i32
    %scan3A_37:16 = scf.for %scan3A_70 = %scan3A to %scan3A_35 step %scan3A_36 iter_args(%scan3A_71 = %broadcast_in_dim3A_3, %scan3A_72 = %broadcast_in_dim3A_5, %scan3A_73 = %broadcast_in_dim3A_7, %scan3A_74 = %broadcast_in_dim3A_9, %scan3A_75 = %broadcast_in_dim3A_11, %scan3A_76 = %broadcast_in_dim3A_13, %scan3A_77 = %broadcast_in_dim3A_15, %scan3A_78 = %broadcast_in_dim3A_17, %scan3A_79 = %broadcast_in_dim3A_19, %scan3A_80 = %broadcast_in_dim3A_21, %scan3A_81 = %broadcast_in_dim3A_23, %scan3A_82 = %broadcast_in_dim3A_25, %scan3A_83 = %broadcast_in_dim3A_27, %scan3A_84 = %broadcast_in_dim3A_29, %scan3A_85 = %broadcast_in_dim3A_31, %scan3A_86 = %broadcast_in_dim3A_33) -> (vector<16xf32>, vector<16xf32>, vector<16xf32>, vector<16xf32>, vector<16xf32>, vector<16xf32>, vector<16xf32>, vector<16xf32>, vector<16xf32>, vector<16xf32>, vector<16xf32>, vector<16xf32>, vector<16xf32>, vector<16xf32>, vector<16xf32>, vector<16xf32>)  : i32 {
      %get3A = arith.index_cast %scan3A_70 : i32 to index
      %get3A_87 = arith.constant 0 : index
      %get3A_88 = tpu.vector_load %arg4[%get3A, %get3A_87] {strides = array<i32>} : memref<32x256xf32, #tpu.memory_space<vmem>>, vector<16xf32>,
      %add3A_89 = arith.addf %scan3A_71, %get3A_88 : vector<16xf32>
      %get3A_90 = arith.index_cast %scan3A_70 : i32 to index
      %get3A_91 = arith.constant 16 : index
      %get3A_92 = tpu.vector_load %arg4[%get3A_90, %get3A_91] {strides = array<i32>} : memref<32x256xf32, #tpu.memory_space<vmem>>, vector<16xf32>,
      %add3A_93 = arith.addf %scan3A_72, %get3A_92 : vector<16xf32>
      %get3A_94 = arith.index_cast %scan3A_70 : i32 to index
      %get3A_95 = arith.constant 32 : index
      %get3A_96 = tpu.vector_load %arg4[%get3A_94, %get3A_95] {strides = array<i32>} : memref<32x256xf32, #tpu.memory_space<vmem>>, vector<16xf32>,
      %add3A_97 = arith.addf %scan3A_73, %get3A_96 : vector<16xf32>
      %get3A_98 = arith.index_cast %scan3A_70 : i32 to index
      %get3A_99 = arith.constant 48 : index
      %get3A_100 = tpu.vector_load %arg4[%get3A_98, %get3A_99] {strides = array<i32>} : memref<32x256xf32, #tpu.memory_space<vmem>>, vector<16xf32>,
      %add3A_101 = arith.addf %scan3A_74, %get3A_100 : vector<16xf32>
      %get3A_102 = arith.index_cast %scan3A_70 : i32 to index
      %get3A_103 = arith.constant 64 : index
      %get3A_104 = tpu.vector_load %arg4[%get3A_102, %get3A_103] {strides = array<i32>} : memref<32x256xf32, #tpu.memory_space<vmem>>, vector<16xf32>,
      %add3A_105 = arith.addf %scan3A_75, %get3A_104 : vector<16xf32>
      %get3A_106 = arith.index_cast %scan3A_70 : i32 to index
      %get3A_107 = arith.constant 80 : index
      %get3A_108 = tpu.vector_load %arg4[%get3A_106, %get3A_107] {strides = array<i32>} : memref<32x256xf32, #tpu.memory_space<vmem>>, vector<16xf32>,
      %add3A_109 = arith.addf %scan3A_76, %get3A_108 : vector<16xf32>
      %get3A_110 = arith.index_cast %scan3A_70 : i32 to index
      %get3A_111 = arith.constant 96 : index
      %get3A_112 = tpu.vector_load %arg4[%get3A_110, %get3A_111] {strides = array<i32>} : memref<32x256xf32, #tpu.memory_space<vmem>>, vector<16xf32>,
      %add3A_113 = arith.addf %scan3A_77, %get3A_112 : vector<16xf32>
      %get3A_114 = arith.index_cast %scan3A_70 : i32 to index
      %get3A_115 = arith.constant 112 : index
      %get3A_116 = tpu.vector_load %arg4[%get3A_114, %get3A_115] {strides = array<i32>} : memref<32x256xf32, #tpu.memory_space<vmem>>, vector<16xf32>,
      %add3A_117 = arith.addf %scan3A_78, %get3A_116 : vector<16xf32>
      %get3A_118 = arith.index_cast %scan3A_70 : i32 to index
      %get3A_119 = arith.constant 128 : index
      %get3A_120 = tpu.vector_load %arg4[%get3A_118, %get3A_119] {strides = array<i32>} : memref<32x256xf32, #tpu.memory_space<vmem>>, vector<16xf32>,
      %add3A_121 = arith.addf %scan3A_79, %get3A_120 : vector<16xf32>
      %get3A_122 = arith.index_cast %scan3A_70 : i32 to index
      %get3A_123 = arith.constant 144 : index
      %get3A_124 = tpu.vector_load %arg4[%get3A_122, %get3A_123] {strides = array<i32>} : memref<32x256xf32, #tpu.memory_space<vmem>>, vector<16xf32>,
      %add3A_125 = arith.addf %scan3A_80, %get3A_124 : vector<16xf32>
      %get3A_126 = arith.index_cast %scan3A_70 : i32 to index
      %get3A_127 = arith.constant 160 : index
      %get3A_128 = tpu.vector_load %arg4[%get3A_126, %get3A_127] {strides = array<i32>} : memref<32x256xf32, #tpu.memory_space<vmem>>, vector<16xf32>,
      %add3A_129 = arith.addf %scan3A_81, %get3A_128 : vector<16xf32>
      %get3A_130 = arith.index_cast %scan3A_70 : i32 to index
      %get3A_131 = arith.constant 176 : index
      %get3A_132 = tpu.vector_load %arg4[%get3A_130, %get3A_131] {strides = array<i32>} : memref<32x256xf32, #tpu.memory_space<vmem>>, vector<16xf32>,
      %add3A_133 = arith.addf %scan3A_82, %get3A_132 : vector<16xf32>
      %get3A_134 = arith.index_cast %scan3A_70 : i32 to index
      %get3A_135 = arith.constant 192 : index
      %get3A_136 = tpu.vector_load %arg4[%get3A_134, %get3A_135] {strides = array<i32>} : memref<32x256xf32, #tpu.memory_space<vmem>>, vector<16xf32>,
      %add3A_137 = arith.addf %scan3A_83, %get3A_136 : vector<16xf32>
      %get3A_138 = arith.index_cast %scan3A_70 : i32 to index
      %get3A_139 = arith.constant 208 : index
      %get3A_140 = tpu.vector_load %arg4[%get3A_138, %get3A_139] {strides = array<i32>} : memref<32x256xf32, #tpu.memory_space<vmem>>, vector<16xf32>,
      %add3A_141 = arith.addf %scan3A_84, %get3A_140 : vector<16xf32>
      %get3A_142 = arith.index_cast %scan3A_70 : i32 to index
      %get3A_143 = arith.constant 224 : index
      %get3A_144 = tpu.vector_load %arg4[%get3A_142, %get3A_143] {strides = array<i32>} : memref<32x256xf32, #tpu.memory_space<vmem>>, vector<16xf32>,
      %add3A_145 = arith.addf %scan3A_85, %get3A_144 : vector<16xf32>
      %get3A_146 = arith.index_cast %scan3A_70 : i32 to index
      %get3A_147 = arith.constant 240 : index
      %get3A_148 = tpu.vector_load %arg4[%get3A_146, %get3A_147] {strides = array<i32>} : memref<32x256xf32, #tpu.memory_space<vmem>>, vector<16xf32>,
      %add3A_149 = arith.addf %scan3A_86, %get3A_148 : vector<16xf32>
      scf.yield %add3A_89, %add3A_93, %add3A_97, %add3A_101, %add3A_105, %add3A_109, %add3A_113, %add3A_117, %add3A_121, %add3A_125, %add3A_129, %add3A_133, %add3A_137, %add3A_141, %add3A_145, %add3A_149 : vector<16xf32>, vector<16xf32>, vector<16xf32>, vector<16xf32>, vector<16xf32>, vector<16xf32>, vector<16xf32>, vector<16xf32>, vector<16xf32>, vector<16xf32>, vector<16xf32>, vector<16xf32>, vector<16xf32>, vector<16xf32>, vector<16xf32>, vector<16xf32>
    }
    %scan3A_38 = arith.constant 32 : i32
    %swap3A = arith.constant 0 : index
    %swap3A_39 = tpu.vector_load %arg5[%swap3A] {strides = array<i32>} : memref<256xf32, #tpu.memory_space<vmem>>, vector<16xf32>,
    tpu.vector_store %arg5[%swap3A], %scan3A_37#0 {strides = array<i32>} : memref<256xf32, #tpu.memory_space<vmem>>, vector<16xf32>,
    %swap3A_40 = arith.constant 16 : index
    %swap3A_41 = tpu.vector_load %arg5[%swap3A_40] {strides = array<i32>} : memref<256xf32, #tpu.memory_space<vmem>>, vector<16xf32>,
    tpu.vector_store %arg5[%swap3A_40], %scan3A_37#1 {strides = array<i32>} : memref<256xf32, #tpu.memory_space<vmem>>, vector<16xf32>,
    %swap3A_42 = arith.constant 32 : index
    %swap3A_43 = tpu.vector_load %arg5[%swap3A_42] {strides = array<i32>} : memref<256xf32, #tpu.memory_space<vmem>>, vector<16xf32>,
    tpu.vector_store %arg5[%swap3A_42], %scan3A_37#2 {strides = array<i32>} : memref<256xf32, #tpu.memory_space<vmem>>, vector<16xf32>,
    %swap3A_44 = arith.constant 48 : index
    %swap3A_45 = tpu.vector_load %arg5[%swap3A_44] {strides = array<i32>} : memref<256xf32, #tpu.memory_space<vmem>>, vector<16xf32>,
    tpu.vector_store %arg5[%swap3A_44], %scan3A_37#3 {strides = array<i32>} : memref<256xf32, #tpu.memory_space<vmem>>, vector<16xf32>,
    %swap3A_46 = arith.constant 64 : index
    %swap3A_47 = tpu.vector_load %arg5[%swap3A_46] {strides = array<i32>} : memref<256xf32, #tpu.memory_space<vmem>>, vector<16xf32>,
    tpu.vector_store %arg5[%swap3A_46], %scan3A_37#4 {strides = array<i32>} : memref<256xf32, #tpu.memory_space<vmem>>, vector<16xf32>,
    %swap3A_48 = arith.constant 80 : index
    %swap3A_49 = tpu.vector_load %arg5[%swap3A_48] {strides = array<i32>} : memref<256xf32, #tpu.memory_space<vmem>>, vector<16xf32>,
    tpu.vector_store %arg5[%swap3A_48], %scan3A_37#5 {strides = array<i32>} : memref<256xf32, #tpu.memory_space<vmem>>, vector<16xf32>,
    %swap3A_50 = arith.constant 96 : index
    %swap3A_51 = tpu.vector_load %arg5[%swap3A_50] {strides = array<i32>} : memref<256xf32, #tpu.memory_space<vmem>>, vector<16xf32>,
    tpu.vector_store %arg5[%swap3A_50], %scan3A_37#6 {strides = array<i32>} : memref<256xf32, #tpu.memory_space<vmem>>, vector<16xf32>,
    %swap3A_52 = arith.constant 112 : index
    %swap3A_53 = tpu.vector_load %arg5[%swap3A_52] {strides = array<i32>} : memref<256xf32, #tpu.memory_space<vmem>>, vector<16xf32>,
    tpu.vector_store %arg5[%swap3A_52], %scan3A_37#7 {strides = array<i32>} : memref<256xf32, #tpu.memory_space<vmem>>, vector<16xf32>,
    %swap3A_54 = arith.constant 128 : index
    %swap3A_55 = tpu.vector_load %arg5[%swap3A_54] {strides = array<i32>} : memref<256xf32, #tpu.memory_space<vmem>>, vector<16xf32>,
    tpu.vector_store %arg5[%swap3A_54], %scan3A_37#8 {strides = array<i32>} : memref<256xf32, #tpu.memory_space<vmem>>, vector<16xf32>,
    %swap3A_56 = arith.constant 144 : index
    %swap3A_57 = tpu.vector_load %arg5[%swap3A_56] {strides = array<i32>} : memref<256xf32, #tpu.memory_space<vmem>>, vector<16xf32>,
    tpu.vector_store %arg5[%swap3A_56], %scan3A_37#9 {strides = array<i32>} : memref<256xf32, #tpu.memory_space<vmem>>, vector<16xf32>,
    %swap3A_58 = arith.constant 160 : index
    %swap3A_59 = tpu.vector_load %arg5[%swap3A_58] {strides = array<i32>} : memref<256xf32, #tpu.memory_space<vmem>>, vector<16xf32>,
    tpu.vector_store %arg5[%swap3A_58], %scan3A_37#10 {strides = array<i32>} : memref<256xf32, #tpu.memory_space<vmem>>, vector<16xf32>,
    %swap3A_60 = arith.constant 176 : index
    %swap3A_61 = tpu.vector_load %arg5[%swap3A_60] {strides = array<i32>} : memref<256xf32, #tpu.memory_space<vmem>>, vector<16xf32>,
    tpu.vector_store %arg5[%swap3A_60], %scan3A_37#11 {strides = array<i32>} : memref<256xf32, #tpu.memory_space<vmem>>, vector<16xf32>,
    %swap3A_62 = arith.constant 192 : index
    %swap3A_63 = tpu.vector_load %arg5[%swap3A_62] {strides = array<i32>} : memref<256xf32, #tpu.memory_space<vmem>>, vector<16xf32>,
    tpu.vector_store %arg5[%swap3A_62], %scan3A_37#12 {strides = array<i32>} : memref<256xf32, #tpu.memory_space<vmem>>, vector<16xf32>,
    %swap3A_64 = arith.constant 208 : index
    %swap3A_65 = tpu.vector_load %arg5[%swap3A_64] {strides = array<i32>} : memref<256xf32, #tpu.memory_space<vmem>>, vector<16xf32>,
    tpu.vector_store %arg5[%swap3A_64], %scan3A_37#13 {strides = array<i32>} : memref<256xf32, #tpu.memory_space<vmem>>, vector<16xf32>,
    %swap3A_66 = arith.constant 224 : index
    %swap3A_67 = tpu.vector_load %arg5[%swap3A_66] {strides = array<i32>} : memref<256xf32, #tpu.memory_space<vmem>>, vector<16xf32>,
    tpu.vector_store %arg5[%swap3A_66], %scan3A_37#14 {strides = array<i32>} : memref<256xf32, #tpu.memory_space<vmem>>, vector<16xf32>,
    %swap3A_68 = arith.constant 240 : index
    %swap3A_69 = tpu.vector_load %arg5[%swap3A_68] {strides = array<i32>} : memref<256xf32, #tpu.memory_space<vmem>>, vector<16xf32>,
    tpu.vector_store %arg5[%swap3A_68], %scan3A_37#15 {strides = array<i32>} : memref<256xf32, #tpu.memory_space<vmem>>, vector<16xf32>,
    "tpu.region"() ({
      %run_scoped3A = tpu.sem_alloc : memref<!tpu.dma_semaphore, #tpu.memory_space<semaphore_mem>>
      %dma_start3A = tpu.memref_slice %arg3[%mul3A_2] : memref<8192xf32, #tpu.memory_space<hbm>> -> memref<256xf32, #tpu.memory_space<hbm>>
      %dma_start3A_70 = tpu.memref_slice %arg3[%mul3A_2] : memref<8192xf32, #tpu.memory_space<hbm>> -> memref<256xf32, #tpu.memory_space<hbm>>
      tpu.enqueue_dma source(%arg5 : memref<256xf32, #tpu.memory_space<vmem>>) target(%dma_start3A_70 : memref<256xf32, #tpu.memory_space<hbm>>) target_semaphore(%run_scoped3A : memref<!tpu.dma_semaphore, #tpu.memory_space<semaphore_mem>>)
      %dma_wait3A = tpu.memref_slice %arg3[%mul3A_2] : memref<8192xf32, #tpu.memory_space<hbm>> -> memref<256xf32, #tpu.memory_space<hbm>>
      %dma_wait3A_71 = tpu.memref_slice %arg3[%mul3A_2] : memref<8192xf32, #tpu.memory_space<hbm>> -> memref<256xf32, #tpu.memory_space<hbm>>
      tpu.wait_dma2 semaphore(%run_scoped3A : memref<!tpu.dma_semaphore, #tpu.memory_space<semaphore_mem>>) src(%arg5 : memref<256xf32, #tpu.memory_space<vmem>>) dst(%dma_wait3A_71 : memref<256xf32, #tpu.memory_space<hbm>>)
      tpu.yield
    }) : () -> ()
    return
  }
}

</mosaic_0001>

<sc_bundles>
// kernel: kernel.4.cloned.1.call-start
scs
__scs_entry_jumppad:
0x0: {  	(pc) =	sbr.rel $0x88, $3  }
0x1: {  	(tag) =	ssettag $0x0;
	lr =	simm.s32 $0x1  }
0x2: {  	[smem:$0x3F9D] =	sst lr;
	_ =	strace $0xD0000000  }
0x3: {  	_ = 	snop  }
0x4: {  	_ = 	snop  }
0x5: {  	_ = 	snop  }
0x6: {  	_ = 	snop  }
0x7: {  	_ = 	snop  }
__scs_overlays_trampoline_lowered:
0x8: {  	[smem:$0x3FAC] =	sst s0  }
0x9: {  	[smem:$0x3FAD] =	sst s1  }
0xa: {  	[smem:$0x3FAE] =	sst s2  }
0xb: {  	[smem:$0x3FAF] =	sst s3  }
0xc: {  	[smem:$0x3FB0] =	sst s4  }
0xd: {  	[smem:$0x3FB1] =	sst s5  }
0xe: {  	[smem:$0x3FB2] =	sst s6  }
0xf: {  	[smem:$0x3FB3] =	sst s7  }
0x10: {  	[smem:$0x3FB4] =	sst s8  }
0x11: {  	[smem:$0x3FB5] =	sst s9;
	s0 =	simm.s32 @!p0 $0x0  }
0x12: {  	s1 =	sld [smem:$0x3F9B];
	s0 =	simm.s32 @p0 $0x1  }
0x13: {  	[smem:$0x3FB6] =	sst s0;
	s0 =	simm.s32 @!p1 $0x0  }
0x14: {  	s2 =	sld [smem:$0x3F9A];
	s0 =	simm.s32 @p1 $0x1  }
0x15: {  	[smem:$0x3FB7] =	sst s0;
	s0 =	simm.s32 @!p2 $0x0  }
0x16: {  	s3 =	sld [smem:$0x3FDB];
	s0 =	simm.s32 @p2 $0x1  }
0x17: {  	s4 =	simm.s32 $0x1BF5;
	[smem:$0x3FB9] =	sst s0  }
0x18: {  	s0 =	sld [smem:$0x3F9C];
	_ =	swait.ge [sflag:s4], $0x0  }
0x19: {  	s7 =	sld [smem:$0x3F9D]  }
0x1a: {  	s8 =	sadd.s32 $0xFFFFE003, lr  }
0x1b: {  	s9 =	sadd.s32 $0xFFFFFEF7, lr;
	s5 =	simm.s32 $0xFFFFFFFF;
	p2 =	slt.u32 s8, $0xFFFFF086  }
0x1c: {  	p1 =	slt.u32 s9, $0xF7A;
	s5 =	simm.s32 @!p2 $0x0  }
0x1d: {  	s5 =	simm.s32 @p1 $0x1;
	p0 =	seq.s32 s7, s2  }
0x1e: {  	s7 =	smul.u32 @!p0 $0xF7A, s2;
	p2 =	seq.s32 @!p0 s5, $0x0  }
0x1f: {  	s9 =	smul.u32 $0xF7A, s1;
	s8 =	simm.s32 @!p0 $0x1BF5;
	p2 =	por !p2, p0  }
0x20: {  	[sflag:s8] =	ssyncset.s32 @!p0 $0xFFFFF086;
	s6 =	sadd.s32 @!p0 s3, s7;
	s7 =	simm.s32 @!p0 $0x108  }
0x21: {  	s3 =	sadd.s32 s3, s9;
	s6 =	sadd.s32 @!p0 $0x88, s6;
	s7 =	simm.s32 @p2 $0x1082  }
0x22: {  	[simem:s7], [sflag:s8] =	dma.local @!p0 [hbm:s6], $0xF7A  }
0x23: {  	s9 =	sor.u32 $0xD0000000, s2;
	s6 =	simm.s32 $0x108;
	_ =	swait.ge @!p0 [sflag:s8], $0x0  }
0x24: {  	s3 =	sadd.s32 $0x88, s3;
	s6 =	simm.s32 @!p1 $0x1082;
	[sflag:s4] =	ssyncset.s32 $0xFFFFF086  }
0x25: {  	[simem:s6], [sflag:s4] =	dma.local [hbm:s3], $0xF7A  }
0x26: {  	[smem:$0x3F9D] =	sst s1;
	(tag) =	ssettag s2;
	_ =	strace s9  }
0x27: {  	s1 =	sld [smem:$0x3FAD]  }
0x28: {  	s2 =	sld [smem:$0x3FAE]  }
0x29: {  	s4 =	sld [smem:$0x3FB0]  }
0x2a: {  	p0 =	seq.s32 s5, $0x0;
	s5 =	sld [smem:$0x3FB1]  }
0x2b: {  	s6 =	sld [smem:$0x3FB2]  }
0x2c: {  	s7 =	sld [smem:$0x3FB3]  }
0x2d: {  	s3 =	simm.s32 $0x108;
	s8 =	sld [smem:$0x3FB4]  }
0x2e: {  	s3 =	simm.s32 @!p0 $0x1082;
	s9 =	sld [smem:$0x3FB5]  }
0x2f: {  	lr =	sadd.s32 s0, s3;
	s0 =	sld [smem:$0x3FAC]  }
0x30: {  	s3 =	sld [smem:$0x3FAF]  }
0x31: {  	[smem:$0x3FB8] =	sst s10  }
0x32: {  	s10 =	sld [smem:$0x3FB6];
	_ =	sdelay $0x3  }
0x33: {  	p0 =	seq.s32 s10, $0x1;
	s10 =	sld [smem:$0x3FB8];
	_ =	sdelay $0x3  }
0x34: {  	[smem:$0x3FB8] =	sst s10  }
0x35: {  	s10 =	sld [smem:$0x3FB7];
	_ =	sdelay $0x3  }
0x36: {  	p1 =	seq.s32 s10, $0x1;
	s10 =	sld [smem:$0x3FB8];
	_ =	sdelay $0x3  }
0x37: {  	[smem:$0x3FB8] =	sst s10  }
0x38: {  	s10 =	sld [smem:$0x3FB9]  }
0x39: {  	_ = 	snop;
	(pc) =	sbr.ind lr, $3  }
0x3a: {  	_ = 	snop  }
0x3b: {  	_ = 	snop  }
0x3c: {  	p2 =	seq.s32 s10, $0x1;
	s10 =	sld [smem:$0x3FB8]  }
0x3d: {  	_ =	shalt  }
0x3e: {  	_ =	shalt  }
0x3f: {  	_ =	shalt  }
0x40: {  	_ =	shalt  }
0x41: {  	_ =	shalt  }
0x42: {  	_ =	shalt  }
0x43: {  	_ =	shalt  }
0x44: {  	_ =	shalt  }
0x45: {  	_ =	shalt  }
0x46: {  	_ =	shalt  }
0x47: {  	_ =	shalt  }
0x48: {  	_ =	shalt  }
0x49: {  	_ =	shalt  }
0x4a: {  	_ =	shalt  }
0x4b: {  	_ =	shalt  }
0x4c: {  	_ =	shalt  }
0x4d: {  	_ =	shalt  }
0x4e: {  	_ =	shalt  }
0x4f: {  	_ =	shalt  }
0x50: {  	_ =	shalt  }
0x51: {  	_ =	shalt  }
0x52: {  	_ =	shalt  }
0x53: {  	_ =	shalt  }
0x54: {  	_ =	shalt  }
0x55: {  	_ =	shalt  }
0x56: {  	_ =	shalt  }
0x57: {  	_ =	shalt  }
0x58: {  	_ =	shalt  }
0x59: {  	_ =	shalt  }
0x5a: {  	_ =	shalt  }
0x5b: {  	_ =	shalt  }
0x5c: {  	_ =	shalt  }
0x5d: {  	_ =	shalt  }
0x5e: {  	_ =	shalt  }
0x5f: {  	_ =	shalt  }
0x60: {  	_ =	shalt  }
0x61: {  	_ =	shalt  }
0x62: {  	_ =	shalt  }
0x63: {  	_ =	shalt  }
0x64: {  	_ =	shalt  }
0x65: {  	_ =	shalt  }
0x66: {  	_ =	shalt  }
0x67: {  	_ =	shalt  }
0x68: {  	_ =	shalt  }
0x69: {  	_ =	shalt  }
0x6a: {  	_ =	shalt  }
0x6b: {  	_ =	shalt  }
0x6c: {  	_ =	shalt  }
0x6d: {  	_ =	shalt  }
0x6e: {  	_ =	shalt  }
0x6f: {  	_ =	shalt  }
0x70: {  	_ =	shalt  }
0x71: {  	_ =	shalt  }
0x72: {  	_ =	shalt  }
0x73: {  	_ =	shalt  }
0x74: {  	_ =	shalt  }
0x75: {  	_ =	shalt  }
0x76: {  	_ =	shalt  }
0x77: {  	_ =	shalt  }
0x78: {  	_ =	shalt  }
0x79: {  	_ =	shalt  }
0x7a: {  	_ =	shalt  }
0x7b: {  	_ =	shalt  }
0x7c: {  	_ =	shalt  }
0x7d: {  	_ =	shalt  }
0x7e: {  	_ =	shalt  }
0x7f: {  	_ =	shalt  }
0x80: {  	_ =	shalt  }
0x81: {  	_ =	shalt  }
0x82: {  	_ =	shalt  }
0x83: {  	_ =	shalt  }
0x84: {  	_ =	shalt  }
0x85: {  	_ =	shalt  }
0x86: {  	_ =	shalt  }
0x87: {  	_ =	shalt  }
.Lfunc_end0:
.L_simem_size_0:
called_computation_lowered:
.L_overlay_start_0:
0x88: {  	s2 =	sld [smem:$0x3FD9]  }
0x89: {  	s3 =	sld [smem:$0x3FFE];
	_ =	sdelay $0x1  }
0x8a: {  	s1 =	srdreg.scid  }
0x8b: {  	s0 =	sand.u32 $0x1, s1  }
0x8c: {  	s17 =	sshll.u32 s0, $0xA;
	s2 =	sadd.s32 s3, s2  }
0x8d: {  	s2 =	sadd.s32 s2, s17  }
0x8e: {  	[smem:$0x3FC4] =	sst s2  }
0x8f: {  	_ = 	snop  }
0x90: {  	s2 =	sld [smem:$0x3FC6]  }
0x91: {  	s18 =	sld [smem:$0x3FD0];
	(tm) =	ssettm $0x1  }
0x92: {  	s4 =	sld [smem:$0x3FFB];
	_ =	sdelay $0x3  }
0x93: {  	_ =	strace s4  }
0x94: {  	s4 =	sld [smem:$0x3FFC];
	_ =	sdelay $0x3  }
0x95: {  	_ =	strace s4  }
0x96: {  	s4 =	sld [smem:$0x3FFD];
	_ =	sdelay $0x3  }
0x97: {  	_ =	strace s4  }
0x98: {  	_ =	strace $0x8FFFFFFF  }
0x99: {  	s19 =	sld [smem:$0x3FDB];
	_ =	sdelay $0x1  }
0x9a: {  	s5 =	simm.s32 $_scs_section_size  }
0x9b: {  	s6 =	simm.s32 $_size__tile_overlayer_lowered;
	s7 =	simm.s32 $_tile_overlayer_lowered  }
0x9c: {  	s22 =	simm.s32 $0x1BFF;
	s21 =	sshll.u32 s7, $0x1;
	s4 =	sadd.s32 s5, s19  }
0x9d: {  	s8 =	simm.s32 $0x0;
	s20 =	sshll.u32 s6, $0x1;
	s6 =	sadd.s32 s21, s4  }
0x9e: {  	[timem:s8], [sflag:s22] =	dma.local [hbm:s6], s20  }
0x9f: {  	_ =	swait.ge [sflag:s22], s20  }
0xa0: {  	s5 =	ssub.s32 $0x0, s20;
	[sflag:s22] =	ssyncset.done $0x0  }
0xa1: {  	[sflag:s22] =	ssyncadd.s32 s5;
	_ =	sdelay $0x1  }
0xa2: {  	s23 =	simm.s32 $0x1B8B  }
0xa3: {  	_ =	swait.ge [sflag:s23], $0x1  }
0xa4: {  	[sflag:s23] =	ssyncset.done $0x0  }
0xa5: {  	s25 =	simm.s32 $0x1B8E;
	s24 =	sld [smem:$0x3FFE];
	[sflag:s23] =	ssyncadd.s32 $0xFFFFFFFF  }
0xa6: {  	s26 =	simm.s32 $execute0_lowered;
	[smem:$0x3FD2] =	sst s25  }
0xa7: {  	s6 =	sshll.u32 s26, $0x1;
	_ =	strace $0x80000046;
	[dreg:$0x1] =	wrdreg $0xFFFFFFFF  }
0xa8: {  	s28 =	simm.s32 $_size_execute0_lowered;
	s4 =	sadd.s32 s4, s6;
	[dreg:$0x0] =	wrdreg $0x0  }
0xa9: {  	s6 =	sshll.u32 s28, $0x1;
	[dreg:$0x2] =	wrdreg s4  }
0xaa: {  	[dreg:$0x3] =	wrdreg s6  }
0xab: {  	[dreg:$0x4] =	wrdreg $0xC0  }
0xac: {  	_ =	task [dreg:s8], $0x5FFFF  }
0xad: {  	[dreg:$0x1] =	wrdreg $0xFFFFFFFF  }
0xae: {  	[dreg:$0x0] =	wrdreg $0x60  }
0xaf: {  	[dreg:$0x2] =	wrdreg s24  }
0xb0: {  	[dreg:$0x3] =	wrdreg s2  }
0xb1: {  	[dreg:$0x4] =	wrdreg s18  }
0xb2: {  	[dreg:$0x5] =	wrdreg $0x9  }
0xb3: {  	_ =	task.clear_ibuf [dreg:s8], $0x6FFFF;
	_ =	strace $0x90000046  }
0xb4: {  	s29 =	simm.s32 $0x9;
	_ =	strace $0x80000048  }
0xb5: {  	_ =	swait.ge [sflag:s29], $0x1  }
0xb6: {  	[sflag:s29] =	ssyncadd.s32 $0xFFFFFFFF  }
0xb7: {  	_ =	strace $0x90000048  }
0xb8: {  	_ =	sfence  }
0xb9: {  	s30 =	sld [smem:$0x0];
	_ =	sdelay $0x2  }
0xba: {  	s31 =	sshll.u32 s1, $0xD;
	s1 =	sshrl.u32 s1, $0x2  }
0xbb: {  	s3 =	sand.u32 $0x4000, s31;
	s1 =	sadd.s32 s1, s30  }
0xbc: {  	s0 =	sor.u32 s3, s0;
	s1 =	sshll.u32 s1, $0x11  }
0xbd: {  	s0 =	sor.u32 s1, s0  }
0xbe: {  	s0 =	sadd.s32 $0x8F2B, s0  }
0xbf: {  	[sflag:s0] =	ssyncadd.remote.s32 $0x1  }
0xc0: {  	_ =	sfence.sel $0xFFFF  }
0xc1: {  	[dreg:$0x0] =	wrdreg $0xFFFFFFFF;
	(pc) =	sbr.abs _section_cstart, $3  }
0xc2: {  	[dreg:$0x1] =	wrdreg $0xFFFFFFFF  }
0xc3: {  	_ =	task.clear_ibuf [dreg:s8], $0x2FFFF;
	_ =	strace $0x9FFFFFFF  }
0xc4: {  	(tm) =	ssettm $0x7FFFFFFF  }
0xc5: {  	_ =	shalt  }
tec
execute0_lowered:
.L_overlay_start_1:
0x0: {  	(tag) =	ssettag $0x1  }
0x1: {  	s4 =	rddreg [dreg:$0x0]  }
0x2: {  	s11 =	rddreg [dreg:$0x1]  }
0x3: {  	s2 =	rddreg [dreg:$0x2]  }
0x4: {  	s0 =	rddreg [dreg:$0x3];
	s3 =	simm.s32 $0x0  }
0x5: {  	s1 =	stileid.u32;
	s5 =	srdreg.scid;
	s18 =	simm.s32 $0x6000  }
0x6: {  	s19 =	simm.s32 $0xE000;
	s20 =	simm.s32 $0x10000;
	[smem:$0x7FF] =	sst s3  }
0x7: {  	s5 =	sand.u32 $0x1, s5;
	s6 =	sshll.u32 s1, $0x1;
	s10 =	sadd.s32 $0xA00, s4  }
0x8: {  	s7 =	sshll.u32 s1, $0xB;
	_ =	strace $0x80000047;
	s9 =	sor.u32 s5, s6  }
0x9: {  	s21 =	sand.u32 $0x6000, s7;
	s5 =	ssub.s32 $0x2, s5;
	s22 =	sshll.u32 s9, $0xF  }
0xa: {  	s8 =	sshrl.u32 s5, $0x1;
	s12 =	smul.u32 $0x3000, s9;
	s14 =	sadd.s32 s21, s4  }
0xb: {  	s24 =	sshll.u32 s9, $0xC;
	s17 =	sshll.u32 s9, $0x4;
	s21 =	simm.s32 $0x12000  }
0xc: {  	s13 =	sor.u32 $0x2000, s22;
	s15 =	ssub.s32 s5, s8;
	s25 =	sor.u32 $0x4000, s22  }
0xd: {  	s5 =	sadd.s32 s11, s24;
	s16 =	sor.u32 $0x6000, s22;
	s30 =	sand.u32 $0x70, s17  }
0xe: {  	s17 =	simm.s32 $0x1;
	s22 =	simm.s32 $0x2;
	s23 =	smul.u32 $0x3, s13  }
0xf: {  	v0 =	vimm.s32 $0xFFEDCBA9;
	v1 =	vimm.s32 $0x87654321;
	s24 =	simm.s32 $0x400;
	s4 =	sadd.s32 s10, s12;
	s26 =	smul.u32 $0x3, s25  }
0x10: {  	v0 =	vunpack.c.l.s4.s8 v0;
	v1 =	vunpack.c.l.s4.s8 v1;
	s13 =	sshrl.u32 s13, $0x3;
	s28 =	smul.u32 $0x3, s16;
	s12 =	sshrl.u32 s25, $0x3  }
0x11: {  	s31 =	sshrl.u32 s16, $0x3;
	s16 =	simm.s32 $0x3;
	s25 =	simm.s32 $0x0  }
0x12: {  	v0 =	vunpack.c.0.s8.s32 v0;
	v1 =	vunpack.c.0.s8.s32 v1;
	s7 =	sadd.s32 s11, s13;
	s9 =	sadd.s32 s11, s12;
	s13 =	sadd.s32 s30, s14  }
0x13: {  	s11 =	sadd.s32 s11, s31;
	s14 =	simm.s32 $0xC000;
	s6 =	sshrl.u32 s23, $0x3  }
0x14: {  	v1 =	vcombine.low v1, v0;
	s8 =	sshrl.u32 s26, $0x3;
	s29 =	sshrl.u32 s28, $0x3;
	s12 =	sadd.s32 $0x60A00, s13  }
0x15: {  	vm0 =	vcmask $0x3F3C;
	s13 =	smax.u32 s15, $0x1;
	s15 =	simm.s32 $0x14000;
	s23 =	simm.s32 $0x80  }
0x16: {  	vm1 =	vmmov $0x7fff;
	v0 =	vimm.f32 $0.0e+00;
	v1 =	vand.u32 $0xF, v1;
	s6 =	sadd.s32 s10, s6;
	s8 =	sadd.s32 s10, s8;
	s10 =	sadd.s32 s10, s29  }
.LBB2_1:
0x17: {  	[tilespmem:s3], [sflag:$0x1] =	stream.linear.gather [hbm4b:s4+s3], $0x6000, $0x38;
	[tilespmem:$0x14080] =	vst v63  }
0x18: {  	_ = 	snop  }
0x19: {  	[tilespmem:s14], [sflag:$0x1] =	stream.linear.gather [hbm4b:s5+s3], $0x2000, $0x38;
	[tilespmem:$0x14080] =	vst v63  }
0x1a: {  	_ = 	snop  }
0x1b: {  	[tilespmem:s15], [sflag:$0x3] =	stream.linear.gather [hbm4b:s2+s3], $0x80, $0x38;
	[tilespmem:$0x14080] =	vst v63  }
0x1c: {  	_ =	swait.ge [sflag:s16], $0x80  }
0x1d: {  	[sflag:s16] =	ssyncset.done $0x0  }
0x1e: {  	[sflag:s16] =	ssyncadd.s32 $0xFFFFFF80  }
0x1f: {  	s26 =	simm.s32 $0x0;
	s28 =	simm.s32 $0x200;
	v4 =	vld [tilespmem:$0x14000]  }
.LBB2_2:
0x20: {  	p0 =	sne.s32 s28, $0x7E00;
	[tilespmem:s26+$0x12070] =	vst v0  }
0x21: {  	[tilespmem:s26+$0x10000] =	vst v0  }
0x22: {  	[tilespmem:s26+$0x12000] =	vst v0  }
0x23: {  	[tilespmem:s26+$0x10010] =	vst v0  }
0x24: {  	[tilespmem:s26+$0x12010] =	vst v0  }
0x25: {  	[tilespmem:s26+$0x10020] =	vst v0  }
0x26: {  	[tilespmem:s26+$0x12020] =	vst v0  }
0x27: {  	[tilespmem:s26+$0x10030] =	vst v0  }
0x28: {  	[tilespmem:s26+$0x12030] =	vst v0  }
0x29: {  	[tilespmem:s26+$0x10040] =	vst v0  }
0x2a: {  	[tilespmem:s26+$0x12040] =	vst v0  }
.Ltmp0:
0x2b: {  	[tilespmem:s26+$0x10050] =	vst v0;
	(pc) =	sbr.rel @p0 .LBB2_2-.Ltmp0, $4  }
0x2c: {  	[tilespmem:s26+$0x12050] =	vst v0  }
0x2d: {  	[tilespmem:s26+$0x10060] =	vst v0  }
0x2e: {  	[tilespmem:s26+$0x12060] =	vst v0  }
0x2f: {  	[tilespmem:s26+$0x10070] =	vst v0;
	s26 =	sshra.s32 s28, $0x2;
	s28 =	sadd.s32 $0x200, s28  }
0x30: {  	[tilespmem:s26+$0x12070] =	vst v0  }
0x31: {  	[tilespmem:s26+$0x10000] =	vst v0  }
0x32: {  	[tilespmem:s26+$0x12000] =	vst v0  }
0x33: {  	[tilespmem:s26+$0x10010] =	vst v0  }
0x34: {  	[tilespmem:s26+$0x12010] =	vst v0  }
0x35: {  	[tilespmem:s26+$0x10020] =	vst v0  }
0x36: {  	[tilespmem:s26+$0x12020] =	vst v0  }
0x37: {  	[tilespmem:s26+$0x10030] =	vst v0  }
0x38: {  	[tilespmem:s26+$0x12030] =	vst v0  }
0x39: {  	[tilespmem:s26+$0x10040] =	vst v0  }
0x3a: {  	[tilespmem:s26+$0x12040] =	vst v0  }
0x3b: {  	[tilespmem:s26+$0x10050] =	vst v0  }
0x3c: {  	[tilespmem:s26+$0x12050] =	vst v0  }
0x3d: {  	[tilespmem:s26+$0x10060] =	vst v0  }
0x3e: {  	[tilespmem:s26+$0x12060] =	vst v0  }
0x3f: {  	[tilespmem:s26+$0x10070] =	vst v0  }
0x40: {  	_ =	swait.ge [sflag:s17], $0x6000  }
0x41: {  	[sflag:s17] =	ssyncset.done $0x0  }
0x42: {  	[sflag:s17] =	ssyncadd.s32 $0xFFFFA000  }
0x43: {  	_ =	swait.ge [sflag:s17], $0x2000  }
0x44: {  	[sflag:s17] =	ssyncset.done $0x0  }
0x45: {  	s31 =	simm.s32 $0x0;
	[sflag:s17] =	ssyncadd.s32 $0xFFFFE000  }
0x46: {  	[tilespmem:s18], [sflag:$0x2] =	stream.linear.gather [hbm4b:s6+s31], $0x6000, $0x38;
	[tilespmem:$0x14080] =	vst v63  }
0x47: {  	s28 =	simm.s32 $0xC0  }
0x48: {  	[tilespmem:s19], [sflag:$0x2] =	stream.linear.gather [hbm4b:s7+s31], $0x2000, $0x38;
	[tilespmem:$0x14080] =	vst v63  }
0x49: {  	v6 =	vld [tilespmem:s28+$0x60]  }
0x4a: {  	v7 =	vld [tilespmem:s28+$0xFFFFFFE0]  }
0x4b: {  	v8 =	vld [tilespmem:s28+$0xFFFFFF60]  }
0x4c: {  	v9 =	vld [tilespmem:s28+$0xFFFFFF50]  }
0x4d: {  	v10 =	vld [tilespmem:s28+$0x20]  }
0x4e: {  	v11 =	vld [tilespmem:s28+$0x40]  }
0x4f: {  	v12 =	vld [tilespmem:s28+$0x50]  }
0x50: {  	v13 =	vld [tilespmem:s28+$0xFFFFFFC0]  }
0x51: {  	v3 =	vbroadcast v4, $0x1;
	v2 =	vbroadcast v4, $0x0;
	v14 =	vld [tilespmem:s28+$0xFFFFFF40]  }
0x52: {  	v5 =	vbroadcast v4, $0x2;
	v4 =	vbroadcast v4, $0x3;
	v15 =	vld [tilespmem:s28+$0xFFFFFFD0]  }
0x53: {  	v16 =	vld [tilespmem:s28+$0xFFFFFF90];
	v7 =	vmul.f32 v7, v3;
	v10 =	vmul.f32 v10, v3  }
0x54: {  	v19 =	vld [tilespmem:s28+$0x90];
	v17 =	vmul.f32 v6, v5;
	v12 =	vmul.f32 v12, v5  }
0x55: {  	v18 =	vld [tilespmem:s28+$0x10];
	v8 =	vmul.f32 v8, v2;
	v13 =	vmul.f32 v13, v3  }
0x56: {  	s26 =	simm.s32 $0x0;
	v20 =	vld [tilespmem:s28+$0xFFFFFFA0];
	v11 =	vmul.f32 v11, v5;
	v14 =	vmul.f32 v14, v2  }
0x57: {  	v6 =	vld [tilespmem:s26+$0xC010];
	v9 =	vmul.f32 v9, v2;
	v7 =	vadd.f32 v7, v8;
	v8 =	vadd.f32 v17, v4  }
0x58: {  	v22 =	vld [tilespmem:s28+$0x70];
	v15 =	vmul.f32 v15, v3;
	v16 =	vmul.f32 v16, v2  }
0x59: {  	v19 =	vmul.f32 v19, v5;
	v17 =	vld [tilespmem:s28+$0x80];
	v11 =	vadd.f32 v11, v4;
	v21 =	vadd.f32 v8, v7  }
0x5a: {  	v15 =	vadd.f32 v15, v9;
	v7 =	vadd.f32 v13, v14;
	v14 =	vmul.f32 v18, v3;
	v8 =	vld [tilespmem:s26+$0xC000]  }
0x5b: {  	v20 =	vmul.f32 v20, v2;
	v19 =	vadd.f32 v19, v4;
	v18 =	vadd.f32 v12, v4;
	v12 =	vld [tilespmem:s28+$0xFFFFFFF0];
	(xrf2) =	vadd.scan.msk.f32 $0xffff, v21  }
0x5c: {  	v13 =	vld [tilespmem:s28+$0xFFFFFF70];
	v23 =	vadd.f32 v11, v7;
	v24 =	vadd.f32 v14, v16;
	v7 =	vperm.xlane v6, v1  }
0x5d: {  	v9 =	vadd.f32 v10, v20;
	v10 =	vadd.f32 v18, v15;
	v14 =	vld [tilespmem:s28+$0x0];
	v16 =	vmul.f32 v22, v5  }
0x5e: {  	s30 =	simm.s32 $0x200;
	s29 =	simm.s32 $0xC0;
	v15 =	vld [tilespmem:s28+$0xFFFFFF80];
	v11 =	vmul.f32 v17, v5;
	vm2 =	vne.s32 v6, v7;
	(xrf2) =	vadd.scan.msk.f32 $0xffff, v23;
	v17 =	vadd.f32 v19, v24  }
.LBB2_4:
0x5f: {  	p0 =	sne.s32 s30, $0x7E00  }
0x60: {  	s28 =	sadd.s32 $0x180, s28;
	s31 =	smov.u32 s30;
	s30 =	sadd.s32 $0x200, s30  }
0x61: {  	v12 =	vmul.f32 v12, v3;
	v18 =	vld [tilespmem:s29+$0xB0];
	v13 =	vmul.f32 v13, v2;
	(xrf2) =	vadd.scan.msk.f32 $0xffff, v17  }
0x62: {  	v16 =	vadd.f32 v16, v4;
	v17 =	vld [tilespmem:s29+$0xA0];
	v21 =	vmul.f32 v14, v3  }
0x63: {  	v19 =	vld [tilespmem:s26+$0xC020];
	v12 =	vadd.f32 v12, v13;
	v13 =	vmul.f32 v15, v2;
	v15 =	vperm.xlane v8, v1  }
0x64: {  	v11 =	vadd.f32 v11, v4;
	v20 =	vld [tilespmem:s29+$0x30];
	(xrf2) =	vadd.scan.msk.f32 $0xffff, v10  }
0x65: {  	v10 =	vld [tilespmem:s29+$0xFFFFFFB0];
	v12 =	vadd.f32 v16, v12;
	v13 =	vadd.f32 v21, v13;
	vm3 =	vne.s32 v8, v15;
	v14, _, _ =	vpop (xrf2);
	s29 =	smov.u32 s28  }
0x66: {  	v16 =	vld [tilespmem:s26+$0xC030];
	v18 =	vmul.f32 v18, v5;
	vm5 =	vmor vm3, vm0  }
0x67: {  	s31 =	sshra.s32 s31, $0x2;
	vm6 =	vmand vm3, vm1;
	v11 =	vadd.f32 v11, v13;
	v13 =	vmul.f32 v17, v5;
	(xrf2) =	vadd.scan.msk.f32 $0xffff, v12  }
0x68: {  	vm3 =	vmor vm2, vm0;
	v12 =	vld [tilespmem:s26+$0xC040];
	v17 =	vperm.xlane v19, v1;
	v21, _, _ =	vpop (xrf2)  }
0x69: {  	v22 =	vld [tilespmem:s26+$0xC070];
	v13 =	vadd.f32 v13, v4;
	v20 =	vmul.f32 v20, v3;
	v23 =	vsub.f32 $0.0e+00, v21  }
0x6a: {  	vm2 =	vmand vm2, vm1;
	v24 =	vld [tilespmem:s26+$0xC050];
	v10 =	vmul.f32 v10, v2;
	vm7 =	vne.s32 v19, v17;
	(xrf2) =	vadd.scan.msk.f32 $0xffff, v11  }
0x6b: {  	v11 =	vld [tilespmem:s26+$0xC060];
	v9 =	vadd.f32 v13, v9;
	v13 =	vperm.xlane v16, v1;
	vm4 =	vmor vm7, vm0;
	v25, _, _ =	vpop (xrf2);
	s26 =	smov.u32 s31  }
0x6c: {  	v18 =	vadd.f32 v18, v4;
	v20 =	vadd.f32 v20, v10;
	[tilespmem:v8+s20+$0x0] =	vst.idx.add.f32.msk vm5, v21;
	vm5 =	vmand vm7, vm1  }
0x6d: {  	v8 =	vperm.xlane v12, v1;
	[tilespmem:v15+s21+$0x0] =	vst.idx.add.f32.msk vm6, v23;
	vm6 =	vne.s32 v16, v13;
	(xrf2) =	vadd.scan.msk.f32 $0xffff, v9  }
0x6e: {  	v9 =	vadd.f32 v18, v20;
	vm7 =	vmor vm6, vm0;
	vm6 =	vmand vm6, vm1;
	v10, _, _ =	vpop (xrf2)  }
0x6f: {  	v15 =	vperm.xlane v24, v1;
	[tilespmem:v6+s21+$0x0] =	vst.idx.add.f32.msk vm3, v10;
	v18 =	vsub.f32 $0.0e+00, v10;
	vm3 =	vne.s32 v12, v8  }
0x70: {  	v10 =	vsub.f32 $0.0e+00, v14;
	vm8 =	vmor vm3, vm0;
	(xrf2) =	vadd.scan.msk.f32 $0xffff, v9  }
0x71: {  	v9 =	vperm.xlane v11, v1;
	[tilespmem:v7+s20+$0x0] =	vst.idx.add.f32.msk vm2, v18;
	vm2 =	vmand vm3, vm1;
	vm3 =	vne.s32 v24, v15;
	v6, _, _ =	vpop (xrf2)  }
0x72: {  	[tilespmem:v19+s20+$0x0] =	vst.idx.add.f32.msk vm4, v14;
	v7 =	vsub.f32 $0.0e+00, v6;
	vm4 =	vmor vm3, vm0  }
0x73: {  	v14 =	vperm.xlane v22, v1;
	vm3 =	vmand vm3, vm1;
	[tilespmem:v17+s21+$0x0] =	vst.idx.add.f32.msk vm5, v10;
	vm5 =	vne.s32 v11, v9  }
0x74: {  	[tilespmem:v16+s21+$0x0] =	vst.idx.add.f32.msk vm7, v6;
	vm7 =	vmor vm5, vm0;
	v6, _, _ =	vpop (xrf2)  }
0x75: {  	vm5 =	vmand vm5, vm1;
	[tilespmem:v13+s20+$0x0] =	vst.idx.add.f32.msk vm6, v7;
	v10 =	vsub.f32 $0.0e+00, v6;
	vm6 =	vne.s32 v22, v14  }
0x76: {  	[tilespmem:v12+s20+$0x0] =	vst.idx.add.f32.msk vm8, v6;
	vm8 =	vmor vm6, vm0  }
0x77: {  	v6 =	vsub.f32 $0.0e+00, v25;
	[tilespmem:v8+s21+$0x0] =	vst.idx.add.f32.msk vm2, v10;
	vm2 =	vmand vm6, vm1;
	v7, _, _ =	vpop (xrf2)  }
0x78: {  	[tilespmem:v24+s21+$0x0] =	vst.idx.add.f32.msk vm4, v25  }
0x79: {  	[tilespmem:v15+s20+$0x0] =	vst.idx.add.f32.msk vm3, v6;
	v6 =	vsub.f32 $0.0e+00, v7  }
0x7a: {  	[tilespmem:v11+s20+$0x0] =	vst.idx.add.f32.msk vm7, v7;
	v7, _, _ =	vpop (xrf2)  }
0x7b: {  	[tilespmem:v9+s21+$0x0] =	vst.idx.add.f32.msk vm5, v6;
	v6 =	vsub.f32 $0.0e+00, v7  }
0x7c: {  	[tilespmem:v22+s21+$0x0] =	vst.idx.add.f32.msk vm8, v7  }
0x7d: {  	[tilespmem:v14+s20+$0x0] =	vst.idx.add.f32.msk vm2, v6  }
0x7e: {  	v6 =	vld [tilespmem:s28+$0x60]  }
0x7f: {  	v7 =	vld [tilespmem:s28+$0xFFFFFFE0]  }
0x80: {  	v8 =	vld [tilespmem:s28+$0xFFFFFF60]  }
0x81: {  	v9 =	vld [tilespmem:s28+$0xFFFFFF50]  }
0x82: {  	v10 =	vld [tilespmem:s28+$0x20]  }
0x83: {  	v11 =	vld [tilespmem:s28+$0xFFFFFFA0]  }
0x84: {  	v12 =	vld [tilespmem:s28+$0x40]  }
0x85: {  	v13 =	vld [tilespmem:s28+$0x50]  }
0x86: {  	v14 =	vld [tilespmem:s28+$0xFFFFFFC0]  }
0x87: {  	v7 =	vmul.f32 v7, v3;
	v15 =	vld [tilespmem:s28+$0xFFFFFF40]  }
0x88: {  	v10 =	vmul.f32 v10, v3;
	v16 =	vld [tilespmem:s28+$0xFFFFFFD0]  }
0x89: {  	v18 =	vmul.f32 v6, v5;
	v6 =	vmul.f32 v11, v2;
	v17 =	vld [tilespmem:s28+$0xFFFFFF90]  }
0x8a: {  	v8 =	vmul.f32 v8, v2;
	v11 =	vld [tilespmem:s28+$0x10];
	v13 =	vmul.f32 v13, v5  }
0x8b: {  	v20 =	vmul.f32 v9, v2;
	v9 =	vadd.f32 v10, v6;
	v19 =	vld [tilespmem:s28+$0x90];
	v14 =	vmul.f32 v14, v3  }
0x8c: {  	v7 =	vadd.f32 v7, v8;
	v10 =	vmul.f32 v12, v5;
	v12 =	vadd.f32 v18, v4;
	v6 =	vld [tilespmem:s26+$0xC010]  }
0x8d: {  	v15 =	vmul.f32 v15, v2;
	v18 =	vadd.f32 v13, v4;
	v8 =	vld [tilespmem:s26+$0xC000];
	v16 =	vmul.f32 v16, v3  }
0x8e: {  	v10 =	vadd.f32 v10, v4;
	v7 =	vadd.f32 v12, v7;
	v21 =	vld [tilespmem:s28+$0x80]  }
0x8f: {  	v14 =	vadd.f32 v14, v15;
	v22 =	vld [tilespmem:s28+$0x70];
	v15 =	vadd.f32 v16, v20;
	v11 =	vmul.f32 v11, v3  }
.Ltmp1:
0x90: {  	v16 =	vmul.f32 v17, v2;
	v12 =	vld [tilespmem:s28+$0xFFFFFFF0];
	v17 =	vmul.f32 v19, v5;
	(xrf2) =	vadd.scan.msk.f32 $0xffff, v7;
	(pc) =	sbr.rel @p0 .LBB2_4-.Ltmp1, $4  }
0x91: {  	v19 =	vadd.f32 v10, v14;
	v13 =	vld [tilespmem:s28+$0xFFFFFF70];
	v10 =	vadd.f32 v18, v15;
	v7 =	vperm.xlane v6, v1  }
0x92: {  	v18 =	vadd.f32 v11, v16;
	v14 =	vld [tilespmem:s28+$0x0];
	v17 =	vadd.f32 v17, v4  }
0x93: {  	v15 =	vld [tilespmem:s28+$0xFFFFFF80];
	v11 =	vmul.f32 v21, v5;
	vm2 =	vne.s32 v6, v7;
	(xrf2) =	vadd.scan.msk.f32 $0xffff, v19  }
0x94: {  	v16 =	vmul.f32 v22, v5;
	v17 =	vadd.f32 v17, v18  }
0x95: {  	_ = 	snop  }
0x96: {  	v18 =	vld [tilespmem:s29+$0xB0];
	v12 =	vmul.f32 v12, v3;
	v13 =	vmul.f32 v13, v2  }
0x97: {  	v19 =	vld [tilespmem:s29+$0xA0]  }
0x98: {  	v20 =	vld [tilespmem:s29+$0x30];
	(xrf2) =	vadd.scan.msk.f32 $0xffff, v17;
	v16 =	vadd.f32 v16, v4;
	v12 =	vadd.f32 v12, v13  }
0x99: {  	v14 =	vmul.f32 v14, v3;
	(xrf2) =	vadd.scan.msk.f32 $0xffff, v10;
	v10 =	vld [tilespmem:s29+$0xFFFFFFB0];
	v13 =	vmul.f32 v15, v2  }
0x9a: {  	v17 =	vld [tilespmem:s26+$0xC020];
	v15 =	vperm.xlane v8, v1;
	v12 =	vadd.f32 v16, v12  }
0x9b: {  	v11 =	vadd.f32 v11, v4;
	v13 =	vadd.f32 v14, v13  }
0x9c: {  	vm3 =	vne.s32 v8, v15;
	v14 =	vld [tilespmem:s26+$0xC030];
	v16 =	vmul.f32 v18, v5;
	v18 =	vmul.f32 v19, v5  }
0x9d: {  	v20 =	vmul.f32 v20, v3;
	vm4 =	vmor vm3, vm0;
	v11 =	vadd.f32 v11, v13  }
0x9e: {  	vm3 =	vmand vm3, vm1;
	(xrf2) =	vadd.scan.msk.f32 $0xffff, v12;
	v13 =	vld [tilespmem:s26+$0xC040];
	v18 =	vadd.f32 v18, v4;
	v10 =	vmul.f32 v10, v2;
	v12, _, _ =	vpop (xrf2)  }
0x9f: {  	vm5 =	vmor vm2, vm0;
	v23 =	vld [tilespmem:s26+$0xC050];
	v19 =	vperm.xlane v17, v1;
	v16 =	vadd.f32 v16, v4;
	v21, _, _ =	vpop (xrf2);
	(xrf2) =	vadd.scan.msk.f32 $0xffff, v11  }
0xa0: {  	v9 =	vadd.f32 v18, v9;
	v10 =	vadd.f32 v20, v10  }
0xa1: {  	vm2 =	vmand vm2, vm1;
	v24 =	vld [tilespmem:s26+$0xC060];
	vm6 =	vne.s32 v17, v19;
	v18 =	vperm.xlane v14, v1  }
0xa2: {  	vm7 =	vmor vm6, vm0;
	v11 =	vld [tilespmem:s26+$0xC070];
	v22 =	vsub.f32 $0.0e+00, v21;
	(xrf2) =	vadd.scan.msk.f32 $0xffff, v9;
	v9 =	vadd.f32 v16, v10  }
0xa3: {  	v20, _, _ =	vpop (xrf2);
	[tilespmem:v8+s20+$0x0] =	vst.idx.add.f32.msk vm4, v21;
	vm4 =	vmand vm6, vm1;
	v8 =	vperm.xlane v13, v1;
	vm12 =	vne.s32 v14, v18  }
0xa4: {  	vm8 =	vmor vm12, vm0;
	vm6 =	vmand vm12, vm1;
	v10, _, _ =	vpop (xrf2);
	[tilespmem:v15+s21+$0x0] =	vst.idx.add.f32.msk vm3, v22;
	v15 =	vperm.xlane v23, v1  }
0xa5: {  	v16 =	vsub.f32 $0.0e+00, v10;
	vm3 =	vne.s32 v13, v8;
	[tilespmem:v6+s21+$0x0] =	vst.idx.add.f32.msk vm5, v10;
	v6 =	vsub.f32 $0.0e+00, v12  }
0xa6: {  	(xrf2) =	vadd.scan.msk.f32 $0xffff, v9;
	vm5 =	vmor vm3, vm0  }
0xa7: {  	v9 =	vperm.xlane v24, v1;
	[tilespmem:v7+s20+$0x0] =	vst.idx.add.f32.msk vm2, v16;
	vm2 =	vmand vm3, vm1;
	vm3 =	vne.s32 v23, v15  }
0xa8: {  	v7, _, _ =	vpop (xrf2);
	[tilespmem:v17+s20+$0x0] =	vst.idx.add.f32.msk vm7, v12;
	vm13 =	vmor vm3, vm0;
	v12 =	vperm.xlane v11, v1  }
0xa9: {  	vm3 =	vmand vm3, vm1;
	v10 =	vsub.f32 $0.0e+00, v7;
	[tilespmem:v19+s21+$0x0] =	vst.idx.add.f32.msk vm4, v6;
	vm4 =	vne.s32 v24, v9;
	v6, _, _ =	vpop (xrf2)  }
0xaa: {  	[tilespmem:v14+s21+$0x0] =	vst.idx.add.f32.msk vm8, v7;
	vm14 =	vmor vm4, vm0;
	v7 =	vsub.f32 $0.0e+00, v6  }
0xab: {  	vm4 =	vmand vm4, vm1;
	vm15 =	vne.s32 v11, v12;
	[tilespmem:v18+s20+$0x0] =	vst.idx.add.f32.msk vm6, v10  }
0xac: {  	[tilespmem:v13+s20+$0x0] =	vst.idx.add.f32.msk vm5, v6;
	vm5 =	vmor vm15, vm0  }
0xad: {  	v6 =	vsub.f32 $0.0e+00, v20;
	[tilespmem:v8+s21+$0x0] =	vst.idx.add.f32.msk vm2, v7;
	vm2 =	vmand vm15, vm1  }
0xae: {  	[tilespmem:v23+s21+$0x0] =	vst.idx.add.f32.msk vm13, v20;
	v7, _, _ =	vpop (xrf2)  }
0xaf: {  	[tilespmem:v15+s20+$0x0] =	vst.idx.add.f32.msk vm3, v6;
	v6 =	vsub.f32 $0.0e+00, v7  }
0xb0: {  	[tilespmem:v24+s20+$0x0] =	vst.idx.add.f32.msk vm14, v7;
	v7, _, _ =	vpop (xrf2)  }
0xb1: {  	[tilespmem:v9+s21+$0x0] =	vst.idx.add.f32.msk vm4, v6;
	v6 =	vsub.f32 $0.0e+00, v7  }
0xb2: {  	[tilespmem:v11+s21+$0x0] =	vst.idx.add.f32.msk vm5, v7  }
0xb3: {  	[tilespmem:v12+s20+$0x0] =	vst.idx.add.f32.msk vm2, v6  }
0xb4: {  	_ =	swait.ge [sflag:s22], $0x6000  }
0xb5: {  	[sflag:s22] =	ssyncset.done $0x0  }
0xb6: {  	[sflag:s22] =	ssyncadd.s32 $0xFFFFA000  }
0xb7: {  	_ =	swait.ge [sflag:s22], $0x2000  }
0xb8: {  	[sflag:s22] =	ssyncset.done $0x0  }
0xb9: {  	s31 =	simm.s32 $0x0;
	[sflag:s22] =	ssyncadd.s32 $0xFFFFE000  }
0xba: {  	[tilespmem:s31], [sflag:$0x1] =	stream.linear.gather [hbm4b:s8+s31], $0x6000, $0x38;
	[tilespmem:$0x14080] =	vst v63  }
0xbb: {  	s30 =	simm.s32 $0x0  }
0xbc: {  	[tilespmem:s14], [sflag:$0x1] =	stream.linear.gather [hbm4b:s9+s31], $0x2000, $0x38;
	[tilespmem:$0x14080] =	vst v63  }
0xbd: {  	v7 =	vld [tilespmem:s30+$0x6050]  }
0xbe: {  	v9 =	vld [tilespmem:s30+$0x6090]  }
0xbf: {  	v6 =	vld [tilespmem:s30+$0x6150]  }
0xc0: {  	v8 =	vld [tilespmem:s30+$0x60D0]  }
0xc1: {  	v10 =	vld [tilespmem:s30+$0x6040]  }
0xc2: {  	v11 =	vld [tilespmem:s30+$0x6000]  }
0xc3: {  	v12 =	vld [tilespmem:s30+$0x60C0]  }
0xc4: {  	v13 =	vld [tilespmem:s30+$0x6140]  }
0xc5: {  	v14 =	vld [tilespmem:s30+$0x6100]  }
0xc6: {  	v15 =	vld [tilespmem:s30+$0x6080]  }
0xc7: {  	v16 =	vld [tilespmem:s30+$0x6010]  }
0xc8: {  	v17 =	vld [tilespmem:s30+$0x6110];
	v10 =	vmul.f32 v10, v2;
	v18 =	vmul.f32 v6, v5  }
0xc9: {  	v20 =	vld [tilespmem:s30+$0x6130];
	v19 =	vmul.f32 v8, v3;
	v12 =	vmul.f32 v12, v3  }
0xca: {  	v58 =	vld [tilespmem:s30+$0x6120];
	v7 =	vmul.f32 v7, v2;
	v11 =	vmul.f32 v11, v2  }
0xcb: {  	v59 =	vld [tilespmem:s30+$0x6020];
	v14 =	vmul.f32 v14, v5;
	v10 =	vadd.f32 v12, v10;
	v12 =	vmul.f32 v15, v3  }
0xcc: {  	s26 =	simm.s32 $0xE070;
	v60 =	vld [tilespmem:s30+$0x6170];
	v13 =	vmul.f32 v13, v5;
	v18 =	vadd.f32 v18, v4;
	v7 =	vadd.f32 v19, v7  }
0xcd: {  	v8 =	vld [tilespmem:s26+$0xFFFFFF90];
	v14 =	vadd.f32 v14, v4;
	v11 =	vadd.f32 v12, v11  }
0xce: {  	v16 =	vmul.f32 v16, v2;
	v15 =	vld [tilespmem:s30+$0x60A0];
	v19 =	vmul.f32 v9, v3;
	v13 =	vadd.f32 v13, v4  }
0xcf: {  	v9 =	vadd.f32 v18, v7;
	v7 =	vmul.f32 v17, v5;
	v17 =	vld [tilespmem:s30+$0x60B0];
	v11 =	vadd.f32 v14, v11  }
0xd0: {  	v18 =	vld [tilespmem:s30+$0x6030]  }
0xd1: {  	v6 =	vld [tilespmem:s26+$0xFFFFFFF0];
	v22 =	vmul.f32 v59, v2;
	v13 =	vadd.f32 v13, v10;
	v10 =	vadd.f32 v19, v16;
	(xrf2) =	vadd.scan.msk.f32 $0xffff, v11  }
0xd2: {  	v19 =	vmul.f32 v58, v5;
	v12 =	vperm.xlane v8, v1;
	v16 =	vadd.f32 v7, v4;
	v7 =	vld [tilespmem:s26+$0xFFFFFFC0]  }
0xd3: {  	v20 =	vmul.f32 v20, v5;
	v14 =	vld [tilespmem:s30+$0x6160];
	v61 =	vmul.f32 v15, v3  }
0xd4: {  	v19 =	vadd.f32 v19, v4;
	vm2 =	vne.s32 v8, v12;
	v16 =	vadd.f32 v16, v10;
	v10 =	vld [tilespmem:s26+$0xFFFFFFA0];
	(xrf2) =	vadd.scan.msk.f32 $0xffff, v13  }
0xd5: {  	v15 =	vld [tilespmem:s30+$0x60E0];
	v62 =	vmul.f32 v17, v3;
	v22 =	vadd.f32 v61, v22;
	v63 =	vmul.f32 v18, v2  }
0xd6: {  	v11 =	vld [tilespmem:s26+$0xFFFFFFB0];
	vm3 =	vmor vm2, vm0;
	vm2 =	vmand vm2, vm1;
	v17 =	vadd.f32 v20, v4  }
0xd7: {  	s28 =	simm.s32 $0xE070;
	s29 =	simm.s32 $0x600;
	v13 =	vmul.f32 v60, v5;
	(xrf2) =	vadd.scan.msk.f32 $0xffff, v16;
	v16 =	vld [tilespmem:s30+$0x6060];
	v18 =	vadd.f32 v19, v22;
	v19 =	vadd.f32 v62, v63  }
.LBB2_6:
0xd8: {  	p0 =	sne.s32 s29, $0x17A00  }
0xd9: {  	v20 =	vld [tilespmem:s30+$0x60F0];
	v21 =	vperm.xlane v10, v1;
	s26 =	sadd.s32 $0x80, s26;
	s31 =	smov.u32 s29;
	s29 =	sadd.s32 $0x600, s29  }
0xda: {  	v22 =	vld [tilespmem:s30+$0x6070];
	v17 =	vadd.f32 v17, v19;
	v14 =	vmul.f32 v14, v5;
	(xrf2) =	vadd.scan.msk.f32 $0xffff, v18  }
0xdb: {  	v18 =	vld [tilespmem:s28+$0xFFFFFFE0];
	v15 =	vmul.f32 v15, v3;
	vm4 =	vne.s32 v10, v21;
	v19, _, _ =	vpop (xrf2)  }
0xdc: {  	v23 =	vld [tilespmem:s28+$0x0];
	v24 =	vperm.xlane v11, v1;
	v25 =	vsub.f32 $0.0e+00, v19;
	vm5 =	vmor vm4, vm0  }
0xdd: {  	v27 =	vperm.xlane v7, v1;
	v14 =	vadd.f32 v14, v4;
	v26 =	vld [tilespmem:s28+$0xFFFFFFD0];
	v16 =	vmul.f32 v16, v2;
	(xrf2) =	vadd.scan.msk.f32 $0xffff, v17;
	s28 =	smov.u32 s26  }
0xde: {  	v17 =	vmul.f32 v20, v3;
	[tilespmem:v8+s20+$0x0] =	vst.idx.add.f32.msk vm3, v19;
	vm3 =	vmand vm4, vm1;
	vm4 =	vne.s32 v11, v24;
	v8, _, _ =	vpop (xrf2)  }
0xdf: {  	v19 =	vadd.f32 v15, v16;
	v16 =	vmul.f32 v22, v2;
	[tilespmem:v12+s21+$0x0] =	vst.idx.add.f32.msk vm2, v25;
	vm2 =	vmor vm4, vm0  }
0xe0: {  	vm6 =	vne.s32 v7, v27;
	v12 =	vadd.f32 v13, v4;
	v13 =	vperm.xlane v18, v1;
	(xrf2) =	vadd.scan.msk.f32 $0xffff, v9  }
0xe1: {  	vm4 =	vmand vm4, vm1;
	v19 =	vadd.f32 v14, v19;
	v14 =	vadd.f32 v17, v16;
	v15, _, _ =	vpop (xrf2)  }
0xe2: {  	v16 =	vperm.xlane v26, v1;
	[tilespmem:v10+s21+$0x0] =	vst.idx.add.f32.msk vm5, v15;
	v10 =	vsub.f32 $0.0e+00, v15;
	vm5 =	vmor vm6, vm0  }
0xe3: {  	vm7 =	vne.s32 v18, v13;
	v12 =	vadd.f32 v12, v14;
	(xrf2) =	vadd.scan.msk.f32 $0xffff, v19  }
0xe4: {  	[tilespmem:v21+s20+$0x0] =	vst.idx.add.f32.msk vm3, v10;
	vm3 =	vmand vm6, vm1;
	vm6 =	vne.s32 v26, v16;
	v9, _, _ =	vpop (xrf2)  }
0xe5: {  	[tilespmem:v11+s20+$0x0] =	vst.idx.add.f32.msk vm2, v9;
	v14 =	vsub.f32 $0.0e+00, v9;
	vm2 =	vmor vm6, vm0  }
0xe6: {  	v10 =	vperm.xlane v6, v1;
	vm6 =	vmand vm6, vm1;
	(xrf2) =	vadd.scan.msk.f32 $0xffff, v12  }
0xe7: {  	v11 =	vperm.xlane v23, v1;
	[tilespmem:v24+s21+$0x0] =	vst.idx.add.f32.msk vm4, v14;
	vm4 =	vmor vm7, vm0;
	v9, _, _ =	vpop (xrf2)  }
0xe8: {  	[tilespmem:v7+s21+$0x0] =	vst.idx.add.f32.msk vm5, v9;
	v7 =	vsub.f32 $0.0e+00, v9;
	vm5 =	vmand vm7, vm1;
	vm7 =	vne.s32 v6, v10  }
0xe9: {  	s30 =	sshra.s32 s31, $0x2;
	vm8 =	vmor vm7, vm0  }
0xea: {  	[tilespmem:v27+s20+$0x0] =	vst.idx.add.f32.msk vm3, v7;
	v7 =	vsub.f32 $0.0e+00, v8;
	vm3 =	vmand vm7, vm1;
	vm7 =	vne.s32 v23, v11;
	v9, _, _ =	vpop (xrf2)  }
0xeb: {  	[tilespmem:v26+s20+$0x0] =	vst.idx.add.f32.msk vm2, v8;
	vm2 =	vmor vm7, vm0  }
0xec: {  	[tilespmem:v16+s21+$0x0] =	vst.idx.add.f32.msk vm6, v7;
	v7 =	vsub.f32 $0.0e+00, v9  }
0xed: {  	[tilespmem:v18+s21+$0x0] =	vst.idx.add.f32.msk vm4, v9;
	vm4 =	vmand vm7, vm1;
	v8, _, _ =	vpop (xrf2)  }
0xee: {  	[tilespmem:v13+s20+$0x0] =	vst.idx.add.f32.msk vm5, v7;
	v7 =	vsub.f32 $0.0e+00, v8  }
0xef: {  	[tilespmem:v6+s20+$0x0] =	vst.idx.add.f32.msk vm8, v8  }
0xf0: {  	[tilespmem:v10+s21+$0x0] =	vst.idx.add.f32.msk vm3, v7;
	v6, _, _ =	vpop (xrf2)  }
0xf1: {  	[tilespmem:v23+s21+$0x0] =	vst.idx.add.f32.msk vm2, v6;
	v6 =	vsub.f32 $0.0e+00, v6;
	_ =	sdelay $0x1  }
0xf2: {  	[tilespmem:v11+s20+$0x0] =	vst.idx.add.f32.msk vm4, v6  }
0xf3: {  	v6 =	vld [tilespmem:s30+$0x6050]  }
0xf4: {  	v7 =	vld [tilespmem:s30+$0x6090]  }
0xf5: {  	v8 =	vld [tilespmem:s30+$0x6150]  }
0xf6: {  	v9 =	vld [tilespmem:s30+$0x60D0]  }
0xf7: {  	v10 =	vld [tilespmem:s30+$0x6040]  }
0xf8: {  	v11 =	vld [tilespmem:s30+$0x6000]  }
0xf9: {  	v12 =	vld [tilespmem:s30+$0x60C0]  }
0xfa: {  	v13 =	vld [tilespmem:s30+$0x6140]  }
0xfb: {  	v14 =	vld [tilespmem:s30+$0x6100]  }
0xfc: {  	v8 =	vmul.f32 v8, v5;
	v15 =	vld [tilespmem:s30+$0x6080];
	v10 =	vmul.f32 v10, v2  }
0xfd: {  	v9 =	vmul.f32 v9, v3;
	v16 =	vld [tilespmem:s30+$0x6010]  }
0xfe: {  	v18 =	vmul.f32 v6, v2;
	v17 =	vld [tilespmem:s30+$0x6110];
	v12 =	vmul.f32 v12, v3  }
0xff: {  	v19 =	vadd.f32 v8, v4;
	v11 =	vmul.f32 v11, v2;
	v13 =	vmul.f32 v13, v5  }
0x100: {  	v9 =	vadd.f32 v9, v18;
	v6 =	vld [tilespmem:s26+$0xFFFFFFF0];
	v14 =	vmul.f32 v14, v5;
	v10 =	vadd.f32 v12, v10  }
0x101: {  	v7 =	vmul.f32 v7, v3;
	v8 =	vld [tilespmem:s26+$0xFFFFFF90];
	v12 =	vmul.f32 v15, v3;
	v13 =	vadd.f32 v13, v4  }
0x102: {  	v9 =	vadd.f32 v19, v9;
	v15 =	vld [tilespmem:s30+$0x6130];
	v14 =	vadd.f32 v14, v4;
	v16 =	vmul.f32 v16, v2  }
0x103: {  	v18 =	vld [tilespmem:s30+$0x6120];
	v11 =	vadd.f32 v12, v11;
	v12 =	vmul.f32 v17, v5;
	v13 =	vadd.f32 v13, v10  }
0x104: {  	v17 =	vld [tilespmem:s30+$0x60A0];
	v7 =	vadd.f32 v7, v16  }
0x105: {  	v16 =	vld [tilespmem:s30+$0x6020];
	v10 =	vadd.f32 v14, v11;
	v11 =	vadd.f32 v12, v4  }
0x106: {  	v19 =	vld [tilespmem:s30+$0x60B0]  }
0x107: {  	v20 =	vld [tilespmem:s30+$0x6030];
	v21 =	vadd.f32 v11, v7;
	v22 =	vmul.f32 v15, v5;
	(xrf2) =	vadd.scan.msk.f32 $0xffff, v10  }
0x108: {  	v7 =	vld [tilespmem:s26+$0xFFFFFFC0];
	v11 =	vmul.f32 v18, v5  }
0x109: {  	v12 =	vperm.xlane v8, v1;
	v23 =	vld [tilespmem:s30+$0x6170]  }
.Ltmp2:
0x10a: {  	v17 =	vmul.f32 v17, v3;
	v10 =	vld [tilespmem:s26+$0xFFFFFFA0];
	v16 =	vmul.f32 v16, v2;
	(xrf2) =	vadd.scan.msk.f32 $0xffff, v13;
	(pc) =	sbr.rel @p0 .LBB2_6-.Ltmp2, $4  }
0x10b: {  	vm2 =	vne.s32 v8, v12;
	v14 =	vld [tilespmem:s30+$0x6160];
	v13 =	vmul.f32 v19, v3  }
0x10c: {  	v19 =	vadd.f32 v11, v4;
	v15 =	vld [tilespmem:s30+$0x60E0];
	v18 =	vadd.f32 v17, v16;
	v20 =	vmul.f32 v20, v2  }
0x10d: {  	vm3 =	vmor vm2, vm0;
	vm2 =	vmand vm2, vm1;
	v17 =	vadd.f32 v22, v4;
	v11 =	vld [tilespmem:s26+$0xFFFFFFB0];
	(xrf2) =	vadd.scan.msk.f32 $0xffff, v21  }
0x10e: {  	v16 =	vld [tilespmem:s30+$0x6060];
	v18 =	vadd.f32 v19, v18;
	v19 =	vadd.f32 v13, v20;
	v13 =	vmul.f32 v23, v5  }
0x10f: {  	_ =	sdelay $0x1  }
0x110: {  	v20 =	vld [tilespmem:s30+$0x60F0]  }
0x111: {  	v21 =	vperm.xlane v10, v1;
	v22 =	vld [tilespmem:s30+$0x6070];
	v17 =	vadd.f32 v17, v19;
	(xrf2) =	vadd.scan.msk.f32 $0xffff, v18  }
0x112: {  	v15 =	vmul.f32 v15, v3;
	v16 =	vmul.f32 v16, v2  }
0x113: {  	v25 =	vperm.xlane v7, v1;
	v14 =	vmul.f32 v14, v5;
	v13 =	vadd.f32 v13, v4;
	v18, _, _ =	vpop (xrf2);
	(xrf2) =	vadd.scan.msk.f32 $0xffff, v17  }
0x114: {  	v24 =	vld [tilespmem:s28+$0xFFFFFFD0];
	vm4 =	vne.s32 v10, v21;
	v19 =	vperm.xlane v11, v1;
	v15 =	vadd.f32 v15, v16  }
0x115: {  	v59 =	vld [tilespmem:s28+$0x0];
	vm5 =	vmor vm4, vm0;
	v14 =	vadd.f32 v14, v4;
	vm4 =	vmand vm4, vm1  }
0x116: {  	v17 =	vld [tilespmem:s28+$0xFFFFFFE0];
	v20 =	vmul.f32 v20, v3;
	vm6 =	vne.s32 v11, v19;
	v16 =	vmul.f32 v22, v2  }
0x117: {  	v23 =	vsub.f32 $0.0e+00, v18;
	[tilespmem:v8+s20+$0x0] =	vst.idx.add.f32.msk vm3, v18;
	vm3 =	vne.s32 v7, v25;
	vm7 =	vmor vm6, vm0  }
0x118: {  	(xrf2) =	vadd.scan.msk.f32 $0xffff, v9;
	vm6 =	vmand vm6, vm1;
	v9 =	vadd.f32 v14, v15;
	v14 =	vadd.f32 v20, v16;
	v15, _, _ =	vpop (xrf2)  }
0x119: {  	vm8 =	vmor vm3, vm0;
	v8 =	vperm.xlane v24, v1;
	v18, _, _ =	vpop (xrf2)  }
0x11a: {  	[tilespmem:v12+s21+$0x0] =	vst.idx.add.f32.msk vm2, v23;
	v13 =	vadd.f32 v13, v14;
	(xrf2) =	vadd.scan.msk.f32 $0xffff, v9;
	v9 =	vsub.f32 $0.0e+00, v18  }
0x11b: {  	vm2 =	vmand vm3, vm1;
	vm3 =	vne.s32 v24, v8;
	v16 =	vperm.xlane v17, v1;
	[tilespmem:v10+s21+$0x0] =	vst.idx.add.f32.msk vm5, v18;
	v10, _, _ =	vpop (xrf2)  }
0x11c: {  	vm9 =	vmor vm3, vm0;
	(xrf2) =	vadd.scan.msk.f32 $0xffff, v13;
	[tilespmem:v21+s20+$0x0] =	vst.idx.add.f32.msk vm4, v9;
	v9 =	vsub.f32 $0.0e+00, v10  }
0x11d: {  	v12 =	vperm.xlane v6, v1;
	vm3 =	vmand vm3, vm1;
	vm15 =	vne.s32 v17, v16;
	[tilespmem:v11+s20+$0x0] =	vst.idx.add.f32.msk vm7, v10;
	v11, _, _ =	vpop (xrf2)  }
0x11e: {  	vm4 =	vmor vm15, vm0;
	[tilespmem:v19+s21+$0x0] =	vst.idx.add.f32.msk vm6, v9;
	v9 =	vsub.f32 $0.0e+00, v11  }
0x11f: {  	vm12 =	vne.s32 v6, v12;
	vm5 =	vmand vm15, vm1;
	v10 =	vperm.xlane v59, v1  }
0x120: {  	vm13 =	vmor vm12, vm0;
	[tilespmem:v7+s21+$0x0] =	vst.idx.add.f32.msk vm8, v11  }
0x121: {  	v7 =	vsub.f32 $0.0e+00, v15;
	vm14 =	vne.s32 v59, v10;
	[tilespmem:v25+s20+$0x0] =	vst.idx.add.f32.msk vm2, v9;
	vm2 =	vmand vm12, vm1  }
0x122: {  	vm15 =	vmor vm14, vm0;
	[tilespmem:v24+s20+$0x0] =	vst.idx.add.f32.msk vm9, v15;
	v9, _, _ =	vpop (xrf2)  }
0x123: {  	[tilespmem:v8+s21+$0x0] =	vst.idx.add.f32.msk vm3, v7;
	vm3 =	vmand vm14, vm1;
	v7 =	vsub.f32 $0.0e+00, v9  }
0x124: {  	[tilespmem:v17+s21+$0x0] =	vst.idx.add.f32.msk vm4, v9;
	v8, _, _ =	vpop (xrf2)  }
0x125: {  	[tilespmem:v16+s20+$0x0] =	vst.idx.add.f32.msk vm5, v7;
	v7 =	vsub.f32 $0.0e+00, v8  }
0x126: {  	[tilespmem:v6+s20+$0x0] =	vst.idx.add.f32.msk vm13, v8;
	v6, _, _ =	vpop (xrf2)  }
0x127: {  	[tilespmem:v12+s21+$0x0] =	vst.idx.add.f32.msk vm2, v7;
	v7 =	vsub.f32 $0.0e+00, v6  }
0x128: {  	[tilespmem:v59+s21+$0x0] =	vst.idx.add.f32.msk vm15, v6  }
0x129: {  	[tilespmem:v10+s20+$0x0] =	vst.idx.add.f32.msk vm3, v7  }
0x12a: {  	_ =	swait.ge [sflag:s17], $0x6000  }
0x12b: {  	[sflag:s17] =	ssyncset.done $0x0  }
0x12c: {  	[sflag:s17] =	ssyncadd.s32 $0xFFFFA000  }
0x12d: {  	_ =	swait.ge [sflag:s17], $0x2000  }
0x12e: {  	[sflag:s17] =	ssyncset.done $0x0  }
0x12f: {  	s26 =	simm.s32 $0x0;
	[sflag:s17] =	ssyncadd.s32 $0xFFFFE000  }
0x130: {  	[tilespmem:s18], [sflag:$0x2] =	stream.linear.gather [hbm4b:s10+s26], $0x6000, $0x38;
	[tilespmem:$0x14080] =	vst v63  }
0x131: {  	s28 =	simm.s32 $0xC0  }
0x132: {  	[tilespmem:s19], [sflag:$0x2] =	stream.linear.gather [hbm4b:s11+s26], $0x2000, $0x38;
	[tilespmem:$0x14080] =	vst v63  }
0x133: {  	v6 =	vld [tilespmem:s28+$0x60]  }
0x134: {  	v7 =	vld [tilespmem:s28+$0xFFFFFFE0]  }
0x135: {  	v8 =	vld [tilespmem:s28+$0xFFFFFF60]  }
0x136: {  	v9 =	vld [tilespmem:s28+$0xFFFFFF50]  }
0x137: {  	v10 =	vld [tilespmem:s28+$0x20]  }
0x138: {  	v11 =	vld [tilespmem:s28+$0x40]  }
0x139: {  	v12 =	vld [tilespmem:s28+$0x50]  }
0x13a: {  	v13 =	vld [tilespmem:s28+$0xFFFFFFC0]  }
0x13b: {  	v14 =	vld [tilespmem:s28+$0xFFFFFF40]  }
0x13c: {  	v15 =	vld [tilespmem:s28+$0xFFFFFFD0]  }
0x13d: {  	v18 =	vld [tilespmem:s28+$0x10];
	v7 =	vmul.f32 v7, v3;
	v10 =	vmul.f32 v10, v3  }
0x13e: {  	v16 =	vld [tilespmem:s28+$0xFFFFFF90];
	v17 =	vmul.f32 v6, v5;
	v12 =	vmul.f32 v12, v5  }
0x13f: {  	v19 =	vld [tilespmem:s28+$0x90];
	v8 =	vmul.f32 v8, v2;
	v13 =	vmul.f32 v13, v3  }
0x140: {  	s26 =	simm.s32 $0x0;
	v60 =	vld [tilespmem:s28+$0xFFFFFFA0];
	v9 =	vmul.f32 v9, v2;
	v11 =	vmul.f32 v11, v5  }
0x141: {  	v6 =	vld [tilespmem:s26+$0xC010];
	v7 =	vadd.f32 v7, v8;
	v8 =	vmul.f32 v14, v2;
	v14 =	vadd.f32 v17, v4  }
0x142: {  	v62 =	vld [tilespmem:s28+$0x70];
	v15 =	vmul.f32 v15, v3;
	v18 =	vmul.f32 v18, v3  }
0x143: {  	v61 =	vld [tilespmem:s28+$0x80];
	v16 =	vmul.f32 v16, v2;
	v17 =	vadd.f32 v12, v4;
	v14 =	vadd.f32 v14, v7  }
0x144: {  	v19 =	vmul.f32 v19, v5;
	v11 =	vadd.f32 v11, v4;
	v12 =	vld [tilespmem:s28+$0xFFFFFFF0];
	v13 =	vadd.f32 v13, v8  }
0x145: {  	v20 =	vmul.f32 v60, v2;
	v15 =	vadd.f32 v15, v9;
	v18 =	vadd.f32 v18, v16;
	v8 =	vld [tilespmem:s26+$0xC000];
	(xrf2) =	vadd.scan.msk.f32 $0xffff, v14  }
0x146: {  	v19 =	vadd.f32 v19, v4;
	v7 =	vperm.xlane v6, v1;
	v63 =	vadd.f32 v11, v13;
	v13 =	vld [tilespmem:s28+$0xFFFFFF70]  }
0x147: {  	v9 =	vadd.f32 v10, v20;
	v16 =	vmul.f32 v62, v5;
	v10 =	vadd.f32 v17, v15;
	v14 =	vld [tilespmem:s28+$0x0]  }
0x148: {  	s30 =	simm.s32 $0x200;
	s29 =	simm.s32 $0xC0;
	v15 =	vld [tilespmem:s28+$0xFFFFFF80];
	v17 =	vadd.f32 v19, v18;
	v11 =	vmul.f32 v61, v5;
	vm2 =	vne.s32 v6, v7;
	(xrf2) =	vadd.scan.msk.f32 $0xffff, v63  }
.LBB2_8:
0x149: {  	p0 =	sne.s32 s30, $0x7E00  }
0x14a: {  	s28 =	sadd.s32 $0x180, s28;
	s31 =	smov.u32 s30;
	s30 =	sadd.s32 $0x200, s30  }
0x14b: {  	v12 =	vmul.f32 v12, v3;
	v18 =	vld [tilespmem:s29+$0xB0];
	v13 =	vmul.f32 v13, v2;
	(xrf2) =	vadd.scan.msk.f32 $0xffff, v17  }
0x14c: {  	v16 =	vadd.f32 v16, v4;
	v17 =	vld [tilespmem:s29+$0xA0];
	v21 =	vmul.f32 v14, v3  }
0x14d: {  	v19 =	vld [tilespmem:s26+$0xC020];
	v12 =	vadd.f32 v12, v13;
	v13 =	vmul.f32 v15, v2;
	v15 =	vperm.xlane v8, v1  }
0x14e: {  	v11 =	vadd.f32 v11, v4;
	v20 =	vld [tilespmem:s29+$0x30];
	(xrf2) =	vadd.scan.msk.f32 $0xffff, v10  }
0x14f: {  	v10 =	vld [tilespmem:s29+$0xFFFFFFB0];
	v12 =	vadd.f32 v16, v12;
	v13 =	vadd.f32 v21, v13;
	vm3 =	vne.s32 v8, v15;
	v14, _, _ =	vpop (xrf2);
	s29 =	smov.u32 s28  }
0x150: {  	v16 =	vld [tilespmem:s26+$0xC030];
	v18 =	vmul.f32 v18, v5;
	vm5 =	vmor vm3, vm0  }
0x151: {  	s31 =	sshra.s32 s31, $0x2;
	vm6 =	vmand vm3, vm1;
	v11 =	vadd.f32 v11, v13;
	v13 =	vmul.f32 v17, v5;
	(xrf2) =	vadd.scan.msk.f32 $0xffff, v12  }
0x152: {  	vm3 =	vmor vm2, vm0;
	v12 =	vld [tilespmem:s26+$0xC040];
	v17 =	vperm.xlane v19, v1;
	v21, _, _ =	vpop (xrf2)  }
0x153: {  	v22 =	vld [tilespmem:s26+$0xC070];
	v13 =	vadd.f32 v13, v4;
	v20 =	vmul.f32 v20, v3;
	v23 =	vsub.f32 $0.0e+00, v21  }
0x154: {  	vm2 =	vmand vm2, vm1;
	v24 =	vld [tilespmem:s26+$0xC050];
	v10 =	vmul.f32 v10, v2;
	vm7 =	vne.s32 v19, v17;
	(xrf2) =	vadd.scan.msk.f32 $0xffff, v11  }
0x155: {  	v11 =	vld [tilespmem:s26+$0xC060];
	v9 =	vadd.f32 v13, v9;
	v13 =	vperm.xlane v16, v1;
	vm4 =	vmor vm7, vm0;
	v25, _, _ =	vpop (xrf2);
	s26 =	smov.u32 s31  }
0x156: {  	v18 =	vadd.f32 v18, v4;
	v20 =	vadd.f32 v20, v10;
	[tilespmem:v8+s20+$0x0] =	vst.idx.add.f32.msk vm5, v21;
	vm5 =	vmand vm7, vm1  }
0x157: {  	v8 =	vperm.xlane v12, v1;
	[tilespmem:v15+s21+$0x0] =	vst.idx.add.f32.msk vm6, v23;
	vm6 =	vne.s32 v16, v13;
	(xrf2) =	vadd.scan.msk.f32 $0xffff, v9  }
0x158: {  	v9 =	vadd.f32 v18, v20;
	vm7 =	vmor vm6, vm0;
	vm6 =	vmand vm6, vm1;
	v10, _, _ =	vpop (xrf2)  }
0x159: {  	v15 =	vperm.xlane v24, v1;
	[tilespmem:v6+s21+$0x0] =	vst.idx.add.f32.msk vm3, v10;
	v18 =	vsub.f32 $0.0e+00, v10;
	vm3 =	vne.s32 v12, v8  }
0x15a: {  	v10 =	vsub.f32 $0.0e+00, v14;
	vm8 =	vmor vm3, vm0;
	(xrf2) =	vadd.scan.msk.f32 $0xffff, v9  }
0x15b: {  	v9 =	vperm.xlane v11, v1;
	[tilespmem:v7+s20+$0x0] =	vst.idx.add.f32.msk vm2, v18;
	vm2 =	vmand vm3, vm1;
	vm3 =	vne.s32 v24, v15;
	v6, _, _ =	vpop (xrf2)  }
0x15c: {  	[tilespmem:v19+s20+$0x0] =	vst.idx.add.f32.msk vm4, v14;
	v7 =	vsub.f32 $0.0e+00, v6;
	vm4 =	vmor vm3, vm0  }
0x15d: {  	v14 =	vperm.xlane v22, v1;
	vm3 =	vmand vm3, vm1;
	[tilespmem:v17+s21+$0x0] =	vst.idx.add.f32.msk vm5, v10;
	vm5 =	vne.s32 v11, v9  }
0x15e: {  	[tilespmem:v16+s21+$0x0] =	vst.idx.add.f32.msk vm7, v6;
	vm7 =	vmor vm5, vm0;
	v6, _, _ =	vpop (xrf2)  }
0x15f: {  	vm5 =	vmand vm5, vm1;
	[tilespmem:v13+s20+$0x0] =	vst.idx.add.f32.msk vm6, v7;
	v10 =	vsub.f32 $0.0e+00, v6;
	vm6 =	vne.s32 v22, v14  }
0x160: {  	[tilespmem:v12+s20+$0x0] =	vst.idx.add.f32.msk vm8, v6;
	vm8 =	vmor vm6, vm0  }
0x161: {  	v6 =	vsub.f32 $0.0e+00, v25;
	[tilespmem:v8+s21+$0x0] =	vst.idx.add.f32.msk vm2, v10;
	vm2 =	vmand vm6, vm1;
	v7, _, _ =	vpop (xrf2)  }
0x162: {  	[tilespmem:v24+s21+$0x0] =	vst.idx.add.f32.msk vm4, v25  }
0x163: {  	[tilespmem:v15+s20+$0x0] =	vst.idx.add.f32.msk vm3, v6;
	v6 =	vsub.f32 $0.0e+00, v7  }
0x164: {  	[tilespmem:v11+s20+$0x0] =	vst.idx.add.f32.msk vm7, v7;
	v7, _, _ =	vpop (xrf2)  }
0x165: {  	[tilespmem:v9+s21+$0x0] =	vst.idx.add.f32.msk vm5, v6;
	v6 =	vsub.f32 $0.0e+00, v7  }
0x166: {  	[tilespmem:v22+s21+$0x0] =	vst.idx.add.f32.msk vm8, v7  }
0x167: {  	[tilespmem:v14+s20+$0x0] =	vst.idx.add.f32.msk vm2, v6  }
0x168: {  	v6 =	vld [tilespmem:s28+$0x60]  }
0x169: {  	v7 =	vld [tilespmem:s28+$0xFFFFFFE0]  }
0x16a: {  	v8 =	vld [tilespmem:s28+$0xFFFFFF60]  }
0x16b: {  	v9 =	vld [tilespmem:s28+$0xFFFFFF50]  }
0x16c: {  	v10 =	vld [tilespmem:s28+$0x20]  }
0x16d: {  	v11 =	vld [tilespmem:s28+$0xFFFFFFA0]  }
0x16e: {  	v12 =	vld [tilespmem:s28+$0x40]  }
0x16f: {  	v13 =	vld [tilespmem:s28+$0x50]  }
0x170: {  	v14 =	vld [tilespmem:s28+$0xFFFFFFC0]  }
0x171: {  	v7 =	vmul.f32 v7, v3;
	v15 =	vld [tilespmem:s28+$0xFFFFFF40]  }
0x172: {  	v10 =	vmul.f32 v10, v3;
	v16 =	vld [tilespmem:s28+$0xFFFFFFD0]  }
0x173: {  	v18 =	vmul.f32 v6, v5;
	v6 =	vmul.f32 v11, v2;
	v17 =	vld [tilespmem:s28+$0xFFFFFF90]  }
0x174: {  	v8 =	vmul.f32 v8, v2;
	v11 =	vld [tilespmem:s28+$0x10];
	v13 =	vmul.f32 v13, v5  }
0x175: {  	v20 =	vmul.f32 v9, v2;
	v9 =	vadd.f32 v10, v6;
	v19 =	vld [tilespmem:s28+$0x90];
	v14 =	vmul.f32 v14, v3  }
0x176: {  	v7 =	vadd.f32 v7, v8;
	v10 =	vmul.f32 v12, v5;
	v12 =	vadd.f32 v18, v4;
	v6 =	vld [tilespmem:s26+$0xC010]  }
0x177: {  	v15 =	vmul.f32 v15, v2;
	v18 =	vadd.f32 v13, v4;
	v8 =	vld [tilespmem:s26+$0xC000];
	v16 =	vmul.f32 v16, v3  }
0x178: {  	v10 =	vadd.f32 v10, v4;
	v7 =	vadd.f32 v12, v7;
	v21 =	vld [tilespmem:s28+$0x80]  }
0x179: {  	v14 =	vadd.f32 v14, v15;
	v22 =	vld [tilespmem:s28+$0x70];
	v15 =	vadd.f32 v16, v20;
	v11 =	vmul.f32 v11, v3  }
.Ltmp3:
0x17a: {  	v16 =	vmul.f32 v17, v2;
	v12 =	vld [tilespmem:s28+$0xFFFFFFF0];
	v17 =	vmul.f32 v19, v5;
	(xrf2) =	vadd.scan.msk.f32 $0xffff, v7;
	(pc) =	sbr.rel @p0 .LBB2_8-.Ltmp3, $4  }
0x17b: {  	v19 =	vadd.f32 v10, v14;
	v13 =	vld [tilespmem:s28+$0xFFFFFF70];
	v10 =	vadd.f32 v18, v15;
	v7 =	vperm.xlane v6, v1  }
0x17c: {  	v18 =	vadd.f32 v11, v16;
	v14 =	vld [tilespmem:s28+$0x0];
	v17 =	vadd.f32 v17, v4  }
0x17d: {  	v15 =	vld [tilespmem:s28+$0xFFFFFF80];
	v11 =	vmul.f32 v21, v5;
	vm2 =	vne.s32 v6, v7;
	(xrf2) =	vadd.scan.msk.f32 $0xffff, v19  }
0x17e: {  	v16 =	vmul.f32 v22, v5;
	v17 =	vadd.f32 v17, v18  }
0x17f: {  	_ = 	snop  }
0x180: {  	v18 =	vld [tilespmem:s29+$0xB0];
	v12 =	vmul.f32 v12, v3;
	v13 =	vmul.f32 v13, v2  }
0x181: {  	v19 =	vld [tilespmem:s29+$0xA0]  }
0x182: {  	v20 =	vld [tilespmem:s29+$0x30];
	(xrf2) =	vadd.scan.msk.f32 $0xffff, v17;
	v16 =	vadd.f32 v16, v4;
	v12 =	vadd.f32 v12, v13  }
0x183: {  	v14 =	vmul.f32 v14, v3;
	(xrf2) =	vadd.scan.msk.f32 $0xffff, v10;
	v10 =	vld [tilespmem:s29+$0xFFFFFFB0];
	v13 =	vmul.f32 v15, v2  }
0x184: {  	v17 =	vld [tilespmem:s26+$0xC020];
	v15 =	vperm.xlane v8, v1;
	v12 =	vadd.f32 v16, v12  }
0x185: {  	v11 =	vadd.f32 v11, v4;
	v13 =	vadd.f32 v14, v13  }
0x186: {  	vm3 =	vne.s32 v8, v15;
	v14 =	vld [tilespmem:s26+$0xC030];
	v16 =	vmul.f32 v18, v5;
	v18 =	vmul.f32 v19, v5  }
0x187: {  	v20 =	vmul.f32 v20, v3;
	vm4 =	vmor vm3, vm0;
	v11 =	vadd.f32 v11, v13  }
0x188: {  	vm3 =	vmand vm3, vm1;
	(xrf2) =	vadd.scan.msk.f32 $0xffff, v12;
	v13 =	vld [tilespmem:s26+$0xC040];
	v18 =	vadd.f32 v18, v4;
	v10 =	vmul.f32 v10, v2;
	v12, _, _ =	vpop (xrf2)  }
0x189: {  	vm5 =	vmor vm2, vm0;
	v23 =	vld [tilespmem:s26+$0xC050];
	v19 =	vperm.xlane v17, v1;
	v16 =	vadd.f32 v16, v4;
	v21, _, _ =	vpop (xrf2);
	(xrf2) =	vadd.scan.msk.f32 $0xffff, v11  }
0x18a: {  	v9 =	vadd.f32 v18, v9;
	v10 =	vadd.f32 v20, v10  }
0x18b: {  	vm2 =	vmand vm2, vm1;
	v24 =	vld [tilespmem:s26+$0xC060];
	vm6 =	vne.s32 v17, v19;
	v18 =	vperm.xlane v14, v1  }
0x18c: {  	vm7 =	vmor vm6, vm0;
	v11 =	vld [tilespmem:s26+$0xC070];
	v22 =	vsub.f32 $0.0e+00, v21;
	(xrf2) =	vadd.scan.msk.f32 $0xffff, v9;
	v9 =	vadd.f32 v16, v10  }
0x18d: {  	v20, _, _ =	vpop (xrf2);
	[tilespmem:v8+s20+$0x0] =	vst.idx.add.f32.msk vm4, v21;
	vm4 =	vmand vm6, vm1;
	v8 =	vperm.xlane v13, v1;
	vm12 =	vne.s32 v14, v18  }
0x18e: {  	vm8 =	vmor vm12, vm0;
	vm6 =	vmand vm12, vm1;
	v10, _, _ =	vpop (xrf2);
	[tilespmem:v15+s21+$0x0] =	vst.idx.add.f32.msk vm3, v22;
	v15 =	vperm.xlane v23, v1  }
0x18f: {  	v16 =	vsub.f32 $0.0e+00, v10;
	vm3 =	vne.s32 v13, v8;
	[tilespmem:v6+s21+$0x0] =	vst.idx.add.f32.msk vm5, v10;
	v6 =	vsub.f32 $0.0e+00, v12  }
0x190: {  	(xrf2) =	vadd.scan.msk.f32 $0xffff, v9;
	vm5 =	vmor vm3, vm0  }
0x191: {  	v9 =	vperm.xlane v24, v1;
	[tilespmem:v7+s20+$0x0] =	vst.idx.add.f32.msk vm2, v16;
	vm2 =	vmand vm3, vm1;
	vm3 =	vne.s32 v23, v15  }
0x192: {  	v7, _, _ =	vpop (xrf2);
	[tilespmem:v17+s20+$0x0] =	vst.idx.add.f32.msk vm7, v12;
	vm13 =	vmor vm3, vm0;
	v12 =	vperm.xlane v11, v1  }
0x193: {  	vm3 =	vmand vm3, vm1;
	v10 =	vsub.f32 $0.0e+00, v7;
	[tilespmem:v19+s21+$0x0] =	vst.idx.add.f32.msk vm4, v6;
	vm4 =	vne.s32 v24, v9;
	v6, _, _ =	vpop (xrf2)  }
0x194: {  	[tilespmem:v14+s21+$0x0] =	vst.idx.add.f32.msk vm8, v7;
	vm14 =	vmor vm4, vm0;
	v7 =	vsub.f32 $0.0e+00, v6  }
0x195: {  	vm4 =	vmand vm4, vm1;
	vm15 =	vne.s32 v11, v12;
	[tilespmem:v18+s20+$0x0] =	vst.idx.add.f32.msk vm6, v10  }
0x196: {  	[tilespmem:v13+s20+$0x0] =	vst.idx.add.f32.msk vm5, v6;
	vm5 =	vmor vm15, vm0  }
0x197: {  	v6 =	vsub.f32 $0.0e+00, v20;
	[tilespmem:v8+s21+$0x0] =	vst.idx.add.f32.msk vm2, v7;
	vm2 =	vmand vm15, vm1  }
0x198: {  	[tilespmem:v23+s21+$0x0] =	vst.idx.add.f32.msk vm13, v20;
	v7, _, _ =	vpop (xrf2)  }
0x199: {  	[tilespmem:v15+s20+$0x0] =	vst.idx.add.f32.msk vm3, v6;
	v6 =	vsub.f32 $0.0e+00, v7  }
0x19a: {  	[tilespmem:v24+s20+$0x0] =	vst.idx.add.f32.msk vm14, v7;
	v7, _, _ =	vpop (xrf2)  }
0x19b: {  	[tilespmem:v9+s21+$0x0] =	vst.idx.add.f32.msk vm4, v6;
	v6 =	vsub.f32 $0.0e+00, v7  }
0x19c: {  	[tilespmem:v11+s21+$0x0] =	vst.idx.add.f32.msk vm5, v7  }
0x19d: {  	[tilespmem:v12+s20+$0x0] =	vst.idx.add.f32.msk vm2, v6  }
0x19e: {  	_ =	swait.ge [sflag:s22], $0x6000  }
0x19f: {  	[sflag:s22] =	ssyncset.done $0x0  }
0x1a0: {  	[sflag:s22] =	ssyncadd.s32 $0xFFFFA000  }
0x1a1: {  	_ =	swait.ge [sflag:s22], $0x2000  }
0x1a2: {  	[sflag:s22] =	ssyncset.done $0x0  }
0x1a3: {  	s30 =	simm.s32 $0x0;
	[sflag:s22] =	ssyncadd.s32 $0xFFFFE000  }
0x1a4: {  	v7 =	vld [tilespmem:s30+$0x6050]  }
0x1a5: {  	v9 =	vld [tilespmem:s30+$0x6090]  }
0x1a6: {  	v6 =	vld [tilespmem:s30+$0x6150]  }
0x1a7: {  	v8 =	vld [tilespmem:s30+$0x60D0]  }
0x1a8: {  	v10 =	vld [tilespmem:s30+$0x6040]  }
0x1a9: {  	v11 =	vld [tilespmem:s30+$0x6000]  }
0x1aa: {  	v12 =	vld [tilespmem:s30+$0x60C0]  }
0x1ab: {  	v13 =	vld [tilespmem:s30+$0x6140]  }
0x1ac: {  	v14 =	vld [tilespmem:s30+$0x6100]  }
0x1ad: {  	v15 =	vld [tilespmem:s30+$0x6080]  }
0x1ae: {  	v16 =	vld [tilespmem:s30+$0x6010]  }
0x1af: {  	v17 =	vld [tilespmem:s30+$0x6110];
	v10 =	vmul.f32 v10, v2;
	v18 =	vmul.f32 v6, v5  }
0x1b0: {  	v20 =	vld [tilespmem:s30+$0x6130];
	v19 =	vmul.f32 v8, v3;
	v12 =	vmul.f32 v12, v3  }
0x1b1: {  	v58 =	vld [tilespmem:s30+$0x6120];
	v7 =	vmul.f32 v7, v2;
	v11 =	vmul.f32 v11, v2  }
0x1b2: {  	v59 =	vld [tilespmem:s30+$0x6020];
	v14 =	vmul.f32 v14, v5;
	v10 =	vadd.f32 v12, v10;
	v12 =	vmul.f32 v15, v3  }
0x1b3: {  	s26 =	simm.s32 $0xE070;
	v60 =	vld [tilespmem:s30+$0x6170];
	v13 =	vmul.f32 v13, v5;
	v18 =	vadd.f32 v18, v4;
	v7 =	vadd.f32 v19, v7  }
0x1b4: {  	v8 =	vld [tilespmem:s26+$0xFFFFFF90];
	v14 =	vadd.f32 v14, v4;
	v11 =	vadd.f32 v12, v11  }
0x1b5: {  	v16 =	vmul.f32 v16, v2;
	v15 =	vld [tilespmem:s30+$0x60A0];
	v19 =	vmul.f32 v9, v3;
	v13 =	vadd.f32 v13, v4  }
0x1b6: {  	v9 =	vadd.f32 v18, v7;
	v7 =	vmul.f32 v17, v5;
	v17 =	vld [tilespmem:s30+$0x60B0];
	v11 =	vadd.f32 v14, v11  }
0x1b7: {  	v18 =	vld [tilespmem:s30+$0x6030]  }
0x1b8: {  	v6 =	vld [tilespmem:s26+$0xFFFFFFF0];
	v22 =	vmul.f32 v59, v2;
	v13 =	vadd.f32 v13, v10;
	v10 =	vadd.f32 v19, v16;
	(xrf2) =	vadd.scan.msk.f32 $0xffff, v11  }
0x1b9: {  	v19 =	vmul.f32 v58, v5;
	v12 =	vperm.xlane v8, v1;
	v16 =	vadd.f32 v7, v4;
	v7 =	vld [tilespmem:s26+$0xFFFFFFC0]  }
0x1ba: {  	v20 =	vmul.f32 v20, v5;
	v14 =	vld [tilespmem:s30+$0x6160];
	v61 =	vmul.f32 v15, v3  }
0x1bb: {  	v19 =	vadd.f32 v19, v4;
	vm2 =	vne.s32 v8, v12;
	v16 =	vadd.f32 v16, v10;
	v10 =	vld [tilespmem:s26+$0xFFFFFFA0];
	(xrf2) =	vadd.scan.msk.f32 $0xffff, v13  }
0x1bc: {  	v15 =	vld [tilespmem:s30+$0x60E0];
	v62 =	vmul.f32 v17, v3;
	v22 =	vadd.f32 v61, v22;
	v63 =	vmul.f32 v18, v2  }
0x1bd: {  	v11 =	vld [tilespmem:s26+$0xFFFFFFB0];
	vm3 =	vmor vm2, vm0;
	vm2 =	vmand vm2, vm1;
	v17 =	vadd.f32 v20, v4  }
0x1be: {  	s28 =	simm.s32 $0xE070;
	s29 =	simm.s32 $0x600;
	v13 =	vmul.f32 v60, v5;
	(xrf2) =	vadd.scan.msk.f32 $0xffff, v16;
	v16 =	vld [tilespmem:s30+$0x6060];
	v18 =	vadd.f32 v19, v22;
	v19 =	vadd.f32 v62, v63  }
.LBB2_10:
0x1bf: {  	p0 =	sne.s32 s29, $0x17A00  }
0x1c0: {  	v20 =	vld [tilespmem:s30+$0x60F0];
	v21 =	vperm.xlane v10, v1;
	s26 =	sadd.s32 $0x80, s26;
	s31 =	smov.u32 s29;
	s29 =	sadd.s32 $0x600, s29  }
0x1c1: {  	v22 =	vld [tilespmem:s30+$0x6070];
	v17 =	vadd.f32 v17, v19;
	v14 =	vmul.f32 v14, v5;
	(xrf2) =	vadd.scan.msk.f32 $0xffff, v18  }
0x1c2: {  	v18 =	vld [tilespmem:s28+$0xFFFFFFE0];
	v15 =	vmul.f32 v15, v3;
	vm4 =	vne.s32 v10, v21;
	v19, _, _ =	vpop (xrf2)  }
0x1c3: {  	v23 =	vld [tilespmem:s28+$0x0];
	v24 =	vperm.xlane v11, v1;
	v25 =	vsub.f32 $0.0e+00, v19;
	vm5 =	vmor vm4, vm0  }
0x1c4: {  	v27 =	vperm.xlane v7, v1;
	v14 =	vadd.f32 v14, v4;
	v26 =	vld [tilespmem:s28+$0xFFFFFFD0];
	v16 =	vmul.f32 v16, v2;
	(xrf2) =	vadd.scan.msk.f32 $0xffff, v17;
	s28 =	smov.u32 s26  }
0x1c5: {  	v17 =	vmul.f32 v20, v3;
	[tilespmem:v8+s20+$0x0] =	vst.idx.add.f32.msk vm3, v19;
	vm3 =	vmand vm4, vm1;
	vm4 =	vne.s32 v11, v24;
	v8, _, _ =	vpop (xrf2)  }
0x1c6: {  	v19 =	vadd.f32 v15, v16;
	v16 =	vmul.f32 v22, v2;
	[tilespmem:v12+s21+$0x0] =	vst.idx.add.f32.msk vm2, v25;
	vm2 =	vmor vm4, vm0  }
0x1c7: {  	vm6 =	vne.s32 v7, v27;
	v12 =	vadd.f32 v13, v4;
	v13 =	vperm.xlane v18, v1;
	(xrf2) =	vadd.scan.msk.f32 $0xffff, v9  }
0x1c8: {  	vm4 =	vmand vm4, vm1;
	v19 =	vadd.f32 v14, v19;
	v14 =	vadd.f32 v17, v16;
	v15, _, _ =	vpop (xrf2)  }
0x1c9: {  	v16 =	vperm.xlane v26, v1;
	[tilespmem:v10+s21+$0x0] =	vst.idx.add.f32.msk vm5, v15;
	v10 =	vsub.f32 $0.0e+00, v15;
	vm5 =	vmor vm6, vm0  }
0x1ca: {  	vm7 =	vne.s32 v18, v13;
	v12 =	vadd.f32 v12, v14;
	(xrf2) =	vadd.scan.msk.f32 $0xffff, v19  }
0x1cb: {  	[tilespmem:v21+s20+$0x0] =	vst.idx.add.f32.msk vm3, v10;
	vm3 =	vmand vm6, vm1;
	vm6 =	vne.s32 v26, v16;
	v9, _, _ =	vpop (xrf2)  }
0x1cc: {  	[tilespmem:v11+s20+$0x0] =	vst.idx.add.f32.msk vm2, v9;
	v14 =	vsub.f32 $0.0e+00, v9;
	vm2 =	vmor vm6, vm0  }
0x1cd: {  	v10 =	vperm.xlane v6, v1;
	vm6 =	vmand vm6, vm1;
	(xrf2) =	vadd.scan.msk.f32 $0xffff, v12  }
0x1ce: {  	v11 =	vperm.xlane v23, v1;
	[tilespmem:v24+s21+$0x0] =	vst.idx.add.f32.msk vm4, v14;
	vm4 =	vmor vm7, vm0;
	v9, _, _ =	vpop (xrf2)  }
0x1cf: {  	[tilespmem:v7+s21+$0x0] =	vst.idx.add.f32.msk vm5, v9;
	v7 =	vsub.f32 $0.0e+00, v9;
	vm5 =	vmand vm7, vm1;
	vm7 =	vne.s32 v6, v10  }
0x1d0: {  	s30 =	sshra.s32 s31, $0x2;
	vm8 =	vmor vm7, vm0  }
0x1d1: {  	[tilespmem:v27+s20+$0x0] =	vst.idx.add.f32.msk vm3, v7;
	v7 =	vsub.f32 $0.0e+00, v8;
	vm3 =	vmand vm7, vm1;
	vm7 =	vne.s32 v23, v11;
	v9, _, _ =	vpop (xrf2)  }
0x1d2: {  	[tilespmem:v26+s20+$0x0] =	vst.idx.add.f32.msk vm2, v8;
	vm2 =	vmor vm7, vm0  }
0x1d3: {  	[tilespmem:v16+s21+$0x0] =	vst.idx.add.f32.msk vm6, v7;
	v7 =	vsub.f32 $0.0e+00, v9  }
0x1d4: {  	[tilespmem:v18+s21+$0x0] =	vst.idx.add.f32.msk vm4, v9;
	vm4 =	vmand vm7, vm1;
	v8, _, _ =	vpop (xrf2)  }
0x1d5: {  	[tilespmem:v13+s20+$0x0] =	vst.idx.add.f32.msk vm5, v7;
	v7 =	vsub.f32 $0.0e+00, v8  }
0x1d6: {  	[tilespmem:v6+s20+$0x0] =	vst.idx.add.f32.msk vm8, v8  }
0x1d7: {  	[tilespmem:v10+s21+$0x0] =	vst.idx.add.f32.msk vm3, v7;
	v6, _, _ =	vpop (xrf2)  }
0x1d8: {  	[tilespmem:v23+s21+$0x0] =	vst.idx.add.f32.msk vm2, v6;
	v6 =	vsub.f32 $0.0e+00, v6;
	_ =	sdelay $0x1  }
0x1d9: {  	[tilespmem:v11+s20+$0x0] =	vst.idx.add.f32.msk vm4, v6  }
0x1da: {  	v6 =	vld [tilespmem:s30+$0x6050]  }
0x1db: {  	v7 =	vld [tilespmem:s30+$0x6090]  }
0x1dc: {  	v8 =	vld [tilespmem:s30+$0x6150]  }
0x1dd: {  	v9 =	vld [tilespmem:s30+$0x60D0]  }
0x1de: {  	v10 =	vld [tilespmem:s30+$0x6040]  }
0x1df: {  	v11 =	vld [tilespmem:s30+$0x6000]  }
0x1e0: {  	v12 =	vld [tilespmem:s30+$0x60C0]  }
0x1e1: {  	v13 =	vld [tilespmem:s30+$0x6140]  }
0x1e2: {  	v14 =	vld [tilespmem:s30+$0x6100]  }
0x1e3: {  	v8 =	vmul.f32 v8, v5;
	v15 =	vld [tilespmem:s30+$0x6080];
	v10 =	vmul.f32 v10, v2  }
0x1e4: {  	v9 =	vmul.f32 v9, v3;
	v16 =	vld [tilespmem:s30+$0x6010]  }
0x1e5: {  	v18 =	vmul.f32 v6, v2;
	v17 =	vld [tilespmem:s30+$0x6110];
	v12 =	vmul.f32 v12, v3  }
0x1e6: {  	v19 =	vadd.f32 v8, v4;
	v11 =	vmul.f32 v11, v2;
	v13 =	vmul.f32 v13, v5  }
0x1e7: {  	v9 =	vadd.f32 v9, v18;
	v6 =	vld [tilespmem:s26+$0xFFFFFFF0];
	v14 =	vmul.f32 v14, v5;
	v10 =	vadd.f32 v12, v10  }
0x1e8: {  	v7 =	vmul.f32 v7, v3;
	v8 =	vld [tilespmem:s26+$0xFFFFFF90];
	v12 =	vmul.f32 v15, v3;
	v13 =	vadd.f32 v13, v4  }
0x1e9: {  	v9 =	vadd.f32 v19, v9;
	v15 =	vld [tilespmem:s30+$0x6130];
	v14 =	vadd.f32 v14, v4;
	v16 =	vmul.f32 v16, v2  }
0x1ea: {  	v18 =	vld [tilespmem:s30+$0x6120];
	v11 =	vadd.f32 v12, v11;
	v12 =	vmul.f32 v17, v5;
	v13 =	vadd.f32 v13, v10  }
0x1eb: {  	v17 =	vld [tilespmem:s30+$0x60A0];
	v7 =	vadd.f32 v7, v16  }
0x1ec: {  	v16 =	vld [tilespmem:s30+$0x6020];
	v10 =	vadd.f32 v14, v11;
	v11 =	vadd.f32 v12, v4  }
0x1ed: {  	v19 =	vld [tilespmem:s30+$0x60B0]  }
0x1ee: {  	v20 =	vld [tilespmem:s30+$0x6030];
	v21 =	vadd.f32 v11, v7;
	v22 =	vmul.f32 v15, v5;
	(xrf2) =	vadd.scan.msk.f32 $0xffff, v10  }
0x1ef: {  	v7 =	vld [tilespmem:s26+$0xFFFFFFC0];
	v11 =	vmul.f32 v18, v5  }
0x1f0: {  	v12 =	vperm.xlane v8, v1;
	v23 =	vld [tilespmem:s30+$0x6170]  }
.Ltmp4:
0x1f1: {  	v17 =	vmul.f32 v17, v3;
	v10 =	vld [tilespmem:s26+$0xFFFFFFA0];
	v16 =	vmul.f32 v16, v2;
	(xrf2) =	vadd.scan.msk.f32 $0xffff, v13;
	(pc) =	sbr.rel @p0 .LBB2_10-.Ltmp4, $4  }
0x1f2: {  	vm2 =	vne.s32 v8, v12;
	v14 =	vld [tilespmem:s30+$0x6160];
	v13 =	vmul.f32 v19, v3  }
0x1f3: {  	v19 =	vadd.f32 v11, v4;
	v15 =	vld [tilespmem:s30+$0x60E0];
	v18 =	vadd.f32 v17, v16;
	v20 =	vmul.f32 v20, v2  }
0x1f4: {  	vm3 =	vmor vm2, vm0;
	vm2 =	vmand vm2, vm1;
	v17 =	vadd.f32 v22, v4;
	v11 =	vld [tilespmem:s26+$0xFFFFFFB0];
	(xrf2) =	vadd.scan.msk.f32 $0xffff, v21  }
0x1f5: {  	v16 =	vld [tilespmem:s30+$0x6060];
	v18 =	vadd.f32 v19, v18;
	v19 =	vadd.f32 v13, v20;
	v13 =	vmul.f32 v23, v5  }
0x1f6: {  	v20 =	vld [tilespmem:s30+$0x60F0]  }
0x1f7: {  	v22 =	vld [tilespmem:s30+$0x6070]  }
0x1f8: {  	v21 =	vperm.xlane v10, v1;
	v24 =	vperm.xlane v7, v1;
	v17 =	vadd.f32 v17, v19;
	(xrf2) =	vadd.scan.msk.f32 $0xffff, v18  }
0x1f9: {  	v5 =	vmul.f32 v14, v5;
	v14 =	vmul.f32 v15, v3  }
0x1fa: {  	v23 =	vld [tilespmem:s28+$0xFFFFFFD0];
	vm4 =	vne.s32 v10, v21;
	v15, _, _ =	vpop (xrf2);
	v61 =	vperm.xlane v11, v1;
	(xrf2) =	vadd.scan.msk.f32 $0xffff, v17;
	v16 =	vmul.f32 v16, v2  }
0x1fb: {  	v63 =	vld [tilespmem:s28+$0xFFFFFFE0];
	v62 =	vsub.f32 $0.0e+00, v15;
	vm5 =	vmor vm4, vm0;
	v3 =	vmul.f32 v20, v3  }
0x1fc: {  	v5 =	vadd.f32 v5, v4;
	v2 =	vmul.f32 v22, v2;
	v14 =	vadd.f32 v14, v16  }
0x1fd: {  	vm4 =	vmand vm4, vm1;
	v4 =	vadd.f32 v13, v4;
	vm6 =	vne.s32 v11, v61  }
0x1fe: {  	v13 =	vld [tilespmem:s28+$0x0];
	(xrf2) =	vadd.scan.msk.f32 $0xffff, v9;
	vm7 =	vmor vm6, vm0;
	v2 =	vadd.f32 v3, v2;
	v5 =	vadd.f32 v5, v14  }
0x1ff: {  	[tilespmem:v8+s20+$0x0] =	vst.idx.add.f32.msk vm3, v15;
	vm3 =	vne.s32 v7, v24;
	v8 =	vperm.xlane v23, v1;
	vm6 =	vmand vm6, vm1;
	v3, _, _ =	vpop (xrf2)  }
0x200: {  	vm8 =	vmor vm3, vm0;
	v9 =	vperm.xlane v63, v1;
	v2 =	vadd.f32 v4, v2;
	v14, _, _ =	vpop (xrf2);
	(xrf2) =	vadd.scan.msk.f32 $0xffff, v5  }
0x201: {  	[tilespmem:v12+s21+$0x0] =	vst.idx.add.f32.msk vm2, v62;
	vm2 =	vmand vm3, vm1;
	vm3 =	vne.s32 v23, v8;
	v4 =	vsub.f32 $0.0e+00, v14  }
0x202: {  	vm15 =	vne.s32 v63, v9;
	vm9 =	vmor vm3, vm0;
	[tilespmem:v10+s21+$0x0] =	vst.idx.add.f32.msk vm5, v14;
	(xrf2) =	vadd.scan.msk.f32 $0xffff, v2;
	v5, _, _ =	vpop (xrf2)  }
0x203: {  	vm3 =	vmand vm3, vm1;
	[tilespmem:v21+s20+$0x0] =	vst.idx.add.f32.msk vm4, v4;
	v2 =	vsub.f32 $0.0e+00, v5;
	v4 =	vperm.xlane v6, v1  }
0x204: {  	vm5 =	vmand vm15, vm1;
	vm4 =	vmor vm15, vm0;
	v10, _, _ =	vpop (xrf2);
	[tilespmem:v11+s20+$0x0] =	vst.idx.add.f32.msk vm7, v5  }
0x205: {  	v5 =	vperm.xlane v13, v1;
	[tilespmem:v61+s21+$0x0] =	vst.idx.add.f32.msk vm6, v2;
	v2 =	vsub.f32 $0.0e+00, v10;
	vm12 =	vne.s32 v6, v4  }
0x206: {  	[tilespmem:v7+s21+$0x0] =	vst.idx.add.f32.msk vm8, v10;
	vm13 =	vmor vm12, vm0  }
0x207: {  	vm14 =	vne.s32 v13, v5;
	[tilespmem:v24+s20+$0x0] =	vst.idx.add.f32.msk vm2, v2;
	v2 =	vsub.f32 $0.0e+00, v3;
	vm2 =	vmand vm12, vm1  }
0x208: {  	v7, _, _ =	vpop (xrf2);
	vm15 =	vmor vm14, vm0;
	[tilespmem:v23+s20+$0x0] =	vst.idx.add.f32.msk vm9, v3  }
0x209: {  	[tilespmem:v8+s21+$0x0] =	vst.idx.add.f32.msk vm3, v2;
	v2 =	vsub.f32 $0.0e+00, v7;
	vm3 =	vmand vm14, vm1  }
0x20a: {  	[tilespmem:v63+s21+$0x0] =	vst.idx.add.f32.msk vm4, v7;
	v3, _, _ =	vpop (xrf2)  }
0x20b: {  	[tilespmem:v9+s20+$0x0] =	vst.idx.add.f32.msk vm5, v2;
	v2 =	vsub.f32 $0.0e+00, v3  }
0x20c: {  	[tilespmem:v6+s20+$0x0] =	vst.idx.add.f32.msk vm13, v3;
	v3, _, _ =	vpop (xrf2)  }
0x20d: {  	[tilespmem:v4+s21+$0x0] =	vst.idx.add.f32.msk vm2, v2;
	v2 =	vsub.f32 $0.0e+00, v3  }
0x20e: {  	[tilespmem:v13+s21+$0x0] =	vst.idx.add.f32.msk vm15, v3  }
0x20f: {  	s26 =	simm.s32 $0x0;
	[tilespmem:v5+s20+$0x0] =	vst.idx.add.f32.msk vm3, v2  }
0x210: {  	v9 =	vld [tilespmem:s26+$0x12000]  }
0x211: {  	v13 =	vld [tilespmem:s26+$0x12010]  }
0x212: {  	v7 =	vld [tilespmem:s26+$0x12020]  }
0x213: {  	v6 =	vld [tilespmem:s26+$0x12030]  }
0x214: {  	v5 =	vld [tilespmem:s26+$0x12040]  }
0x215: {  	v4 =	vld [tilespmem:s26+$0x12050]  }
0x216: {  	v3 =	vld [tilespmem:s26+$0x12060]  }
0x217: {  	v2 =	vld [tilespmem:s26+$0x12070]  }
0x218: {  	v14 =	vld [tilespmem:s26+$0x10000]  }
0x219: {  	v15 =	vld [tilespmem:s26+$0x10010]  }
0x21a: {  	v12 =	vld [tilespmem:s26+$0x10020]  }
0x21b: {  	v11 =	vld [tilespmem:s26+$0x10030]  }
0x21c: {  	v10 =	vld [tilespmem:s26+$0x10040]  }
0x21d: {  	v8 =	vld [tilespmem:s26+$0x10050];
	v14 =	vadd.f32 v9, v14  }
0x21e: {  	s28 =	simm.s32 $0x200;
	v13 =	vadd.f32 v13, v15;
	v9 =	vld [tilespmem:s26+$0x10060]  }
.LBB2_12:
0x21f: {  	s29 =	sshra.s32 s28, $0x2;
	p0 =	sne.s32 s28, $0x7E00;
	[tilespmem:s26+$0x10000] =	vst v14;
	v7 =	vadd.f32 v7, v12;
	v12 =	vld [tilespmem:s26+$0x10070]  }
0x220: {  	v14 =	vld [tilespmem:s29+$0x12000];
	[tilespmem:s26+$0x10010] =	vst v13;
	v6 =	vadd.f32 v6, v11  }
0x221: {  	v13 =	vld [tilespmem:s29+$0x12010];
	[tilespmem:s26+$0x10020] =	vst v7;
	v5 =	vadd.f32 v5, v10  }
0x222: {  	v7 =	vld [tilespmem:s29+$0x12020];
	[tilespmem:s26+$0x10030] =	vst v6;
	v4 =	vadd.f32 v4, v8  }
0x223: {  	v6 =	vld [tilespmem:s29+$0x12030];
	[tilespmem:s26+$0x10040] =	vst v5;
	v3 =	vadd.f32 v3, v9  }
0x224: {  	v5 =	vld [tilespmem:s29+$0x12040];
	[tilespmem:s26+$0x10050] =	vst v4;
	v2 =	vadd.f32 v2, v12  }
0x225: {  	v4 =	vld [tilespmem:s29+$0x12050];
	[tilespmem:s26+$0x10060] =	vst v3  }
0x226: {  	v3 =	vld [tilespmem:s29+$0x12060];
	[tilespmem:s26+$0x10070] =	vst v2;
	s26 =	smov.u32 s29  }
0x227: {  	v2 =	vld [tilespmem:s26+$0x12070]  }
0x228: {  	v8 =	vld [tilespmem:s26+$0x10000]  }
0x229: {  	v9 =	vld [tilespmem:s26+$0x10010]  }
.Ltmp5:
0x22a: {  	v12 =	vld [tilespmem:s26+$0x10020];
	(pc) =	sbr.rel @p0 .LBB2_12-.Ltmp5, $4  }
0x22b: {  	v11 =	vld [tilespmem:s26+$0x10030]  }
0x22c: {  	v10 =	vld [tilespmem:s26+$0x10040]  }
0x22d: {  	v14 =	vadd.f32 v14, v8;
	v8 =	vld [tilespmem:s26+$0x10050]  }
0x22e: {  	s28 =	sadd.s32 $0x200, s28;
	v13 =	vadd.f32 v13, v9;
	v9 =	vld [tilespmem:s26+$0x10060]  }
0x22f: {  	[tilespmem:s26+$0x10000] =	vst v14;
	v7 =	vadd.f32 v7, v12;
	v63 =	vld [tilespmem:s26+$0x10070]  }
0x230: {  	[tilespmem:s26+$0x10010] =	vst v13;
	v6 =	vadd.f32 v6, v11  }
0x231: {  	[tilespmem:s26+$0x10020] =	vst v7;
	v5 =	vadd.f32 v5, v10  }
0x232: {  	[tilespmem:s26+$0x10030] =	vst v6;
	v4 =	vadd.f32 v4, v8  }
0x233: {  	[tilespmem:s26+$0x10040] =	vst v5;
	v3 =	vadd.f32 v3, v9  }
0x234: {  	s25 =	sadd.s32 $0x1, s25;
	[tilespmem:s26+$0x10050] =	vst v4;
	v2 =	vadd.f32 v2, v63  }
0x235: {  	p0 =	sne.s32 s25, s13;
	[tilespmem:s26+$0x10060] =	vst v3  }
.Ltmp6:
0x236: {  	[tilespmem:s26+$0x10070] =	vst v2;
	(pc) =	sbr.rel @p0 .LBB2_1-.Ltmp6, $4  }
0x237: {  	[hbm4b:s12+s23] =	stream.strided.scatter [tilespmem:s20], [sflag:$0x3], $0x2000, s24, s23, $0x38;
	[tilespmem:$0x14080] =	vst v63  }
0x238: {  	_ =	swait.ge [sflag:s16], $0x2000  }
0x239: {  	[sflag:s16] =	ssyncset.done $0x0  }
0x23a: {  	[sflag:s16] =	ssyncadd.s32 $0xFFFFE000  }
0x23b: {  	_ =	sfence.sel $0x180000  }
0x23c: {  	[bflag:$0x0] =	sbarrier.arrive $0xFFFF  }
0x23d: {  	p0 =	sne.s32 s1, $0x0;
	_ =	strace $0x90000047  }
0x23e: {  	s0 =	sadd.s32 @!p0 $0x100000, s0;
	[bflag:$0x2] =	sbarrier.arrive $0xFFFF  }
0x23f: {  	[sflag:s0] =	ssyncadd.tile.s32 @!p0 $0x1;
	_ =	shalt  }
.Lfunc_end2:
_tile_overlayer_lowered:
.L_overlay_start_2:
0x240: {  	(tag) =	ssettag $0x2  }
0x241: {  	s0 =	rddreg [dreg:$0x0];
	s2 =	stileid.u32  }
0x242: {  	s1 =	rddreg [dreg:$0x1];
	p0 =	sne.s32 s2, $0x0  }
0x243: {  	s3 =	rddreg [dreg:$0x2];
	[bflag:$0x3] =	sbarrier.arrive $0xFFFF;
	s2 =	simm.s32 @!p0 $0x1C03  }
0x244: {  	[timem:s3], [sflag:s2] =	dma.local @!p0 [hbm:s0], s1  }
0x245: {  	s0 =	simm.s32 @!p0 $0x3  }
0x246: {  	_ =	swait.ge @!p0 [sflag:s0], s1  }
0x247: {  	s1 =	ssub.s32 @!p0 $0x0, s1;
	[sflag:s0] =	ssyncset.done @!p0 $0x0  }
0x248: {  	[sflag:s0] =	ssyncadd.s32 @!p0 s1  }
0x249: {  	[bflag:$0x3] =	sbarrier.arrive $0xFFFF  }
0x24a: {  	_ =	shalt  }

// kernel: kernel.7.cloned.1.call-start
scs
__scs_entry_jumppad:
0x0: {  	(pc) =	sbr.rel $0x88, $3  }
0x1: {  	(tag) =	ssettag $0x0;
	lr =	simm.s32 $0x1  }
0x2: {  	[smem:$0x3F9D] =	sst lr;
	_ =	strace $0xD0000000  }
0x3: {  	_ = 	snop  }
0x4: {  	_ = 	snop  }
0x5: {  	_ = 	snop  }
0x6: {  	_ = 	snop  }
0x7: {  	_ = 	snop  }
__scs_overlays_trampoline_lowered:
0x8: {  	[smem:$0x3FAC] =	sst s0  }
0x9: {  	[smem:$0x3FAD] =	sst s1  }
0xa: {  	[smem:$0x3FAE] =	sst s2  }
0xb: {  	[smem:$0x3FAF] =	sst s3  }
0xc: {  	[smem:$0x3FB0] =	sst s4  }
0xd: {  	[smem:$0x3FB1] =	sst s5  }
0xe: {  	[smem:$0x3FB2] =	sst s6  }
0xf: {  	[smem:$0x3FB3] =	sst s7  }
0x10: {  	[smem:$0x3FB4] =	sst s8  }
0x11: {  	[smem:$0x3FB5] =	sst s9;
	s0 =	simm.s32 @!p0 $0x0  }
0x12: {  	s1 =	sld [smem:$0x3F9B];
	s0 =	simm.s32 @p0 $0x1  }
0x13: {  	[smem:$0x3FB6] =	sst s0;
	s0 =	simm.s32 @!p1 $0x0  }
0x14: {  	s2 =	sld [smem:$0x3F9A];
	s0 =	simm.s32 @p1 $0x1  }
0x15: {  	[smem:$0x3FB7] =	sst s0;
	s0 =	simm.s32 @!p2 $0x0  }
0x16: {  	s3 =	sld [smem:$0x3FDB];
	s0 =	simm.s32 @p2 $0x1  }
0x17: {  	s4 =	simm.s32 $0x1BF5;
	[smem:$0x3FB9] =	sst s0  }
0x18: {  	s0 =	sld [smem:$0x3F9C];
	_ =	swait.ge [sflag:s4], $0x0  }
0x19: {  	s7 =	sld [smem:$0x3F9D]  }
0x1a: {  	s8 =	sadd.s32 $0xFFFFE003, lr  }
0x1b: {  	s9 =	sadd.s32 $0xFFFFFEF7, lr;
	s5 =	simm.s32 $0xFFFFFFFF;
	p2 =	slt.u32 s8, $0xFFFFF086  }
0x1c: {  	p1 =	slt.u32 s9, $0xF7A;
	s5 =	simm.s32 @!p2 $0x0  }
0x1d: {  	s5 =	simm.s32 @p1 $0x1;
	p0 =	seq.s32 s7, s2  }
0x1e: {  	s7 =	smul.u32 @!p0 $0xF7A, s2;
	p2 =	seq.s32 @!p0 s5, $0x0  }
0x1f: {  	s9 =	smul.u32 $0xF7A, s1;
	s8 =	simm.s32 @!p0 $0x1BF5;
	p2 =	por !p2, p0  }
0x20: {  	[sflag:s8] =	ssyncset.s32 @!p0 $0xFFFFF086;
	s6 =	sadd.s32 @!p0 s3, s7;
	s7 =	simm.s32 @!p0 $0x108  }
0x21: {  	s3 =	sadd.s32 s3, s9;
	s6 =	sadd.s32 @!p0 $0x88, s6;
	s7 =	simm.s32 @p2 $0x1082  }
0x22: {  	[simem:s7], [sflag:s8] =	dma.local @!p0 [hbm:s6], $0xF7A  }
0x23: {  	s9 =	sor.u32 $0xD0000000, s2;
	s6 =	simm.s32 $0x108;
	_ =	swait.ge @!p0 [sflag:s8], $0x0  }
0x24: {  	s3 =	sadd.s32 $0x88, s3;
	s6 =	simm.s32 @!p1 $0x1082;
	[sflag:s4] =	ssyncset.s32 $0xFFFFF086  }
0x25: {  	[simem:s6], [sflag:s4] =	dma.local [hbm:s3], $0xF7A  }
0x26: {  	[smem:$0x3F9D] =	sst s1;
	(tag) =	ssettag s2;
	_ =	strace s9  }
0x27: {  	s1 =	sld [smem:$0x3FAD]  }
0x28: {  	s2 =	sld [smem:$0x3FAE]  }
0x29: {  	s4 =	sld [smem:$0x3FB0]  }
0x2a: {  	p0 =	seq.s32 s5, $0x0;
	s5 =	sld [smem:$0x3FB1]  }
0x2b: {  	s6 =	sld [smem:$0x3FB2]  }
0x2c: {  	s7 =	sld [smem:$0x3FB3]  }
0x2d: {  	s3 =	simm.s32 $0x108;
	s8 =	sld [smem:$0x3FB4]  }
0x2e: {  	s3 =	simm.s32 @!p0 $0x1082;
	s9 =	sld [smem:$0x3FB5]  }
0x2f: {  	lr =	sadd.s32 s0, s3;
	s0 =	sld [smem:$0x3FAC]  }
0x30: {  	s3 =	sld [smem:$0x3FAF]  }
0x31: {  	[smem:$0x3FB8] =	sst s10  }
0x32: {  	s10 =	sld [smem:$0x3FB6];
	_ =	sdelay $0x3  }
0x33: {  	p0 =	seq.s32 s10, $0x1;
	s10 =	sld [smem:$0x3FB8];
	_ =	sdelay $0x3  }
0x34: {  	[smem:$0x3FB8] =	sst s10  }
0x35: {  	s10 =	sld [smem:$0x3FB7];
	_ =	sdelay $0x3  }
0x36: {  	p1 =	seq.s32 s10, $0x1;
	s10 =	sld [smem:$0x3FB8];
	_ =	sdelay $0x3  }
0x37: {  	[smem:$0x3FB8] =	sst s10  }
0x38: {  	s10 =	sld [smem:$0x3FB9]  }
0x39: {  	_ = 	snop;
	(pc) =	sbr.ind lr, $3  }
0x3a: {  	_ = 	snop  }
0x3b: {  	_ = 	snop  }
0x3c: {  	p2 =	seq.s32 s10, $0x1;
	s10 =	sld [smem:$0x3FB8]  }
0x3d: {  	_ =	shalt  }
0x3e: {  	_ =	shalt  }
0x3f: {  	_ =	shalt  }
0x40: {  	_ =	shalt  }
0x41: {  	_ =	shalt  }
0x42: {  	_ =	shalt  }
0x43: {  	_ =	shalt  }
0x44: {  	_ =	shalt  }
0x45: {  	_ =	shalt  }
0x46: {  	_ =	shalt  }
0x47: {  	_ =	shalt  }
0x48: {  	_ =	shalt  }
0x49: {  	_ =	shalt  }
0x4a: {  	_ =	shalt  }
0x4b: {  	_ =	shalt  }
0x4c: {  	_ =	shalt  }
0x4d: {  	_ =	shalt  }
0x4e: {  	_ =	shalt  }
0x4f: {  	_ =	shalt  }
0x50: {  	_ =	shalt  }
0x51: {  	_ =	shalt  }
0x52: {  	_ =	shalt  }
0x53: {  	_ =	shalt  }
0x54: {  	_ =	shalt  }
0x55: {  	_ =	shalt  }
0x56: {  	_ =	shalt  }
0x57: {  	_ =	shalt  }
0x58: {  	_ =	shalt  }
0x59: {  	_ =	shalt  }
0x5a: {  	_ =	shalt  }
0x5b: {  	_ =	shalt  }
0x5c: {  	_ =	shalt  }
0x5d: {  	_ =	shalt  }
0x5e: {  	_ =	shalt  }
0x5f: {  	_ =	shalt  }
0x60: {  	_ =	shalt  }
0x61: {  	_ =	shalt  }
0x62: {  	_ =	shalt  }
0x63: {  	_ =	shalt  }
0x64: {  	_ =	shalt  }
0x65: {  	_ =	shalt  }
0x66: {  	_ =	shalt  }
0x67: {  	_ =	shalt  }
0x68: {  	_ =	shalt  }
0x69: {  	_ =	shalt  }
0x6a: {  	_ =	shalt  }
0x6b: {  	_ =	shalt  }
0x6c: {  	_ =	shalt  }
0x6d: {  	_ =	shalt  }
0x6e: {  	_ =	shalt  }
0x6f: {  	_ =	shalt  }
0x70: {  	_ =	shalt  }
0x71: {  	_ =	shalt  }
0x72: {  	_ =	shalt  }
0x73: {  	_ =	shalt  }
0x74: {  	_ =	shalt  }
0x75: {  	_ =	shalt  }
0x76: {  	_ =	shalt  }
0x77: {  	_ =	shalt  }
0x78: {  	_ =	shalt  }
0x79: {  	_ =	shalt  }
0x7a: {  	_ =	shalt  }
0x7b: {  	_ =	shalt  }
0x7c: {  	_ =	shalt  }
0x7d: {  	_ =	shalt  }
0x7e: {  	_ =	shalt  }
0x7f: {  	_ =	shalt  }
0x80: {  	_ =	shalt  }
0x81: {  	_ =	shalt  }
0x82: {  	_ =	shalt  }
0x83: {  	_ =	shalt  }
0x84: {  	_ =	shalt  }
0x85: {  	_ =	shalt  }
0x86: {  	_ =	shalt  }
0x87: {  	_ =	shalt  }
.Lfunc_end0:
.L_simem_size_0:
called_computation.1_lowered:
.L_overlay_start_0:
0x88: {  	s2 =	sld [smem:$0x3FD9]  }
0x89: {  	s3 =	sld [smem:$0x3FFE];
	_ =	sdelay $0x1  }
0x8a: {  	s1 =	srdreg.scid  }
0x8b: {  	s0 =	sand.u32 $0x1, s1  }
0x8c: {  	s17 =	sshll.u32 s0, $0xA;
	s2 =	sadd.s32 s3, s2  }
0x8d: {  	s2 =	sadd.s32 s2, s17  }
0x8e: {  	[smem:$0x3FC4] =	sst s2  }
0x8f: {  	_ = 	snop  }
0x90: {  	s2 =	sld [smem:$0x3FD0];
	(tm) =	ssettm $0x1  }
0x91: {  	s18 =	sld [smem:$0x3FFB];
	_ =	sdelay $0x3  }
0x92: {  	_ =	strace s18  }
0x93: {  	s3 =	sld [smem:$0x3FFC];
	_ =	sdelay $0x3  }
0x94: {  	_ =	strace s3  }
0x95: {  	s3 =	sld [smem:$0x3FFD];
	_ =	sdelay $0x3  }
0x96: {  	_ =	strace s3  }
0x97: {  	_ =	strace $0x8FFFFFFF  }
0x98: {  	s19 =	sld [smem:$0x3FDB];
	_ =	sdelay $0x1  }
0x99: {  	s4 =	simm.s32 $_scs_section_size  }
0x9a: {  	s5 =	simm.s32 $_size__tile_overlayer_lowered;
	s6 =	simm.s32 $_tile_overlayer_lowered  }
0x9b: {  	s22 =	simm.s32 $0x1BFF;
	s21 =	sshll.u32 s6, $0x1;
	s3 =	sadd.s32 s4, s19  }
0x9c: {  	s7 =	simm.s32 $0x0;
	s20 =	sshll.u32 s5, $0x1;
	s5 =	sadd.s32 s21, s3  }
0x9d: {  	[timem:s7], [sflag:s22] =	dma.local [hbm:s5], s20  }
0x9e: {  	_ =	swait.ge [sflag:s22], s20  }
0x9f: {  	s4 =	ssub.s32 $0x0, s20;
	[sflag:s22] =	ssyncset.done $0x0  }
0xa0: {  	[sflag:s22] =	ssyncadd.s32 s4;
	_ =	sdelay $0x1  }
0xa1: {  	s23 =	simm.s32 $0x1B8B  }
0xa2: {  	_ =	swait.ge [sflag:s23], $0x1  }
0xa3: {  	[sflag:s23] =	ssyncset.done $0x0  }
0xa4: {  	s25 =	simm.s32 $0x1B8E;
	s24 =	sld [smem:$0x3FFE];
	[sflag:s23] =	ssyncadd.s32 $0xFFFFFFFF  }
0xa5: {  	s26 =	simm.s32 $execute0_lowered;
	[smem:$0x3FD2] =	sst s25  }
0xa6: {  	s5 =	sshll.u32 s26, $0x1;
	_ =	strace $0x80000049;
	[dreg:$0x1] =	wrdreg $0xFFFFFFFF  }
0xa7: {  	s28 =	simm.s32 $_size_execute0_lowered;
	s3 =	sadd.s32 s3, s5;
	[dreg:$0x0] =	wrdreg $0x0  }
0xa8: {  	s5 =	sshll.u32 s28, $0x1;
	[dreg:$0x2] =	wrdreg s3  }
0xa9: {  	[dreg:$0x3] =	wrdreg s5  }
0xaa: {  	[dreg:$0x4] =	wrdreg $0xC0  }
0xab: {  	_ =	task [dreg:s7], $0x5FFFF  }
0xac: {  	[dreg:$0x1] =	wrdreg $0xFFFFFFFF  }
0xad: {  	[dreg:$0x0] =	wrdreg $0x60  }
0xae: {  	[dreg:$0x2] =	wrdreg s24  }
0xaf: {  	[dreg:$0x3] =	wrdreg s2  }
0xb0: {  	[dreg:$0x4] =	wrdreg $0x9  }
0xb1: {  	_ =	task.clear_ibuf [dreg:s7], $0x5FFFF;
	_ =	strace $0x90000049  }
0xb2: {  	s29 =	simm.s32 $0x9;
	_ =	strace $0x8000004B  }
0xb3: {  	_ =	swait.ge [sflag:s29], $0x1  }
0xb4: {  	[sflag:s29] =	ssyncadd.s32 $0xFFFFFFFF  }
0xb5: {  	_ =	strace $0x9000004B  }
0xb6: {  	_ =	sfence  }
0xb7: {  	s30 =	sld [smem:$0x0];
	_ =	sdelay $0x2  }
0xb8: {  	s31 =	sshll.u32 s1, $0xD;
	s1 =	sshrl.u32 s1, $0x2  }
0xb9: {  	s3 =	sand.u32 $0x4000, s31;
	s1 =	sadd.s32 s1, s30  }
0xba: {  	s0 =	sor.u32 s3, s0;
	s1 =	sshll.u32 s1, $0x11  }
0xbb: {  	s0 =	sor.u32 s1, s0  }
0xbc: {  	s0 =	sadd.s32 $0x8F2B, s0  }
0xbd: {  	[sflag:s0] =	ssyncadd.remote.s32 $0x1  }
0xbe: {  	_ =	sfence.sel $0xFFFF  }
0xbf: {  	[dreg:$0x0] =	wrdreg $0xFFFFFFFF;
	(pc) =	sbr.abs _section_cstart, $3  }
0xc0: {  	[dreg:$0x1] =	wrdreg $0xFFFFFFFF  }
0xc1: {  	_ =	task.clear_ibuf [dreg:s7], $0x2FFFF;
	_ =	strace $0x9FFFFFFF  }
0xc2: {  	(tm) =	ssettm $0x7FFFFFFF  }
0xc3: {  	_ =	shalt  }
tec
execute0_lowered:
.L_overlay_start_1:
0x0: {  	(tag) =	ssettag $0x1  }
0x1: {  	s3 =	rddreg [dreg:$0x0]  }
0x2: {  	s4 =	rddreg [dreg:$0x1]  }
0x3: {  	s0 =	rddreg [dreg:$0x2];
	s5 =	srdreg.scid  }
0x4: {  	s2 =	simm.s32 $0x0;
	s1 =	stileid.u32;
	s8 =	simm.s32 $0x1  }
0x5: {  	s9 =	simm.s32 $0x2000;
	s10 =	simm.s32 $0x0;
	s5 =	sand.u32 $0x1, s5  }
0x6: {  	[smem:$0x7FF] =	sst s2;
	s6 =	sshll.u32 s1, $0x9;
	s7 =	sshll.u32 s5, $0x8  }
0x7: {  	_ =	strace $0x8000004A;
	s5 =	ssub.s32 $0x2, s5;
	s6 =	sor.u32 s7, s6  }
0x8: {  	s31 =	sshrl.u32 s5, $0x1;
	s7 =	simm.s32 $0x10000;
	s3 =	sadd.s32 s6, s3  }
0x9: {  	s6 =	sshrl.u32 s6, $0x3;
	s5 =	ssub.s32 s5, s31;
	s3 =	sadd.s32 $0x60A00, s3  }
0xa: {  	s4 =	sadd.s32 s4, s6;
	s5 =	smax.u32 s5, $0x1;
	s6 =	simm.s32 $0x800  }
.LBB2_1:
0xb: {  	[tilespmem:s2], [sflag:$0x1] =	stream.strided.gather [hbm4b:s3+s6], $0x2000, s7, s6, $0x38;
	[tilespmem:$0x2100] =	vst v63  }
0xc: {  	_ =	swait.ge [sflag:s8], $0x2000  }
0xd: {  	s11 =	sand.u32 $0x1800, s2;
	s12 =	sand.u32 $0x380, s2;
	[sflag:s8] =	ssyncset.done $0x0  }
0xe: {  	s11 =	sor.u32 s12, s11;
	[sflag:s8] =	ssyncadd.s32 $0xFFFFE000  }
0xf: {  	v0 =	vld [tilespmem:s11+$0x470]  }
0x10: {  	v2 =	vld [tilespmem:s11+$0x0]  }
0x11: {  	v3 =	vld [tilespmem:s11+$0x10]  }
0x12: {  	v4 =	vld [tilespmem:s11+$0x20]  }
0x13: {  	v5 =	vld [tilespmem:s11+$0x30]  }
0x14: {  	v6 =	vld [tilespmem:s11+$0x40]  }
0x15: {  	v7 =	vld [tilespmem:s11+$0x50]  }
0x16: {  	v8 =	vld [tilespmem:s11+$0x60]  }
0x17: {  	v1 =	vimm.f32 $0.0e+00;
	v11 =	vld [tilespmem:s11+$0x70]  }
0x18: {  	v12 =	vld [tilespmem:s11+$0x400];
	v0 =	vadd.f32 v0, v1  }
0x19: {  	v15 =	vadd.f32 v2, v1;
	v14 =	vadd.f32 v3, v1  }
0x1a: {  	v19 =	vld [tilespmem:s11+$0x410];
	v13 =	vadd.f32 v4, v1;
	v9 =	vadd.f32 v5, v1  }
0x1b: {  	v18 =	vld [tilespmem:s11+$0x420];
	v10 =	vadd.f32 v6, v1;
	v6 =	vadd.f32 v7, v1  }
0x1c: {  	v16 =	vld [tilespmem:s11+$0x430];
	v7 =	vadd.f32 v8, v1;
	v3 =	vadd.f32 v11, v1  }
0x1d: {  	s13 =	simm.s32 $0x100;
	s12 =	simm.s32 $0x80;
	v17 =	vld [tilespmem:s11+$0x440];
	v8 =	vadd.f32 v12, v1;
	v11 =	vimm.f32 $0.0e+00;
	v4 =	vimm.f32 $0.0e+00  }
0x1e: {  	s14 =	sand.u32 $0x1800, s13;
	s13 =	simm.s32 $0x200;
	s15 =	sand.u32 $0x380, s12;
	v20 =	vld [tilespmem:s11+$0x450];
	v12 =	vimm.f32 $0.0e+00;
	v5 =	vimm.f32 $0.0e+00;
	v2 =	vimm.f32 $0.0e+00  }
.LBB2_2:
0x1f: {  	p0 =	sne.s32 s13, $0x1F00;
	v1 =	vadd.f32 v19, v1;
	v19 =	vld [tilespmem:s11+$0x460];
	s11 =	sor.u32 s15, s14  }
0x20: {  	v21 =	vld [tilespmem:s11+$0x470];
	v11 =	vadd.f32 v18, v11  }
0x21: {  	v18 =	vld [tilespmem:s11+$0x0];
	v4 =	vadd.f32 v16, v4  }
0x22: {  	v16 =	vld [tilespmem:s11+$0x10];
	v12 =	vadd.f32 v17, v12  }
0x23: {  	v17 =	vld [tilespmem:s11+$0x20];
	v5 =	vadd.f32 v20, v5  }
0x24: {  	v20 =	vld [tilespmem:s11+$0x30];
	v2 =	vadd.f32 v19, v2  }
0x25: {  	v19 =	vld [tilespmem:s11+$0x40];
	v0 =	vadd.f32 v21, v0  }
0x26: {  	v15 =	vadd.f32 v18, v15;
	v18 =	vld [tilespmem:s11+$0x50]  }
0x27: {  	v14 =	vadd.f32 v16, v14;
	v16 =	vld [tilespmem:s11+$0x60]  }
0x28: {  	v13 =	vadd.f32 v17, v13;
	v17 =	vld [tilespmem:s11+$0x70]  }
0x29: {  	v9 =	vadd.f32 v20, v9;
	v20 =	vld [tilespmem:s11+$0x400]  }
.Ltmp0:
0x2a: {  	v10 =	vadd.f32 v19, v10;
	v19 =	vld [tilespmem:s11+$0x410];
	(pc) =	sbr.rel @p0 .LBB2_2-.Ltmp0, $4  }
0x2b: {  	v6 =	vadd.f32 v18, v6;
	v18 =	vld [tilespmem:s11+$0x420]  }
0x2c: {  	v7 =	vadd.f32 v16, v7;
	v16 =	vld [tilespmem:s11+$0x430]  }
0x2d: {  	s12 =	sadd.s32 $0x80, s12;
	v3 =	vadd.f32 v17, v3;
	v17 =	vld [tilespmem:s11+$0x440]  }
0x2e: {  	s14 =	sand.u32 $0x1800, s13;
	s13 =	sadd.s32 $0x100, s13;
	s15 =	sand.u32 $0x380, s12;
	v8 =	vadd.f32 v20, v8;
	v20 =	vld [tilespmem:s11+$0x450]  }
0x2f: {  	s12 =	sor.u32 s15, s14;
	v21 =	vld [tilespmem:s11+$0x460]  }
0x30: {  	v22 =	vld [tilespmem:s12+$0x470]  }
0x31: {  	v23 =	vld [tilespmem:s12+$0x0]  }
0x32: {  	v24 =	vld [tilespmem:s12+$0x10]  }
0x33: {  	v25 =	vld [tilespmem:s12+$0x20]  }
0x34: {  	v26 =	vld [tilespmem:s12+$0x30]  }
0x35: {  	v27 =	vld [tilespmem:s12+$0x40]  }
0x36: {  	v28 =	vld [tilespmem:s12+$0x50]  }
0x37: {  	v29 =	vld [tilespmem:s12+$0x60]  }
0x38: {  	v30 =	vld [tilespmem:s12+$0x70]  }
0x39: {  	v31 =	vld [tilespmem:s12+$0x400]  }
0x3a: {  	v32 =	vld [tilespmem:s12+$0x410]  }
0x3b: {  	v33 =	vld [tilespmem:s12+$0x420]  }
0x3c: {  	v34 =	vld [tilespmem:s12+$0x430]  }
0x3d: {  	v35 =	vld [tilespmem:s12+$0x440];
	v15 =	vadd.f32 v23, v15  }
0x3e: {  	v57 =	vld [tilespmem:s12+$0x450];
	v14 =	vadd.f32 v24, v14  }
0x3f: {  	v58 =	vld [tilespmem:s12+$0x460];
	v13 =	vadd.f32 v25, v13;
	[tilespmem:$0x2000] =	vst v15  }
0x40: {  	v9 =	vadd.f32 v26, v9;
	[tilespmem:$0x2010] =	vst v14  }
0x41: {  	v10 =	vadd.f32 v27, v10;
	[tilespmem:$0x2020] =	vst v13  }
0x42: {  	v6 =	vadd.f32 v28, v6;
	[tilespmem:$0x2030] =	vst v9  }
0x43: {  	v7 =	vadd.f32 v29, v7;
	[tilespmem:$0x2040] =	vst v10  }
0x44: {  	v1 =	vadd.f32 v19, v1;
	v3 =	vadd.f32 v30, v3;
	[tilespmem:$0x2050] =	vst v6  }
0x45: {  	v4 =	vadd.f32 v16, v4;
	v8 =	vadd.f32 v31, v8;
	[tilespmem:$0x2060] =	vst v7  }
0x46: {  	v60 =	vadd.f32 v17, v12;
	v1 =	vadd.f32 v32, v1;
	[tilespmem:$0x2070] =	vst v3  }
0x47: {  	v5 =	vadd.f32 v20, v5;
	v4 =	vadd.f32 v34, v4;
	[tilespmem:$0x2080] =	vst v8  }
0x48: {  	v62 =	vadd.f32 v35, v60;
	[tilespmem:$0x2090] =	vst v1  }
0x49: {  	v59 =	vadd.f32 v18, v11;
	v63 =	vadd.f32 v57, v5;
	[tilespmem:$0x20B0] =	vst v4  }
0x4a: {  	v61 =	vadd.f32 v21, v2;
	v0 =	vadd.f32 v22, v0;
	[tilespmem:$0x20C0] =	vst v62  }
0x4b: {  	v6 =	vadd.f32 v33, v59;
	[tilespmem:$0x20D0] =	vst v63  }
0x4c: {  	s10 =	sadd.s32 $0x1, s10;
	v1 =	vadd.f32 v58, v61;
	[tilespmem:$0x20F0] =	vst v0  }
0x4d: {  	p0 =	sne.s32 s10, s5;
	[tilespmem:$0x20A0] =	vst v6  }
.Ltmp1:
0x4e: {  	[tilespmem:$0x20E0] =	vst v1;
	(pc) =	sbr.rel @p0 .LBB2_1-.Ltmp1, $4  }
0x4f: {  	[hbm4b:s4+s2] =	stream.linear.scatter [tilespmem:s9], [sflag:$0x1], $0x100, $0x38;
	[tilespmem:$0x2100] =	vst v63  }
0x50: {  	_ =	swait.ge [sflag:s8], $0x100  }
0x51: {  	[sflag:s8] =	ssyncset.done $0x0  }
0x52: {  	[sflag:s8] =	ssyncadd.s32 $0xFFFFFF00  }
0x53: {  	_ =	sfence.sel $0x180000  }
0x54: {  	[bflag:$0x0] =	sbarrier.arrive $0xFFFF  }
0x55: {  	p0 =	sne.s32 s1, $0x0;
	_ =	strace $0x9000004A  }
0x56: {  	s0 =	sadd.s32 @!p0 $0x100000, s0;
	[bflag:$0x2] =	sbarrier.arrive $0xFFFF  }
0x57: {  	[sflag:s0] =	ssyncadd.tile.s32 @!p0 $0x1;
	_ =	shalt  }
.Lfunc_end2:
_tile_overlayer_lowered:
.L_overlay_start_2:
0x58: {  	(tag) =	ssettag $0x2  }
0x59: {  	s0 =	rddreg [dreg:$0x0];
	s2 =	stileid.u32  }
0x5a: {  	s1 =	rddreg [dreg:$0x1];
	p0 =	sne.s32 s2, $0x0  }
0x5b: {  	s3 =	rddreg [dreg:$0x2];
	[bflag:$0x3] =	sbarrier.arrive $0xFFFF;
	s2 =	simm.s32 @!p0 $0x1C01  }
0x5c: {  	[timem:s3], [sflag:s2] =	dma.local @!p0 [hbm:s0], s1  }
0x5d: {  	s0 =	simm.s32 @!p0 $0x1  }
0x5e: {  	_ =	swait.ge @!p0 [sflag:s0], s1  }
0x5f: {  	s1 =	ssub.s32 @!p0 $0x0, s1;
	[sflag:s0] =	ssyncset.done @!p0 $0x0  }
0x60: {  	[sflag:s0] =	ssyncadd.s32 @!p0 s1  }
0x61: {  	[bflag:$0x3] =	sbarrier.arrive $0xFFFF  }
0x62: {  	_ =	shalt  }

</sc_bundles>
